<compile_context>
chip_gen: v7x
topology: tpu7x:2x2x1
jax: 0.10.2.dev20260603
libtpu: 0.0.44.dev20260713+nightly
codegen_flags: <defaults>
</compile_context>

<pallas_src>
import functools

import jax
import jax.numpy as jnp
from jax import lax
from jax.experimental import pallas as pl
from jax.experimental.pallas import tpu as pltpu
from jax.experimental.pallas import tpu_sc as plsc

_ROWS = 32
_N = 32768
_K = 16384
_L = 16
_NV = _N // _L
_U = 8
_SCALE = 10000.0
_TEMP = 0.3333333333333333
_C2 = -(_SCALE / _TEMP)

_NB = 1024
_HSTRIDE = _NB + 1
_HIST = 16512


def _build():
  mesh = plsc.VectorSubcoreMesh(core_axis_name="c", subcore_axis_name="s")

  @functools.partial(
      pl.kernel,
      mesh=mesh,
      compiler_params=pltpu.CompilerParams(needs_layout_passes=False),
      out_type=jax.ShapeDtypeStruct((_ROWS, _N), jnp.float32),
      scratch_types=[
          pltpu.VMEM((_N,), jnp.float32),
          pltpu.VMEM((_N,), jnp.float32),
          pltpu.VMEM((_HIST,), jnp.int32),
          pltpu.SemaphoreType.DMA,
      ],
  )
  def k(z_hbm, out_hbm, buf, sbuf, hist, sem):
    wid = lax.axis_index("s") * 2 + lax.axis_index("c")
    lane_base = lax.iota(jnp.int32, _L) * _HSTRIDE
    zeros_i = jnp.zeros((_L,), jnp.int32)
    ones_i = jnp.ones((_L,), jnp.int32)

    copy_in = pltpu.async_copy(z_hbm.at[wid], buf, sem)

    def zinit(i, c):
      for j in range(_U):
        hist[pl.ds(i * (_L * _U) + j * _L, _L)] = zeros_i
      return c

    lax.fori_loop(0, _HIST // (_L * _U), zinit, 0)
    copy_in.wait()

    _U1 = 16

    def p1(i, c):
      zs = [buf[pl.ds(i * (_L * _U1) + j * _L, _L)] for j in range(_U1)]
      ss = [1.0 / (1.0 + jnp.exp(z * _C2)) for z in zs]
      for j in range(_U1):
        sbuf[pl.ds(i * (_L * _U1) + j * _L, _L)] = ss[j]
      keys = [lax.bitcast_convert_type(s, jnp.int32) for s in ss]
      addrs = [lane_base + lax.shift_right_logical(kk, 20) for kk in keys]
      for j in range(_U1):
        plsc.addupdate_scatter(hist, [addrs[j]], ones_i)
      return c

    lax.fori_loop(0, _NV // _U1, p1, 0)

    def fold(target):
      def mbody(j, carry):
        run, bvec, belowvec = carry
        tot = zeros_i
        for l in range(_L):
          sl = pl.ds(l * _HSTRIDE + j * _L, _L)
          tot = tot + hist[sl]
          hist[sl] = zeros_i
        cum = jnp.cumsum(tot) + run
        ind = (cum < target).astype(jnp.int32)
        bvec = bvec + ind
        belowvec = belowvec + tot * ind
        run = run + jnp.sum(tot)
        return run, bvec, belowvec

      init = (jnp.int32(0), zeros_i, zeros_i)
      _, bvec, belowvec = lax.fori_loop(0, _NB // _L, mbody, init)
      return jnp.sum(bvec), jnp.sum(belowvec)

    b1, below1 = fold(jnp.int32(_K))
    t2 = _K - below1

    _U2 = 16

    def p2(i, c):
      ks = [
          lax.bitcast_convert_type(
              sbuf[pl.ds(i * (_L * _U2) + j * _L, _L)], jnp.int32
          )
          for j in range(_U2)
      ]
      b1s = b1 * (1 << 20)
      rr = [lax.shift_right_logical(kk - b1s, 10) for kk in ks]
      addrs = [lane_base + jnp.minimum(r, _NB) for r in rr]
      for j in range(_U2):
        plsc.addupdate_scatter(hist, [addrs[j]], ones_i)
      return c

    lax.fori_loop(0, _NV // _U2, p2, 0)
    b2, below2 = fold(t2)
    t3 = t2 - below2
    pref = b1 * _NB + b2

    def p3(i, c):
      ks = [
          lax.bitcast_convert_type(
              sbuf[pl.ds(i * (_L * _U2) + j * _L, _L)], jnp.int32
          )
          for j in range(_U2)
      ]
      prefs = pref * (1 << 10)
      r2u = [
          lax.bitcast_convert_type(kk - prefs, jnp.uint32) for kk in ks
      ]
      addrs = [
          lane_base
          + lax.bitcast_convert_type(
              jnp.minimum(r2, jnp.uint32(_NB)), jnp.int32
          )
          for r2 in r2u
      ]
      for j in range(_U2):
        plsc.addupdate_scatter(hist, [addrs[j]], ones_i)
      return c

    lax.fori_loop(0, _NV // _U2, p3, 0)
    b3, below3 = fold(t3)
    thr = pref * _NB + b3
    r = t3 - below3

    _NCH = 2
    _CVR = _NV // _NCH
    _CEL = _CVR * _L

    _U4 = 8

    def p4(i, rc):
      ss = [sbuf[pl.ds(i * (_L * _U4) + j * _L, _L)] for j in range(_U4)]
      ks = [lax.bitcast_convert_type(s, jnp.int32) for s in ss]
      eqm = [kk == thr for kk in ks]
      csum = [jnp.cumsum(m.astype(jnp.int32)) for m in eqm]
      cnts = [plsc.all_reduce_population_count(m) for m in eqm]
      outs = []
      for j in range(_U4):
        pos = csum[j] + rc
        zero = (ks[j] < thr) | (eqm[j] & (pos <= r))
        outs.append(jnp.where(zero, 0.0, ss[j]))
        rc = rc + cnts[j]
      for j in range(_U4):
        buf[pl.ds(i * (_L * _U4) + j * _L, _L)] = outs[j]
      return rc

    rc = zeros_i
    copies = []
    for ch in range(_NCH):
      lo, hi = ch * (_CVR // _U4), (ch + 1) * (_CVR // _U4)
      rc = lax.fori_loop(lo, hi, p4, rc)
      copies.append(
          pltpu.async_copy(
              buf.at[pl.ds(ch * _CEL, _CEL)],
              out_hbm.at[wid, pl.ds(ch * _CEL, _CEL)],
              sem,
          )
      )
    for cp in copies:
      cp.wait()

  return k


_mask_sc = _build()


def kernel(z_loga):
  return _mask_sc(z_loga)

# --- scband reference (transcript-rebuilt; emitter-appended) ---
"""Pipeline reference for scband-mask-86260123174561 (READ-ONLY COPY).

The authoritative reference and input builder live on the scoring server;
editing this copy changes nothing except your own understanding.
"""

import jax, jax.numpy as jnp
import numpy as np

ALPHA = 0.0001
TEMPERATURE = 1.0 / 3.0
MASK_SIZE = 32768
TARGET_MASK_SIZE = 16384
MASK_OUTPUT_SHAPE = (32, 32768)


def setup_inputs(seed: int = 0) -> dict:
    key = jax.random.key(seed)
    # param_init_fn: normal(mean=6*temperature*alpha, std=alpha/10)
    mean = 6.0 * TEMPERATURE * ALPHA
    z_loga = mean + (ALPHA / 10.0) * jax.random.normal(key, (32, 32768), dtype=jnp.float32)
    return {"z_loga": z_loga}


def _deterministic_z_row(z_row):
    # eval path of Mask._deterministic_z with eval_target_model=True and
    # target_mask_size set: num_zeros = mask_size - target_mask_size (constant)
    num_zeros = MASK_SIZE - TARGET_MASK_SIZE
    fake_inputs = 1.0 / ALPHA
    soft_mask = jax.nn.sigmoid(z_row * fake_inputs / TEMPERATURE)
    # torch.topk(soft_mask, k=num_zeros, largest=False) -> smallest entries
    _, indices = jax.lax.top_k(-soft_mask, num_zeros)
    soft_mask = soft_mask.at[indices].set(0.0)
    return soft_mask.astype(jnp.float32)


def reference(z_loga):
    # Mask.forward in eval mode -> deterministic_z(): iterate over rows of
    # z_loga.reshape(-1, last_dim), apply _deterministic_z, stack, reshape.
    z2 = z_loga.reshape(-1, z_loga.shape[-1])
    z = jax.vmap(_deterministic_z_row)(z2)
    return z.reshape(MASK_OUTPUT_SHAPE)

if __name__ == "__main__":
    import jax
    _d = setup_inputs()
    print(jax.jit(kernel)(*tuple(_d.values())))

</pallas_src>

<mosaic_0001>
#map = affine_map<(d0, d1) -> (0, 0)>
module attributes {stable_mosaic.version = 14 : i64} {
  func.func @k(%arg0: i32, %arg1: i32, %arg2: memref<32x32768xf32, #tpu.memory_space<hbm>>, %arg3: memref<32x32768xf32, #tpu.memory_space<hbm>>, %arg4: memref<32768xf32, #tpu.memory_space<vmem>>, %arg5: memref<32768xf32, #tpu.memory_space<vmem>>, %arg6: memref<16512xi32, #tpu.memory_space<vmem>>, %arg7: memref<!tpu.dma_semaphore, #tpu.memory_space<semaphore_mem>>) attributes {dimension_semantics = [#tpu.dimension_semantics<core_parallel>, #tpu.dimension_semantics<subcore_parallel>], iteration_bounds = array<i64: 2, 16>, scalar_prefetch = 0 : i64, scratch_operands = 4 : i64, tpu.core_type = #tpu.core_type<sc_vector_subcore>, window_params = [{transform_indices = #map}, {transform_indices = #map}]} {
    %mul3A = arith.constant 2 : i32
    %mul3A_0 = arith.muli %arg1, %mul3A : i32
    %add3A = arith.addi %mul3A_0, %arg0 : i32
    %iota3A = tpu.iota {dimensions = array<i32: 0>} : vector<16xi32>
    %mul3A_1 = arith.constant 1025 : i32
    %mul3A_2 = vector.broadcast %mul3A_1 : i32 to vector<16xi32>
    %mul3A_3 = arith.muli %iota3A, %mul3A_2 : vector<16xi32>
    %broadcast_in_dim3A = arith.constant 0 : i32
    %broadcast_in_dim3A_4 = vector.broadcast %broadcast_in_dim3A : i32 to vector<16xi32>
    %broadcast_in_dim3A_5 = arith.constant 1 : i32
    %broadcast_in_dim3A_6 = vector.broadcast %broadcast_in_dim3A_5 : i32 to vector<16xi32>
    %dma_start3A = arith.constant 0 : i32
    %dma_start3A_7 = tpu.memref_slice %arg2[%add3A, %dma_start3A] : memref<32x32768xf32, #tpu.memory_space<hbm>> -> memref<1x32768xf32, #tpu.memory_space<hbm>>
    %dma_start3A_8 = tpu.memref_squeeze %dma_start3A_7 : memref<1x32768xf32, #tpu.memory_space<hbm>> -> memref<32768xf32, #tpu.memory_space<hbm>>
    %dma_start3A_9 = arith.constant 0 : i32
    %dma_start3A_10 = tpu.memref_slice %arg2[%add3A, %dma_start3A_9] : memref<32x32768xf32, #tpu.memory_space<hbm>> -> memref<1x32768xf32, #tpu.memory_space<hbm>>
    %dma_start3A_11 = tpu.memref_squeeze %dma_start3A_10 : memref<1x32768xf32, #tpu.memory_space<hbm>> -> memref<32768xf32, #tpu.memory_space<hbm>>
    tpu.enqueue_dma source(%dma_start3A_11 : memref<32768xf32, #tpu.memory_space<hbm>>) target(%arg4 : memref<32768xf32, #tpu.memory_space<vmem>>) target_semaphore(%arg7 : memref<!tpu.dma_semaphore, #tpu.memory_space<semaphore_mem>>)
    %scan3A = arith.constant 0 : i32
    %scan3A_12 = arith.constant 0 : i32
    %scan3A_13 = arith.constant 129 : i32
    %scan3A_14 = arith.addi %scan3A_12, %scan3A_13 : i32
    %scan3A_15 = arith.constant 1 : i32
    scf.for %scan3A_146 = %scan3A_12 to %scan3A_14 step %scan3A_15  : i32 {
      %mul3A_147 = arith.constant 128 : i32
      %mul3A_148 = arith.muli %scan3A_146, %mul3A_147 : i32
      %add3A_149 = arith.constant 0 : i32
      %add3A_150 = arith.addi %mul3A_148, %add3A_149 : i32
      %swap3A = arith.index_cast %add3A_150 : i32 to index
      %swap3A_151 = tpu.vector_load %arg6[%swap3A] {strides = array<i32>} : memref<16512xi32, #tpu.memory_space<vmem>>, vector<16xi32>,
      tpu.vector_store %arg6[%swap3A], %broadcast_in_dim3A_4 {strides = array<i32>} : memref<16512xi32, #tpu.memory_space<vmem>>, vector<16xi32>,
      %mul3A_152 = arith.constant 128 : i32
      %mul3A_153 = arith.muli %scan3A_146, %mul3A_152 : i32
      %add3A_154 = arith.constant 16 : i32
      %add3A_155 = arith.addi %mul3A_153, %add3A_154 : i32
      %swap3A_156 = arith.index_cast %add3A_155 : i32 to index
      %swap3A_157 = tpu.vector_load %arg6[%swap3A_156] {strides = array<i32>} : memref<16512xi32, #tpu.memory_space<vmem>>, vector<16xi32>,
      tpu.vector_store %arg6[%swap3A_156], %broadcast_in_dim3A_4 {strides = array<i32>} : memref<16512xi32, #tpu.memory_space<vmem>>, vector<16xi32>,
      %mul3A_158 = arith.constant 128 : i32
      %mul3A_159 = arith.muli %scan3A_146, %mul3A_158 : i32
      %add3A_160 = arith.constant 32 : i32
      %add3A_161 = arith.addi %mul3A_159, %add3A_160 : i32
      %swap3A_162 = arith.index_cast %add3A_161 : i32 to index
      %swap3A_163 = tpu.vector_load %arg6[%swap3A_162] {strides = array<i32>} : memref<16512xi32, #tpu.memory_space<vmem>>, vector<16xi32>,
      tpu.vector_store %arg6[%swap3A_162], %broadcast_in_dim3A_4 {strides = array<i32>} : memref<16512xi32, #tpu.memory_space<vmem>>, vector<16xi32>,
      %mul3A_164 = arith.constant 128 : i32
      %mul3A_165 = arith.muli %scan3A_146, %mul3A_164 : i32
      %add3A_166 = arith.constant 48 : i32
      %add3A_167 = arith.addi %mul3A_165, %add3A_166 : i32
      %swap3A_168 = arith.index_cast %add3A_167 : i32 to index
      %swap3A_169 = tpu.vector_load %arg6[%swap3A_168] {strides = array<i32>} : memref<16512xi32, #tpu.memory_space<vmem>>, vector<16xi32>,
      tpu.vector_store %arg6[%swap3A_168], %broadcast_in_dim3A_4 {strides = array<i32>} : memref<16512xi32, #tpu.memory_space<vmem>>, vector<16xi32>,
      %mul3A_170 = arith.constant 128 : i32
      %mul3A_171 = arith.muli %scan3A_146, %mul3A_170 : i32
      %add3A_172 = arith.constant 64 : i32
      %add3A_173 = arith.addi %mul3A_171, %add3A_172 : i32
      %swap3A_174 = arith.index_cast %add3A_173 : i32 to index
      %swap3A_175 = tpu.vector_load %arg6[%swap3A_174] {strides = array<i32>} : memref<16512xi32, #tpu.memory_space<vmem>>, vector<16xi32>,
      tpu.vector_store %arg6[%swap3A_174], %broadcast_in_dim3A_4 {strides = array<i32>} : memref<16512xi32, #tpu.memory_space<vmem>>, vector<16xi32>,
      %mul3A_176 = arith.constant 128 : i32
      %mul3A_177 = arith.muli %scan3A_146, %mul3A_176 : i32
      %add3A_178 = arith.constant 80 : i32
      %add3A_179 = arith.addi %mul3A_177, %add3A_178 : i32
      %swap3A_180 = arith.index_cast %add3A_179 : i32 to index
      %swap3A_181 = tpu.vector_load %arg6[%swap3A_180] {strides = array<i32>} : memref<16512xi32, #tpu.memory_space<vmem>>, vector<16xi32>,
      tpu.vector_store %arg6[%swap3A_180], %broadcast_in_dim3A_4 {strides = array<i32>} : memref<16512xi32, #tpu.memory_space<vmem>>, vector<16xi32>,
      %mul3A_182 = arith.constant 128 : i32
      %mul3A_183 = arith.muli %scan3A_146, %mul3A_182 : i32
      %add3A_184 = arith.constant 96 : i32
      %add3A_185 = arith.addi %mul3A_183, %add3A_184 : i32
      %swap3A_186 = arith.index_cast %add3A_185 : i32 to index
      %swap3A_187 = tpu.vector_load %arg6[%swap3A_186] {strides = array<i32>} : memref<16512xi32, #tpu.memory_space<vmem>>, vector<16xi32>,
      tpu.vector_store %arg6[%swap3A_186], %broadcast_in_dim3A_4 {strides = array<i32>} : memref<16512xi32, #tpu.memory_space<vmem>>, vector<16xi32>,
      %mul3A_188 = arith.constant 128 : i32
      %mul3A_189 = arith.muli %scan3A_146, %mul3A_188 : i32
      %add3A_190 = arith.constant 112 : i32
      %add3A_191 = arith.addi %mul3A_189, %add3A_190 : i32
      %swap3A_192 = arith.index_cast %add3A_191 : i32 to index
      %swap3A_193 = tpu.vector_load %arg6[%swap3A_192] {strides = array<i32>} : memref<16512xi32, #tpu.memory_space<vmem>>, vector<16xi32>,
      tpu.vector_store %arg6[%swap3A_192], %broadcast_in_dim3A_4 {strides = array<i32>} : memref<16512xi32, #tpu.memory_space<vmem>>, vector<16xi32>,
    }
    %scan3A_16 = arith.constant 129 : i32
    %dma_wait3A = arith.constant 0 : i32
    %dma_wait3A_17 = tpu.memref_slice %arg2[%add3A, %dma_wait3A] : memref<32x32768xf32, #tpu.memory_space<hbm>> -> memref<1x32768xf32, #tpu.memory_space<hbm>>
    %dma_wait3A_18 = tpu.memref_squeeze %dma_wait3A_17 : memref<1x32768xf32, #tpu.memory_space<hbm>> -> memref<32768xf32, #tpu.memory_space<hbm>>
    %dma_wait3A_19 = arith.constant 0 : i32
    %dma_wait3A_20 = tpu.memref_slice %arg2[%add3A, %dma_wait3A_19] : memref<32x32768xf32, #tpu.memory_space<hbm>> -> memref<1x32768xf32, #tpu.memory_space<hbm>>
    %dma_wait3A_21 = tpu.memref_squeeze %dma_wait3A_20 : memref<1x32768xf32, #tpu.memory_space<hbm>> -> memref<32768xf32, #tpu.memory_space<hbm>>
    tpu.wait_dma2 semaphore(%arg7 : memref<!tpu.dma_semaphore, #tpu.memory_space<semaphore_mem>>) src(%dma_wait3A_21 : memref<32768xf32, #tpu.memory_space<hbm>>) dst(%arg4 : memref<32768xf32, #tpu.memory_space<vmem>>)
    %scan3A_22 = arith.constant 0 : i32
    %scan3A_23 = arith.constant 0 : i32
    %scan3A_24 = arith.constant 128 : i32
    %scan3A_25 = arith.addi %scan3A_23, %scan3A_24 : i32
    %scan3A_26 = arith.constant 1 : i32
    scf.for %scan3A_146 = %scan3A_23 to %scan3A_25 step %scan3A_26  : i32 {
      %mul3A_147 = arith.constant 256 : i32
      %mul3A_148 = arith.muli %scan3A_146, %mul3A_147 : i32
      %add3A_149 = arith.constant 0 : i32
      %add3A_150 = arith.addi %mul3A_148, %add3A_149 : i32
      %get3A = arith.index_cast %add3A_150 : i32 to index
      %get3A_151 = tpu.vector_load %arg4[%get3A] {strides = array<i32>} : memref<32768xf32, #tpu.memory_space<vmem>>, vector<16xf32>,
      %mul3A_152 = arith.constant 256 : i32
      %mul3A_153 = arith.muli %scan3A_146, %mul3A_152 : i32
      %add3A_154 = arith.constant 16 : i32
      %add3A_155 = arith.addi %mul3A_153, %add3A_154 : i32
      %get3A_156 = arith.index_cast %add3A_155 : i32 to index
      %get3A_157 = tpu.vector_load %arg4[%get3A_156] {strides = array<i32>} : memref<32768xf32, #tpu.memory_space<vmem>>, vector<16xf32>,
      %mul3A_158 = arith.constant 256 : i32
      %mul3A_159 = arith.muli %scan3A_146, %mul3A_158 : i32
      %add3A_160 = arith.constant 32 : i32
      %add3A_161 = arith.addi %mul3A_159, %add3A_160 : i32
      %get3A_162 = arith.index_cast %add3A_161 : i32 to index
      %get3A_163 = tpu.vector_load %arg4[%get3A_162] {strides = array<i32>} : memref<32768xf32, #tpu.memory_space<vmem>>, vector<16xf32>,
      %mul3A_164 = arith.constant 256 : i32
      %mul3A_165 = arith.muli %scan3A_146, %mul3A_164 : i32
      %add3A_166 = arith.constant 48 : i32
      %add3A_167 = arith.addi %mul3A_165, %add3A_166 : i32
      %get3A_168 = arith.index_cast %add3A_167 : i32 to index
      %get3A_169 = tpu.vector_load %arg4[%get3A_168] {strides = array<i32>} : memref<32768xf32, #tpu.memory_space<vmem>>, vector<16xf32>,
      %mul3A_170 = arith.constant 256 : i32
      %mul3A_171 = arith.muli %scan3A_146, %mul3A_170 : i32
      %add3A_172 = arith.constant 64 : i32
      %add3A_173 = arith.addi %mul3A_171, %add3A_172 : i32
      %get3A_174 = arith.index_cast %add3A_173 : i32 to index
      %get3A_175 = tpu.vector_load %arg4[%get3A_174] {strides = array<i32>} : memref<32768xf32, #tpu.memory_space<vmem>>, vector<16xf32>,
      %mul3A_176 = arith.constant 256 : i32
      %mul3A_177 = arith.muli %scan3A_146, %mul3A_176 : i32
      %add3A_178 = arith.constant 80 : i32
      %add3A_179 = arith.addi %mul3A_177, %add3A_178 : i32
      %get3A_180 = arith.index_cast %add3A_179 : i32 to index
      %get3A_181 = tpu.vector_load %arg4[%get3A_180] {strides = array<i32>} : memref<32768xf32, #tpu.memory_space<vmem>>, vector<16xf32>,
      %mul3A_182 = arith.constant 256 : i32
      %mul3A_183 = arith.muli %scan3A_146, %mul3A_182 : i32
      %add3A_184 = arith.constant 96 : i32
      %add3A_185 = arith.addi %mul3A_183, %add3A_184 : i32
      %get3A_186 = arith.index_cast %add3A_185 : i32 to index
      %get3A_187 = tpu.vector_load %arg4[%get3A_186] {strides = array<i32>} : memref<32768xf32, #tpu.memory_space<vmem>>, vector<16xf32>,
      %mul3A_188 = arith.constant 256 : i32
      %mul3A_189 = arith.muli %scan3A_146, %mul3A_188 : i32
      %add3A_190 = arith.constant 112 : i32
      %add3A_191 = arith.addi %mul3A_189, %add3A_190 : i32
      %get3A_192 = arith.index_cast %add3A_191 : i32 to index
      %get3A_193 = tpu.vector_load %arg4[%get3A_192] {strides = array<i32>} : memref<32768xf32, #tpu.memory_space<vmem>>, vector<16xf32>,
      %mul3A_194 = arith.constant 256 : i32
      %mul3A_195 = arith.muli %scan3A_146, %mul3A_194 : i32
      %add3A_196 = arith.constant 128 : i32
      %add3A_197 = arith.addi %mul3A_195, %add3A_196 : i32
      %get3A_198 = arith.index_cast %add3A_197 : i32 to index
      %get3A_199 = tpu.vector_load %arg4[%get3A_198] {strides = array<i32>} : memref<32768xf32, #tpu.memory_space<vmem>>, vector<16xf32>,
      %mul3A_200 = arith.constant 256 : i32
      %mul3A_201 = arith.muli %scan3A_146, %mul3A_200 : i32
      %add3A_202 = arith.constant 144 : i32
      %add3A_203 = arith.addi %mul3A_201, %add3A_202 : i32
      %get3A_204 = arith.index_cast %add3A_203 : i32 to index
      %get3A_205 = tpu.vector_load %arg4[%get3A_204] {strides = array<i32>} : memref<32768xf32, #tpu.memory_space<vmem>>, vector<16xf32>,
      %mul3A_206 = arith.constant 256 : i32
      %mul3A_207 = arith.muli %scan3A_146, %mul3A_206 : i32
      %add3A_208 = arith.constant 160 : i32
      %add3A_209 = arith.addi %mul3A_207, %add3A_208 : i32
      %get3A_210 = arith.index_cast %add3A_209 : i32 to index
      %get3A_211 = tpu.vector_load %arg4[%get3A_210] {strides = array<i32>} : memref<32768xf32, #tpu.memory_space<vmem>>, vector<16xf32>,
      %mul3A_212 = arith.constant 256 : i32
      %mul3A_213 = arith.muli %scan3A_146, %mul3A_212 : i32
      %add3A_214 = arith.constant 176 : i32
      %add3A_215 = arith.addi %mul3A_213, %add3A_214 : i32
      %get3A_216 = arith.index_cast %add3A_215 : i32 to index
      %get3A_217 = tpu.vector_load %arg4[%get3A_216] {strides = array<i32>} : memref<32768xf32, #tpu.memory_space<vmem>>, vector<16xf32>,
      %mul3A_218 = arith.constant 256 : i32
      %mul3A_219 = arith.muli %scan3A_146, %mul3A_218 : i32
      %add3A_220 = arith.constant 192 : i32
      %add3A_221 = arith.addi %mul3A_219, %add3A_220 : i32
      %get3A_222 = arith.index_cast %add3A_221 : i32 to index
      %get3A_223 = tpu.vector_load %arg4[%get3A_222] {strides = array<i32>} : memref<32768xf32, #tpu.memory_space<vmem>>, vector<16xf32>,
      %mul3A_224 = arith.constant 256 : i32
      %mul3A_225 = arith.muli %scan3A_146, %mul3A_224 : i32
      %add3A_226 = arith.constant 208 : i32
      %add3A_227 = arith.addi %mul3A_225, %add3A_226 : i32
      %get3A_228 = arith.index_cast %add3A_227 : i32 to index
      %get3A_229 = tpu.vector_load %arg4[%get3A_228] {strides = array<i32>} : memref<32768xf32, #tpu.memory_space<vmem>>, vector<16xf32>,
      %mul3A_230 = arith.constant 256 : i32
      %mul3A_231 = arith.muli %scan3A_146, %mul3A_230 : i32
      %add3A_232 = arith.constant 224 : i32
      %add3A_233 = arith.addi %mul3A_231, %add3A_232 : i32
      %get3A_234 = arith.index_cast %add3A_233 : i32 to index
      %get3A_235 = tpu.vector_load %arg4[%get3A_234] {strides = array<i32>} : memref<32768xf32, #tpu.memory_space<vmem>>, vector<16xf32>,
      %mul3A_236 = arith.constant 256 : i32
      %mul3A_237 = arith.muli %scan3A_146, %mul3A_236 : i32
      %add3A_238 = arith.constant 240 : i32
      %add3A_239 = arith.addi %mul3A_237, %add3A_238 : i32
      %get3A_240 = arith.index_cast %add3A_239 : i32 to index
      %get3A_241 = tpu.vector_load %arg4[%get3A_240] {strides = array<i32>} : memref<32768xf32, #tpu.memory_space<vmem>>, vector<16xf32>,
      %mul3A_242 = arith.constant -3.000000e+04 : f32
      %mul3A_243 = vector.broadcast %mul3A_242 : f32 to vector<16xf32>
      %mul3A_244 = arith.mulf %get3A_151, %mul3A_243 : vector<16xf32>
      %exp3A = math.exp %mul3A_244 : vector<16xf32>
      %add3A_245 = arith.constant 1.000000e+00 : f32
      %add3A_246 = vector.broadcast %add3A_245 : f32 to vector<16xf32>
      %add3A_247 = arith.addf %add3A_246, %exp3A : vector<16xf32>
      %div3A = arith.constant 1.000000e+00 : f32
      %div3A_248 = vector.broadcast %div3A : f32 to vector<16xf32>
      %div3A_249 = arith.divf %div3A_248, %add3A_247 : vector<16xf32>
      %mul3A_250 = arith.constant -3.000000e+04 : f32
      %mul3A_251 = vector.broadcast %mul3A_250 : f32 to vector<16xf32>
      %mul3A_252 = arith.mulf %get3A_157, %mul3A_251 : vector<16xf32>
      %exp3A_253 = math.exp %mul3A_252 : vector<16xf32>
      %add3A_254 = arith.constant 1.000000e+00 : f32
      %add3A_255 = vector.broadcast %add3A_254 : f32 to vector<16xf32>
      %add3A_256 = arith.addf %add3A_255, %exp3A_253 : vector<16xf32>
      %div3A_257 = arith.constant 1.000000e+00 : f32
      %div3A_258 = vector.broadcast %div3A_257 : f32 to vector<16xf32>
      %div3A_259 = arith.divf %div3A_258, %add3A_256 : vector<16xf32>
      %mul3A_260 = arith.constant -3.000000e+04 : f32
      %mul3A_261 = vector.broadcast %mul3A_260 : f32 to vector<16xf32>
      %mul3A_262 = arith.mulf %get3A_163, %mul3A_261 : vector<16xf32>
      %exp3A_263 = math.exp %mul3A_262 : vector<16xf32>
      %add3A_264 = arith.constant 1.000000e+00 : f32
      %add3A_265 = vector.broadcast %add3A_264 : f32 to vector<16xf32>
      %add3A_266 = arith.addf %add3A_265, %exp3A_263 : vector<16xf32>
      %div3A_267 = arith.constant 1.000000e+00 : f32
      %div3A_268 = vector.broadcast %div3A_267 : f32 to vector<16xf32>
      %div3A_269 = arith.divf %div3A_268, %add3A_266 : vector<16xf32>
      %mul3A_270 = arith.constant -3.000000e+04 : f32
      %mul3A_271 = vector.broadcast %mul3A_270 : f32 to vector<16xf32>
      %mul3A_272 = arith.mulf %get3A_169, %mul3A_271 : vector<16xf32>
      %exp3A_273 = math.exp %mul3A_272 : vector<16xf32>
      %add3A_274 = arith.constant 1.000000e+00 : f32
      %add3A_275 = vector.broadcast %add3A_274 : f32 to vector<16xf32>
      %add3A_276 = arith.addf %add3A_275, %exp3A_273 : vector<16xf32>
      %div3A_277 = arith.constant 1.000000e+00 : f32
      %div3A_278 = vector.broadcast %div3A_277 : f32 to vector<16xf32>
      %div3A_279 = arith.divf %div3A_278, %add3A_276 : vector<16xf32>
      %mul3A_280 = arith.constant -3.000000e+04 : f32
      %mul3A_281 = vector.broadcast %mul3A_280 : f32 to vector<16xf32>
      %mul3A_282 = arith.mulf %get3A_175, %mul3A_281 : vector<16xf32>
      %exp3A_283 = math.exp %mul3A_282 : vector<16xf32>
      %add3A_284 = arith.constant 1.000000e+00 : f32
      %add3A_285 = vector.broadcast %add3A_284 : f32 to vector<16xf32>
      %add3A_286 = arith.addf %add3A_285, %exp3A_283 : vector<16xf32>
      %div3A_287 = arith.constant 1.000000e+00 : f32
      %div3A_288 = vector.broadcast %div3A_287 : f32 to vector<16xf32>
      %div3A_289 = arith.divf %div3A_288, %add3A_286 : vector<16xf32>
      %mul3A_290 = arith.constant -3.000000e+04 : f32
      %mul3A_291 = vector.broadcast %mul3A_290 : f32 to vector<16xf32>
      %mul3A_292 = arith.mulf %get3A_181, %mul3A_291 : vector<16xf32>
      %exp3A_293 = math.exp %mul3A_292 : vector<16xf32>
      %add3A_294 = arith.constant 1.000000e+00 : f32
      %add3A_295 = vector.broadcast %add3A_294 : f32 to vector<16xf32>
      %add3A_296 = arith.addf %add3A_295, %exp3A_293 : vector<16xf32>
      %div3A_297 = arith.constant 1.000000e+00 : f32
      %div3A_298 = vector.broadcast %div3A_297 : f32 to vector<16xf32>
      %div3A_299 = arith.divf %div3A_298, %add3A_296 : vector<16xf32>
      %mul3A_300 = arith.constant -3.000000e+04 : f32
      %mul3A_301 = vector.broadcast %mul3A_300 : f32 to vector<16xf32>
      %mul3A_302 = arith.mulf %get3A_187, %mul3A_301 : vector<16xf32>
      %exp3A_303 = math.exp %mul3A_302 : vector<16xf32>
      %add3A_304 = arith.constant 1.000000e+00 : f32
      %add3A_305 = vector.broadcast %add3A_304 : f32 to vector<16xf32>
      %add3A_306 = arith.addf %add3A_305, %exp3A_303 : vector<16xf32>
      %div3A_307 = arith.constant 1.000000e+00 : f32
      %div3A_308 = vector.broadcast %div3A_307 : f32 to vector<16xf32>
      %div3A_309 = arith.divf %div3A_308, %add3A_306 : vector<16xf32>
      %mul3A_310 = arith.constant -3.000000e+04 : f32
      %mul3A_311 = vector.broadcast %mul3A_310 : f32 to vector<16xf32>
      %mul3A_312 = arith.mulf %get3A_193, %mul3A_311 : vector<16xf32>
      %exp3A_313 = math.exp %mul3A_312 : vector<16xf32>
      %add3A_314 = arith.constant 1.000000e+00 : f32
      %add3A_315 = vector.broadcast %add3A_314 : f32 to vector<16xf32>
      %add3A_316 = arith.addf %add3A_315, %exp3A_313 : vector<16xf32>
      %div3A_317 = arith.constant 1.000000e+00 : f32
      %div3A_318 = vector.broadcast %div3A_317 : f32 to vector<16xf32>
      %div3A_319 = arith.divf %div3A_318, %add3A_316 : vector<16xf32>
      %mul3A_320 = arith.constant -3.000000e+04 : f32
      %mul3A_321 = vector.broadcast %mul3A_320 : f32 to vector<16xf32>
      %mul3A_322 = arith.mulf %get3A_199, %mul3A_321 : vector<16xf32>
      %exp3A_323 = math.exp %mul3A_322 : vector<16xf32>
      %add3A_324 = arith.constant 1.000000e+00 : f32
      %add3A_325 = vector.broadcast %add3A_324 : f32 to vector<16xf32>
      %add3A_326 = arith.addf %add3A_325, %exp3A_323 : vector<16xf32>
      %div3A_327 = arith.constant 1.000000e+00 : f32
      %div3A_328 = vector.broadcast %div3A_327 : f32 to vector<16xf32>
      %div3A_329 = arith.divf %div3A_328, %add3A_326 : vector<16xf32>
      %mul3A_330 = arith.constant -3.000000e+04 : f32
      %mul3A_331 = vector.broadcast %mul3A_330 : f32 to vector<16xf32>
      %mul3A_332 = arith.mulf %get3A_205, %mul3A_331 : vector<16xf32>
      %exp3A_333 = math.exp %mul3A_332 : vector<16xf32>
      %add3A_334 = arith.constant 1.000000e+00 : f32
      %add3A_335 = vector.broadcast %add3A_334 : f32 to vector<16xf32>
      %add3A_336 = arith.addf %add3A_335, %exp3A_333 : vector<16xf32>
      %div3A_337 = arith.constant 1.000000e+00 : f32
      %div3A_338 = vector.broadcast %div3A_337 : f32 to vector<16xf32>
      %div3A_339 = arith.divf %div3A_338, %add3A_336 : vector<16xf32>
      %mul3A_340 = arith.constant -3.000000e+04 : f32
      %mul3A_341 = vector.broadcast %mul3A_340 : f32 to vector<16xf32>
      %mul3A_342 = arith.mulf %get3A_211, %mul3A_341 : vector<16xf32>
      %exp3A_343 = math.exp %mul3A_342 : vector<16xf32>
      %add3A_344 = arith.constant 1.000000e+00 : f32
      %add3A_345 = vector.broadcast %add3A_344 : f32 to vector<16xf32>
      %add3A_346 = arith.addf %add3A_345, %exp3A_343 : vector<16xf32>
      %div3A_347 = arith.constant 1.000000e+00 : f32
      %div3A_348 = vector.broadcast %div3A_347 : f32 to vector<16xf32>
      %div3A_349 = arith.divf %div3A_348, %add3A_346 : vector<16xf32>
      %mul3A_350 = arith.constant -3.000000e+04 : f32
      %mul3A_351 = vector.broadcast %mul3A_350 : f32 to vector<16xf32>
      %mul3A_352 = arith.mulf %get3A_217, %mul3A_351 : vector<16xf32>
      %exp3A_353 = math.exp %mul3A_352 : vector<16xf32>
      %add3A_354 = arith.constant 1.000000e+00 : f32
      %add3A_355 = vector.broadcast %add3A_354 : f32 to vector<16xf32>
      %add3A_356 = arith.addf %add3A_355, %exp3A_353 : vector<16xf32>
      %div3A_357 = arith.constant 1.000000e+00 : f32
      %div3A_358 = vector.broadcast %div3A_357 : f32 to vector<16xf32>
      %div3A_359 = arith.divf %div3A_358, %add3A_356 : vector<16xf32>
      %mul3A_360 = arith.constant -3.000000e+04 : f32
      %mul3A_361 = vector.broadcast %mul3A_360 : f32 to vector<16xf32>
      %mul3A_362 = arith.mulf %get3A_223, %mul3A_361 : vector<16xf32>
      %exp3A_363 = math.exp %mul3A_362 : vector<16xf32>
      %add3A_364 = arith.constant 1.000000e+00 : f32
      %add3A_365 = vector.broadcast %add3A_364 : f32 to vector<16xf32>
      %add3A_366 = arith.addf %add3A_365, %exp3A_363 : vector<16xf32>
      %div3A_367 = arith.constant 1.000000e+00 : f32
      %div3A_368 = vector.broadcast %div3A_367 : f32 to vector<16xf32>
      %div3A_369 = arith.divf %div3A_368, %add3A_366 : vector<16xf32>
      %mul3A_370 = arith.constant -3.000000e+04 : f32
      %mul3A_371 = vector.broadcast %mul3A_370 : f32 to vector<16xf32>
      %mul3A_372 = arith.mulf %get3A_229, %mul3A_371 : vector<16xf32>
      %exp3A_373 = math.exp %mul3A_372 : vector<16xf32>
      %add3A_374 = arith.constant 1.000000e+00 : f32
      %add3A_375 = vector.broadcast %add3A_374 : f32 to vector<16xf32>
      %add3A_376 = arith.addf %add3A_375, %exp3A_373 : vector<16xf32>
      %div3A_377 = arith.constant 1.000000e+00 : f32
      %div3A_378 = vector.broadcast %div3A_377 : f32 to vector<16xf32>
      %div3A_379 = arith.divf %div3A_378, %add3A_376 : vector<16xf32>
      %mul3A_380 = arith.constant -3.000000e+04 : f32
      %mul3A_381 = vector.broadcast %mul3A_380 : f32 to vector<16xf32>
      %mul3A_382 = arith.mulf %get3A_235, %mul3A_381 : vector<16xf32>
      %exp3A_383 = math.exp %mul3A_382 : vector<16xf32>
      %add3A_384 = arith.constant 1.000000e+00 : f32
      %add3A_385 = vector.broadcast %add3A_384 : f32 to vector<16xf32>
      %add3A_386 = arith.addf %add3A_385, %exp3A_383 : vector<16xf32>
      %div3A_387 = arith.constant 1.000000e+00 : f32
      %div3A_388 = vector.broadcast %div3A_387 : f32 to vector<16xf32>
      %div3A_389 = arith.divf %div3A_388, %add3A_386 : vector<16xf32>
      %mul3A_390 = arith.constant -3.000000e+04 : f32
      %mul3A_391 = vector.broadcast %mul3A_390 : f32 to vector<16xf32>
      %mul3A_392 = arith.mulf %get3A_241, %mul3A_391 : vector<16xf32>
      %exp3A_393 = math.exp %mul3A_392 : vector<16xf32>
      %add3A_394 = arith.constant 1.000000e+00 : f32
      %add3A_395 = vector.broadcast %add3A_394 : f32 to vector<16xf32>
      %add3A_396 = arith.addf %add3A_395, %exp3A_393 : vector<16xf32>
      %div3A_397 = arith.constant 1.000000e+00 : f32
      %div3A_398 = vector.broadcast %div3A_397 : f32 to vector<16xf32>
      %div3A_399 = arith.divf %div3A_398, %add3A_396 : vector<16xf32>
      %mul3A_400 = arith.constant 256 : i32
      %mul3A_401 = arith.muli %scan3A_146, %mul3A_400 : i32
      %add3A_402 = arith.constant 0 : i32
      %add3A_403 = arith.addi %mul3A_401, %add3A_402 : i32
      %swap3A = arith.index_cast %add3A_403 : i32 to index
      %swap3A_404 = tpu.vector_load %arg5[%swap3A] {strides = array<i32>} : memref<32768xf32, #tpu.memory_space<vmem>>, vector<16xf32>,
      tpu.vector_store %arg5[%swap3A], %div3A_249 {strides = array<i32>} : memref<32768xf32, #tpu.memory_space<vmem>>, vector<16xf32>,
      %mul3A_405 = arith.constant 256 : i32
      %mul3A_406 = arith.muli %scan3A_146, %mul3A_405 : i32
      %add3A_407 = arith.constant 16 : i32
      %add3A_408 = arith.addi %mul3A_406, %add3A_407 : i32
      %swap3A_409 = arith.index_cast %add3A_408 : i32 to index
      %swap3A_410 = tpu.vector_load %arg5[%swap3A_409] {strides = array<i32>} : memref<32768xf32, #tpu.memory_space<vmem>>, vector<16xf32>,
      tpu.vector_store %arg5[%swap3A_409], %div3A_259 {strides = array<i32>} : memref<32768xf32, #tpu.memory_space<vmem>>, vector<16xf32>,
      %mul3A_411 = arith.constant 256 : i32
      %mul3A_412 = arith.muli %scan3A_146, %mul3A_411 : i32
      %add3A_413 = arith.constant 32 : i32
      %add3A_414 = arith.addi %mul3A_412, %add3A_413 : i32
      %swap3A_415 = arith.index_cast %add3A_414 : i32 to index
      %swap3A_416 = tpu.vector_load %arg5[%swap3A_415] {strides = array<i32>} : memref<32768xf32, #tpu.memory_space<vmem>>, vector<16xf32>,
      tpu.vector_store %arg5[%swap3A_415], %div3A_269 {strides = array<i32>} : memref<32768xf32, #tpu.memory_space<vmem>>, vector<16xf32>,
      %mul3A_417 = arith.constant 256 : i32
      %mul3A_418 = arith.muli %scan3A_146, %mul3A_417 : i32
      %add3A_419 = arith.constant 48 : i32
      %add3A_420 = arith.addi %mul3A_418, %add3A_419 : i32
      %swap3A_421 = arith.index_cast %add3A_420 : i32 to index
      %swap3A_422 = tpu.vector_load %arg5[%swap3A_421] {strides = array<i32>} : memref<32768xf32, #tpu.memory_space<vmem>>, vector<16xf32>,
      tpu.vector_store %arg5[%swap3A_421], %div3A_279 {strides = array<i32>} : memref<32768xf32, #tpu.memory_space<vmem>>, vector<16xf32>,
      %mul3A_423 = arith.constant 256 : i32
      %mul3A_424 = arith.muli %scan3A_146, %mul3A_423 : i32
      %add3A_425 = arith.constant 64 : i32
      %add3A_426 = arith.addi %mul3A_424, %add3A_425 : i32
      %swap3A_427 = arith.index_cast %add3A_426 : i32 to index
      %swap3A_428 = tpu.vector_load %arg5[%swap3A_427] {strides = array<i32>} : memref<32768xf32, #tpu.memory_space<vmem>>, vector<16xf32>,
      tpu.vector_store %arg5[%swap3A_427], %div3A_289 {strides = array<i32>} : memref<32768xf32, #tpu.memory_space<vmem>>, vector<16xf32>,
      %mul3A_429 = arith.constant 256 : i32
      %mul3A_430 = arith.muli %scan3A_146, %mul3A_429 : i32
      %add3A_431 = arith.constant 80 : i32
      %add3A_432 = arith.addi %mul3A_430, %add3A_431 : i32
      %swap3A_433 = arith.index_cast %add3A_432 : i32 to index
      %swap3A_434 = tpu.vector_load %arg5[%swap3A_433] {strides = array<i32>} : memref<32768xf32, #tpu.memory_space<vmem>>, vector<16xf32>,
      tpu.vector_store %arg5[%swap3A_433], %div3A_299 {strides = array<i32>} : memref<32768xf32, #tpu.memory_space<vmem>>, vector<16xf32>,
      %mul3A_435 = arith.constant 256 : i32
      %mul3A_436 = arith.muli %scan3A_146, %mul3A_435 : i32
      %add3A_437 = arith.constant 96 : i32
      %add3A_438 = arith.addi %mul3A_436, %add3A_437 : i32
      %swap3A_439 = arith.index_cast %add3A_438 : i32 to index
      %swap3A_440 = tpu.vector_load %arg5[%swap3A_439] {strides = array<i32>} : memref<32768xf32, #tpu.memory_space<vmem>>, vector<16xf32>,
      tpu.vector_store %arg5[%swap3A_439], %div3A_309 {strides = array<i32>} : memref<32768xf32, #tpu.memory_space<vmem>>, vector<16xf32>,
      %mul3A_441 = arith.constant 256 : i32
      %mul3A_442 = arith.muli %scan3A_146, %mul3A_441 : i32
      %add3A_443 = arith.constant 112 : i32
      %add3A_444 = arith.addi %mul3A_442, %add3A_443 : i32
      %swap3A_445 = arith.index_cast %add3A_444 : i32 to index
      %swap3A_446 = tpu.vector_load %arg5[%swap3A_445] {strides = array<i32>} : memref<32768xf32, #tpu.memory_space<vmem>>, vector<16xf32>,
      tpu.vector_store %arg5[%swap3A_445], %div3A_319 {strides = array<i32>} : memref<32768xf32, #tpu.memory_space<vmem>>, vector<16xf32>,
      %mul3A_447 = arith.constant 256 : i32
      %mul3A_448 = arith.muli %scan3A_146, %mul3A_447 : i32
      %add3A_449 = arith.constant 128 : i32
      %add3A_450 = arith.addi %mul3A_448, %add3A_449 : i32
      %swap3A_451 = arith.index_cast %add3A_450 : i32 to index
      %swap3A_452 = tpu.vector_load %arg5[%swap3A_451] {strides = array<i32>} : memref<32768xf32, #tpu.memory_space<vmem>>, vector<16xf32>,
      tpu.vector_store %arg5[%swap3A_451], %div3A_329 {strides = array<i32>} : memref<32768xf32, #tpu.memory_space<vmem>>, vector<16xf32>,
      %mul3A_453 = arith.constant 256 : i32
      %mul3A_454 = arith.muli %scan3A_146, %mul3A_453 : i32
      %add3A_455 = arith.constant 144 : i32
      %add3A_456 = arith.addi %mul3A_454, %add3A_455 : i32
      %swap3A_457 = arith.index_cast %add3A_456 : i32 to index
      %swap3A_458 = tpu.vector_load %arg5[%swap3A_457] {strides = array<i32>} : memref<32768xf32, #tpu.memory_space<vmem>>, vector<16xf32>,
      tpu.vector_store %arg5[%swap3A_457], %div3A_339 {strides = array<i32>} : memref<32768xf32, #tpu.memory_space<vmem>>, vector<16xf32>,
      %mul3A_459 = arith.constant 256 : i32
      %mul3A_460 = arith.muli %scan3A_146, %mul3A_459 : i32
      %add3A_461 = arith.constant 160 : i32
      %add3A_462 = arith.addi %mul3A_460, %add3A_461 : i32
      %swap3A_463 = arith.index_cast %add3A_462 : i32 to index
      %swap3A_464 = tpu.vector_load %arg5[%swap3A_463] {strides = array<i32>} : memref<32768xf32, #tpu.memory_space<vmem>>, vector<16xf32>,
      tpu.vector_store %arg5[%swap3A_463], %div3A_349 {strides = array<i32>} : memref<32768xf32, #tpu.memory_space<vmem>>, vector<16xf32>,
      %mul3A_465 = arith.constant 256 : i32
      %mul3A_466 = arith.muli %scan3A_146, %mul3A_465 : i32
      %add3A_467 = arith.constant 176 : i32
      %add3A_468 = arith.addi %mul3A_466, %add3A_467 : i32
      %swap3A_469 = arith.index_cast %add3A_468 : i32 to index
      %swap3A_470 = tpu.vector_load %arg5[%swap3A_469] {strides = array<i32>} : memref<32768xf32, #tpu.memory_space<vmem>>, vector<16xf32>,
      tpu.vector_store %arg5[%swap3A_469], %div3A_359 {strides = array<i32>} : memref<32768xf32, #tpu.memory_space<vmem>>, vector<16xf32>,
      %mul3A_471 = arith.constant 256 : i32
      %mul3A_472 = arith.muli %scan3A_146, %mul3A_471 : i32
      %add3A_473 = arith.constant 192 : i32
      %add3A_474 = arith.addi %mul3A_472, %add3A_473 : i32
      %swap3A_475 = arith.index_cast %add3A_474 : i32 to index
      %swap3A_476 = tpu.vector_load %arg5[%swap3A_475] {strides = array<i32>} : memref<32768xf32, #tpu.memory_space<vmem>>, vector<16xf32>,
      tpu.vector_store %arg5[%swap3A_475], %div3A_369 {strides = array<i32>} : memref<32768xf32, #tpu.memory_space<vmem>>, vector<16xf32>,
      %mul3A_477 = arith.constant 256 : i32
      %mul3A_478 = arith.muli %scan3A_146, %mul3A_477 : i32
      %add3A_479 = arith.constant 208 : i32
      %add3A_480 = arith.addi %mul3A_478, %add3A_479 : i32
      %swap3A_481 = arith.index_cast %add3A_480 : i32 to index
      %swap3A_482 = tpu.vector_load %arg5[%swap3A_481] {strides = array<i32>} : memref<32768xf32, #tpu.memory_space<vmem>>, vector<16xf32>,
      tpu.vector_store %arg5[%swap3A_481], %div3A_379 {strides = array<i32>} : memref<32768xf32, #tpu.memory_space<vmem>>, vector<16xf32>,
      %mul3A_483 = arith.constant 256 : i32
      %mul3A_484 = arith.muli %scan3A_146, %mul3A_483 : i32
      %add3A_485 = arith.constant 224 : i32
      %add3A_486 = arith.addi %mul3A_484, %add3A_485 : i32
      %swap3A_487 = arith.index_cast %add3A_486 : i32 to index
      %swap3A_488 = tpu.vector_load %arg5[%swap3A_487] {strides = array<i32>} : memref<32768xf32, #tpu.memory_space<vmem>>, vector<16xf32>,
      tpu.vector_store %arg5[%swap3A_487], %div3A_389 {strides = array<i32>} : memref<32768xf32, #tpu.memory_space<vmem>>, vector<16xf32>,
      %mul3A_489 = arith.constant 256 : i32
      %mul3A_490 = arith.muli %scan3A_146, %mul3A_489 : i32
      %add3A_491 = arith.constant 240 : i32
      %add3A_492 = arith.addi %mul3A_490, %add3A_491 : i32
      %swap3A_493 = arith.index_cast %add3A_492 : i32 to index
      %swap3A_494 = tpu.vector_load %arg5[%swap3A_493] {strides = array<i32>} : memref<32768xf32, #tpu.memory_space<vmem>>, vector<16xf32>,
      tpu.vector_store %arg5[%swap3A_493], %div3A_399 {strides = array<i32>} : memref<32768xf32, #tpu.memory_space<vmem>>, vector<16xf32>,
      %bitcast_convert_type3A = tpu.bitcast %div3A_249 : vector<16xf32> -> vector<16xi32>
      %bitcast_convert_type3A_495 = tpu.bitcast %div3A_259 : vector<16xf32> -> vector<16xi32>
      %bitcast_convert_type3A_496 = tpu.bitcast %div3A_269 : vector<16xf32> -> vector<16xi32>
      %bitcast_convert_type3A_497 = tpu.bitcast %div3A_279 : vector<16xf32> -> vector<16xi32>
      %bitcast_convert_type3A_498 = tpu.bitcast %div3A_289 : vector<16xf32> -> vector<16xi32>
      %bitcast_convert_type3A_499 = tpu.bitcast %div3A_299 : vector<16xf32> -> vector<16xi32>
      %bitcast_convert_type3A_500 = tpu.bitcast %div3A_309 : vector<16xf32> -> vector<16xi32>
      %bitcast_convert_type3A_501 = tpu.bitcast %div3A_319 : vector<16xf32> -> vector<16xi32>
      %bitcast_convert_type3A_502 = tpu.bitcast %div3A_329 : vector<16xf32> -> vector<16xi32>
      %bitcast_convert_type3A_503 = tpu.bitcast %div3A_339 : vector<16xf32> -> vector<16xi32>
      %bitcast_convert_type3A_504 = tpu.bitcast %div3A_349 : vector<16xf32> -> vector<16xi32>
      %bitcast_convert_type3A_505 = tpu.bitcast %div3A_359 : vector<16xf32> -> vector<16xi32>
      %bitcast_convert_type3A_506 = tpu.bitcast %div3A_369 : vector<16xf32> -> vector<16xi32>
      %bitcast_convert_type3A_507 = tpu.bitcast %div3A_379 : vector<16xf32> -> vector<16xi32>
      %bitcast_convert_type3A_508 = tpu.bitcast %div3A_389 : vector<16xf32> -> vector<16xi32>
      %bitcast_convert_type3A_509 = tpu.bitcast %div3A_399 : vector<16xf32> -> vector<16xi32>
      %shift_right_logical3A = arith.constant 20 : i32
      %shift_right_logical3A_510 = vector.broadcast %shift_right_logical3A : i32 to vector<16xi32>
      %shift_right_logical3A_511 = arith.shrui %bitcast_convert_type3A, %shift_right_logical3A_510 : vector<16xi32>
      %add3A_512 = arith.addi %mul3A_3, %shift_right_logical3A_511 : vector<16xi32>
      %shift_right_logical3A_513 = arith.constant 20 : i32
      %shift_right_logical3A_514 = vector.broadcast %shift_right_logical3A_513 : i32 to vector<16xi32>
      %shift_right_logical3A_515 = arith.shrui %bitcast_convert_type3A_495, %shift_right_logical3A_514 : vector<16xi32>
      %add3A_516 = arith.addi %mul3A_3, %shift_right_logical3A_515 : vector<16xi32>
      %shift_right_logical3A_517 = arith.constant 20 : i32
      %shift_right_logical3A_518 = vector.broadcast %shift_right_logical3A_517 : i32 to vector<16xi32>
      %shift_right_logical3A_519 = arith.shrui %bitcast_convert_type3A_496, %shift_right_logical3A_518 : vector<16xi32>
      %add3A_520 = arith.addi %mul3A_3, %shift_right_logical3A_519 : vector<16xi32>
      %shift_right_logical3A_521 = arith.constant 20 : i32
      %shift_right_logical3A_522 = vector.broadcast %shift_right_logical3A_521 : i32 to vector<16xi32>
      %shift_right_logical3A_523 = arith.shrui %bitcast_convert_type3A_497, %shift_right_logical3A_522 : vector<16xi32>
      %add3A_524 = arith.addi %mul3A_3, %shift_right_logical3A_523 : vector<16xi32>
      %shift_right_logical3A_525 = arith.constant 20 : i32
      %shift_right_logical3A_526 = vector.broadcast %shift_right_logical3A_525 : i32 to vector<16xi32>
      %shift_right_logical3A_527 = arith.shrui %bitcast_convert_type3A_498, %shift_right_logical3A_526 : vector<16xi32>
      %add3A_528 = arith.addi %mul3A_3, %shift_right_logical3A_527 : vector<16xi32>
      %shift_right_logical3A_529 = arith.constant 20 : i32
      %shift_right_logical3A_530 = vector.broadcast %shift_right_logical3A_529 : i32 to vector<16xi32>
      %shift_right_logical3A_531 = arith.shrui %bitcast_convert_type3A_499, %shift_right_logical3A_530 : vector<16xi32>
      %add3A_532 = arith.addi %mul3A_3, %shift_right_logical3A_531 : vector<16xi32>
      %shift_right_logical3A_533 = arith.constant 20 : i32
      %shift_right_logical3A_534 = vector.broadcast %shift_right_logical3A_533 : i32 to vector<16xi32>
      %shift_right_logical3A_535 = arith.shrui %bitcast_convert_type3A_500, %shift_right_logical3A_534 : vector<16xi32>
      %add3A_536 = arith.addi %mul3A_3, %shift_right_logical3A_535 : vector<16xi32>
      %shift_right_logical3A_537 = arith.constant 20 : i32
      %shift_right_logical3A_538 = vector.broadcast %shift_right_logical3A_537 : i32 to vector<16xi32>
      %shift_right_logical3A_539 = arith.shrui %bitcast_convert_type3A_501, %shift_right_logical3A_538 : vector<16xi32>
      %add3A_540 = arith.addi %mul3A_3, %shift_right_logical3A_539 : vector<16xi32>
      %shift_right_logical3A_541 = arith.constant 20 : i32
      %shift_right_logical3A_542 = vector.broadcast %shift_right_logical3A_541 : i32 to vector<16xi32>
      %shift_right_logical3A_543 = arith.shrui %bitcast_convert_type3A_502, %shift_right_logical3A_542 : vector<16xi32>
      %add3A_544 = arith.addi %mul3A_3, %shift_right_logical3A_543 : vector<16xi32>
      %shift_right_logical3A_545 = arith.constant 20 : i32
      %shift_right_logical3A_546 = vector.broadcast %shift_right_logical3A_545 : i32 to vector<16xi32>
      %shift_right_logical3A_547 = arith.shrui %bitcast_convert_type3A_503, %shift_right_logical3A_546 : vector<16xi32>
      %add3A_548 = arith.addi %mul3A_3, %shift_right_logical3A_547 : vector<16xi32>
      %shift_right_logical3A_549 = arith.constant 20 : i32
      %shift_right_logical3A_550 = vector.broadcast %shift_right_logical3A_549 : i32 to vector<16xi32>
      %shift_right_logical3A_551 = arith.shrui %bitcast_convert_type3A_504, %shift_right_logical3A_550 : vector<16xi32>
      %add3A_552 = arith.addi %mul3A_3, %shift_right_logical3A_551 : vector<16xi32>
      %shift_right_logical3A_553 = arith.constant 20 : i32
      %shift_right_logical3A_554 = vector.broadcast %shift_right_logical3A_553 : i32 to vector<16xi32>
      %shift_right_logical3A_555 = arith.shrui %bitcast_convert_type3A_505, %shift_right_logical3A_554 : vector<16xi32>
      %add3A_556 = arith.addi %mul3A_3, %shift_right_logical3A_555 : vector<16xi32>
      %shift_right_logical3A_557 = arith.constant 20 : i32
      %shift_right_logical3A_558 = vector.broadcast %shift_right_logical3A_557 : i32 to vector<16xi32>
      %shift_right_logical3A_559 = arith.shrui %bitcast_convert_type3A_506, %shift_right_logical3A_558 : vector<16xi32>
      %add3A_560 = arith.addi %mul3A_3, %shift_right_logical3A_559 : vector<16xi32>
      %shift_right_logical3A_561 = arith.constant 20 : i32
      %shift_right_logical3A_562 = vector.broadcast %shift_right_logical3A_561 : i32 to vector<16xi32>
      %shift_right_logical3A_563 = arith.shrui %bitcast_convert_type3A_507, %shift_right_logical3A_562 : vector<16xi32>
      %add3A_564 = arith.addi %mul3A_3, %shift_right_logical3A_563 : vector<16xi32>
      %shift_right_logical3A_565 = arith.constant 20 : i32
      %shift_right_logical3A_566 = vector.broadcast %shift_right_logical3A_565 : i32 to vector<16xi32>
      %shift_right_logical3A_567 = arith.shrui %bitcast_convert_type3A_508, %shift_right_logical3A_566 : vector<16xi32>
      %add3A_568 = arith.addi %mul3A_3, %shift_right_logical3A_567 : vector<16xi32>
      %shift_right_logical3A_569 = arith.constant 20 : i32
      %shift_right_logical3A_570 = vector.broadcast %shift_right_logical3A_569 : i32 to vector<16xi32>
      %shift_right_logical3A_571 = arith.shrui %bitcast_convert_type3A_509, %shift_right_logical3A_570 : vector<16xi32>
      %add3A_572 = arith.addi %mul3A_3, %shift_right_logical3A_571 : vector<16xi32>
      tpu.vector_store_idx %arg6[%add3A_512], %broadcast_in_dim3A_6 {add = true} : memref<16512xi32, #tpu.memory_space<vmem>>[vector<16xi32>], vector<16xi32>,
      tpu.vector_store_idx %arg6[%add3A_516], %broadcast_in_dim3A_6 {add = true} : memref<16512xi32, #tpu.memory_space<vmem>>[vector<16xi32>], vector<16xi32>,
      tpu.vector_store_idx %arg6[%add3A_520], %broadcast_in_dim3A_6 {add = true} : memref<16512xi32, #tpu.memory_space<vmem>>[vector<16xi32>], vector<16xi32>,
      tpu.vector_store_idx %arg6[%add3A_524], %broadcast_in_dim3A_6 {add = true} : memref<16512xi32, #tpu.memory_space<vmem>>[vector<16xi32>], vector<16xi32>,
      tpu.vector_store_idx %arg6[%add3A_528], %broadcast_in_dim3A_6 {add = true} : memref<16512xi32, #tpu.memory_space<vmem>>[vector<16xi32>], vector<16xi32>,
      tpu.vector_store_idx %arg6[%add3A_532], %broadcast_in_dim3A_6 {add = true} : memref<16512xi32, #tpu.memory_space<vmem>>[vector<16xi32>], vector<16xi32>,
      tpu.vector_store_idx %arg6[%add3A_536], %broadcast_in_dim3A_6 {add = true} : memref<16512xi32, #tpu.memory_space<vmem>>[vector<16xi32>], vector<16xi32>,
      tpu.vector_store_idx %arg6[%add3A_540], %broadcast_in_dim3A_6 {add = true} : memref<16512xi32, #tpu.memory_space<vmem>>[vector<16xi32>], vector<16xi32>,
      tpu.vector_store_idx %arg6[%add3A_544], %broadcast_in_dim3A_6 {add = true} : memref<16512xi32, #tpu.memory_space<vmem>>[vector<16xi32>], vector<16xi32>,
      tpu.vector_store_idx %arg6[%add3A_548], %broadcast_in_dim3A_6 {add = true} : memref<16512xi32, #tpu.memory_space<vmem>>[vector<16xi32>], vector<16xi32>,
      tpu.vector_store_idx %arg6[%add3A_552], %broadcast_in_dim3A_6 {add = true} : memref<16512xi32, #tpu.memory_space<vmem>>[vector<16xi32>], vector<16xi32>,
      tpu.vector_store_idx %arg6[%add3A_556], %broadcast_in_dim3A_6 {add = true} : memref<16512xi32, #tpu.memory_space<vmem>>[vector<16xi32>], vector<16xi32>,
      tpu.vector_store_idx %arg6[%add3A_560], %broadcast_in_dim3A_6 {add = true} : memref<16512xi32, #tpu.memory_space<vmem>>[vector<16xi32>], vector<16xi32>,
      tpu.vector_store_idx %arg6[%add3A_564], %broadcast_in_dim3A_6 {add = true} : memref<16512xi32, #tpu.memory_space<vmem>>[vector<16xi32>], vector<16xi32>,
      tpu.vector_store_idx %arg6[%add3A_568], %broadcast_in_dim3A_6 {add = true} : memref<16512xi32, #tpu.memory_space<vmem>>[vector<16xi32>], vector<16xi32>,
      tpu.vector_store_idx %arg6[%add3A_572], %broadcast_in_dim3A_6 {add = true} : memref<16512xi32, #tpu.memory_space<vmem>>[vector<16xi32>], vector<16xi32>,
    }
    %scan3A_27 = arith.constant 128 : i32
    %scan3A_28 = arith.constant 16384 : i32
    %scan3A_29 = arith.constant 0 : i32
    %scan3A_30 = arith.constant 0 : i32
    %scan3A_31 = arith.constant 64 : i32
    %scan3A_32 = arith.addi %scan3A_30, %scan3A_31 : i32
    %scan3A_33 = arith.constant 1 : i32
    %scan3A_34:3 = scf.for %scan3A_146 = %scan3A_30 to %scan3A_32 step %scan3A_33 iter_args(%scan3A_147 = %scan3A_29, %scan3A_148 = %broadcast_in_dim3A_4, %scan3A_149 = %broadcast_in_dim3A_4) -> (i32, vector<16xi32>, vector<16xi32>)  : i32 {
      %mul3A_150 = arith.constant 16 : i32
      %mul3A_151 = arith.muli %scan3A_146, %mul3A_150 : i32
      %add3A_152 = arith.constant 0 : i32
      %add3A_153 = arith.addi %add3A_152, %mul3A_151 : i32
      %get3A = arith.index_cast %add3A_153 : i32 to index
      %get3A_154 = tpu.vector_load %arg6[%get3A] {strides = array<i32>} : memref<16512xi32, #tpu.memory_space<vmem>>, vector<16xi32>,
      %add3A_155 = arith.addi %broadcast_in_dim3A_4, %get3A_154 : vector<16xi32>
      %swap3A = arith.index_cast %add3A_153 : i32 to index
      %swap3A_156 = tpu.vector_load %arg6[%swap3A] {strides = array<i32>} : memref<16512xi32, #tpu.memory_space<vmem>>, vector<16xi32>,
      tpu.vector_store %arg6[%swap3A], %broadcast_in_dim3A_4 {strides = array<i32>} : memref<16512xi32, #tpu.memory_space<vmem>>, vector<16xi32>,
      %mul3A_157 = arith.constant 16 : i32
      %mul3A_158 = arith.muli %scan3A_146, %mul3A_157 : i32
      %add3A_159 = arith.constant 1025 : i32
      %add3A_160 = arith.addi %add3A_159, %mul3A_158 : i32
      %get3A_161 = arith.index_cast %add3A_160 : i32 to index
      %get3A_162 = tpu.vector_load %arg6[%get3A_161] {strides = array<i32>} : memref<16512xi32, #tpu.memory_space<vmem>>, vector<16xi32>,
      %add3A_163 = arith.addi %add3A_155, %get3A_162 : vector<16xi32>
      %swap3A_164 = arith.index_cast %add3A_160 : i32 to index
      %swap3A_165 = tpu.vector_load %arg6[%swap3A_164] {strides = array<i32>} : memref<16512xi32, #tpu.memory_space<vmem>>, vector<16xi32>,
      tpu.vector_store %arg6[%swap3A_164], %broadcast_in_dim3A_4 {strides = array<i32>} : memref<16512xi32, #tpu.memory_space<vmem>>, vector<16xi32>,
      %mul3A_166 = arith.constant 16 : i32
      %mul3A_167 = arith.muli %scan3A_146, %mul3A_166 : i32
      %add3A_168 = arith.constant 2050 : i32
      %add3A_169 = arith.addi %add3A_168, %mul3A_167 : i32
      %get3A_170 = arith.index_cast %add3A_169 : i32 to index
      %get3A_171 = tpu.vector_load %arg6[%get3A_170] {strides = array<i32>} : memref<16512xi32, #tpu.memory_space<vmem>>, vector<16xi32>,
      %add3A_172 = arith.addi %add3A_163, %get3A_171 : vector<16xi32>
      %swap3A_173 = arith.index_cast %add3A_169 : i32 to index
      %swap3A_174 = tpu.vector_load %arg6[%swap3A_173] {strides = array<i32>} : memref<16512xi32, #tpu.memory_space<vmem>>, vector<16xi32>,
      tpu.vector_store %arg6[%swap3A_173], %broadcast_in_dim3A_4 {strides = array<i32>} : memref<16512xi32, #tpu.memory_space<vmem>>, vector<16xi32>,
      %mul3A_175 = arith.constant 16 : i32
      %mul3A_176 = arith.muli %scan3A_146, %mul3A_175 : i32
      %add3A_177 = arith.constant 3075 : i32
      %add3A_178 = arith.addi %add3A_177, %mul3A_176 : i32
      %get3A_179 = arith.index_cast %add3A_178 : i32 to index
      %get3A_180 = tpu.vector_load %arg6[%get3A_179] {strides = array<i32>} : memref<16512xi32, #tpu.memory_space<vmem>>, vector<16xi32>,
      %add3A_181 = arith.addi %add3A_172, %get3A_180 : vector<16xi32>
      %swap3A_182 = arith.index_cast %add3A_178 : i32 to index
      %swap3A_183 = tpu.vector_load %arg6[%swap3A_182] {strides = array<i32>} : memref<16512xi32, #tpu.memory_space<vmem>>, vector<16xi32>,
      tpu.vector_store %arg6[%swap3A_182], %broadcast_in_dim3A_4 {strides = array<i32>} : memref<16512xi32, #tpu.memory_space<vmem>>, vector<16xi32>,
      %mul3A_184 = arith.constant 16 : i32
      %mul3A_185 = arith.muli %scan3A_146, %mul3A_184 : i32
      %add3A_186 = arith.constant 4100 : i32
      %add3A_187 = arith.addi %add3A_186, %mul3A_185 : i32
      %get3A_188 = arith.index_cast %add3A_187 : i32 to index
      %get3A_189 = tpu.vector_load %arg6[%get3A_188] {strides = array<i32>} : memref<16512xi32, #tpu.memory_space<vmem>>, vector<16xi32>,
      %add3A_190 = arith.addi %add3A_181, %get3A_189 : vector<16xi32>
      %swap3A_191 = arith.index_cast %add3A_187 : i32 to index
      %swap3A_192 = tpu.vector_load %arg6[%swap3A_191] {strides = array<i32>} : memref<16512xi32, #tpu.memory_space<vmem>>, vector<16xi32>,
      tpu.vector_store %arg6[%swap3A_191], %broadcast_in_dim3A_4 {strides = array<i32>} : memref<16512xi32, #tpu.memory_space<vmem>>, vector<16xi32>,
      %mul3A_193 = arith.constant 16 : i32
      %mul3A_194 = arith.muli %scan3A_146, %mul3A_193 : i32
      %add3A_195 = arith.constant 5125 : i32
      %add3A_196 = arith.addi %add3A_195, %mul3A_194 : i32
      %get3A_197 = arith.index_cast %add3A_196 : i32 to index
      %get3A_198 = tpu.vector_load %arg6[%get3A_197] {strides = array<i32>} : memref<16512xi32, #tpu.memory_space<vmem>>, vector<16xi32>,
      %add3A_199 = arith.addi %add3A_190, %get3A_198 : vector<16xi32>
      %swap3A_200 = arith.index_cast %add3A_196 : i32 to index
      %swap3A_201 = tpu.vector_load %arg6[%swap3A_200] {strides = array<i32>} : memref<16512xi32, #tpu.memory_space<vmem>>, vector<16xi32>,
      tpu.vector_store %arg6[%swap3A_200], %broadcast_in_dim3A_4 {strides = array<i32>} : memref<16512xi32, #tpu.memory_space<vmem>>, vector<16xi32>,
      %mul3A_202 = arith.constant 16 : i32
      %mul3A_203 = arith.muli %scan3A_146, %mul3A_202 : i32
      %add3A_204 = arith.constant 6150 : i32
      %add3A_205 = arith.addi %add3A_204, %mul3A_203 : i32
      %get3A_206 = arith.index_cast %add3A_205 : i32 to index
      %get3A_207 = tpu.vector_load %arg6[%get3A_206] {strides = array<i32>} : memref<16512xi32, #tpu.memory_space<vmem>>, vector<16xi32>,
      %add3A_208 = arith.addi %add3A_199, %get3A_207 : vector<16xi32>
      %swap3A_209 = arith.index_cast %add3A_205 : i32 to index
      %swap3A_210 = tpu.vector_load %arg6[%swap3A_209] {strides = array<i32>} : memref<16512xi32, #tpu.memory_space<vmem>>, vector<16xi32>,
      tpu.vector_store %arg6[%swap3A_209], %broadcast_in_dim3A_4 {strides = array<i32>} : memref<16512xi32, #tpu.memory_space<vmem>>, vector<16xi32>,
      %mul3A_211 = arith.constant 16 : i32
      %mul3A_212 = arith.muli %scan3A_146, %mul3A_211 : i32
      %add3A_213 = arith.constant 7175 : i32
      %add3A_214 = arith.addi %add3A_213, %mul3A_212 : i32
      %get3A_215 = arith.index_cast %add3A_214 : i32 to index
      %get3A_216 = tpu.vector_load %arg6[%get3A_215] {strides = array<i32>} : memref<16512xi32, #tpu.memory_space<vmem>>, vector<16xi32>,
      %add3A_217 = arith.addi %add3A_208, %get3A_216 : vector<16xi32>
      %swap3A_218 = arith.index_cast %add3A_214 : i32 to index
      %swap3A_219 = tpu.vector_load %arg6[%swap3A_218] {strides = array<i32>} : memref<16512xi32, #tpu.memory_space<vmem>>, vector<16xi32>,
      tpu.vector_store %arg6[%swap3A_218], %broadcast_in_dim3A_4 {strides = array<i32>} : memref<16512xi32, #tpu.memory_space<vmem>>, vector<16xi32>,
      %mul3A_220 = arith.constant 16 : i32
      %mul3A_221 = arith.muli %scan3A_146, %mul3A_220 : i32
      %add3A_222 = arith.constant 8200 : i32
      %add3A_223 = arith.addi %add3A_222, %mul3A_221 : i32
      %get3A_224 = arith.index_cast %add3A_223 : i32 to index
      %get3A_225 = tpu.vector_load %arg6[%get3A_224] {strides = array<i32>} : memref<16512xi32, #tpu.memory_space<vmem>>, vector<16xi32>,
      %add3A_226 = arith.addi %add3A_217, %get3A_225 : vector<16xi32>
      %swap3A_227 = arith.index_cast %add3A_223 : i32 to index
      %swap3A_228 = tpu.vector_load %arg6[%swap3A_227] {strides = array<i32>} : memref<16512xi32, #tpu.memory_space<vmem>>, vector<16xi32>,
      tpu.vector_store %arg6[%swap3A_227], %broadcast_in_dim3A_4 {strides = array<i32>} : memref<16512xi32, #tpu.memory_space<vmem>>, vector<16xi32>,
      %mul3A_229 = arith.constant 16 : i32
      %mul3A_230 = arith.muli %scan3A_146, %mul3A_229 : i32
      %add3A_231 = arith.constant 9225 : i32
      %add3A_232 = arith.addi %add3A_231, %mul3A_230 : i32
      %get3A_233 = arith.index_cast %add3A_232 : i32 to index
      %get3A_234 = tpu.vector_load %arg6[%get3A_233] {strides = array<i32>} : memref<16512xi32, #tpu.memory_space<vmem>>, vector<16xi32>,
      %add3A_235 = arith.addi %add3A_226, %get3A_234 : vector<16xi32>
      %swap3A_236 = arith.index_cast %add3A_232 : i32 to index
      %swap3A_237 = tpu.vector_load %arg6[%swap3A_236] {strides = array<i32>} : memref<16512xi32, #tpu.memory_space<vmem>>, vector<16xi32>,
      tpu.vector_store %arg6[%swap3A_236], %broadcast_in_dim3A_4 {strides = array<i32>} : memref<16512xi32, #tpu.memory_space<vmem>>, vector<16xi32>,
      %mul3A_238 = arith.constant 16 : i32
      %mul3A_239 = arith.muli %scan3A_146, %mul3A_238 : i32
      %add3A_240 = arith.constant 10250 : i32
      %add3A_241 = arith.addi %add3A_240, %mul3A_239 : i32
      %get3A_242 = arith.index_cast %add3A_241 : i32 to index
      %get3A_243 = tpu.vector_load %arg6[%get3A_242] {strides = array<i32>} : memref<16512xi32, #tpu.memory_space<vmem>>, vector<16xi32>,
      %add3A_244 = arith.addi %add3A_235, %get3A_243 : vector<16xi32>
      %swap3A_245 = arith.index_cast %add3A_241 : i32 to index
      %swap3A_246 = tpu.vector_load %arg6[%swap3A_245] {strides = array<i32>} : memref<16512xi32, #tpu.memory_space<vmem>>, vector<16xi32>,
      tpu.vector_store %arg6[%swap3A_245], %broadcast_in_dim3A_4 {strides = array<i32>} : memref<16512xi32, #tpu.memory_space<vmem>>, vector<16xi32>,
      %mul3A_247 = arith.constant 16 : i32
      %mul3A_248 = arith.muli %scan3A_146, %mul3A_247 : i32
      %add3A_249 = arith.constant 11275 : i32
      %add3A_250 = arith.addi %add3A_249, %mul3A_248 : i32
      %get3A_251 = arith.index_cast %add3A_250 : i32 to index
      %get3A_252 = tpu.vector_load %arg6[%get3A_251] {strides = array<i32>} : memref<16512xi32, #tpu.memory_space<vmem>>, vector<16xi32>,
      %add3A_253 = arith.addi %add3A_244, %get3A_252 : vector<16xi32>
      %swap3A_254 = arith.index_cast %add3A_250 : i32 to index
      %swap3A_255 = tpu.vector_load %arg6[%swap3A_254] {strides = array<i32>} : memref<16512xi32, #tpu.memory_space<vmem>>, vector<16xi32>,
      tpu.vector_store %arg6[%swap3A_254], %broadcast_in_dim3A_4 {strides = array<i32>} : memref<16512xi32, #tpu.memory_space<vmem>>, vector<16xi32>,
      %mul3A_256 = arith.constant 16 : i32
      %mul3A_257 = arith.muli %scan3A_146, %mul3A_256 : i32
      %add3A_258 = arith.constant 12300 : i32
      %add3A_259 = arith.addi %add3A_258, %mul3A_257 : i32
      %get3A_260 = arith.index_cast %add3A_259 : i32 to index
      %get3A_261 = tpu.vector_load %arg6[%get3A_260] {strides = array<i32>} : memref<16512xi32, #tpu.memory_space<vmem>>, vector<16xi32>,
      %add3A_262 = arith.addi %add3A_253, %get3A_261 : vector<16xi32>
      %swap3A_263 = arith.index_cast %add3A_259 : i32 to index
      %swap3A_264 = tpu.vector_load %arg6[%swap3A_263] {strides = array<i32>} : memref<16512xi32, #tpu.memory_space<vmem>>, vector<16xi32>,
      tpu.vector_store %arg6[%swap3A_263], %broadcast_in_dim3A_4 {strides = array<i32>} : memref<16512xi32, #tpu.memory_space<vmem>>, vector<16xi32>,
      %mul3A_265 = arith.constant 16 : i32
      %mul3A_266 = arith.muli %scan3A_146, %mul3A_265 : i32
      %add3A_267 = arith.constant 13325 : i32
      %add3A_268 = arith.addi %add3A_267, %mul3A_266 : i32
      %get3A_269 = arith.index_cast %add3A_268 : i32 to index
      %get3A_270 = tpu.vector_load %arg6[%get3A_269] {strides = array<i32>} : memref<16512xi32, #tpu.memory_space<vmem>>, vector<16xi32>,
      %add3A_271 = arith.addi %add3A_262, %get3A_270 : vector<16xi32>
      %swap3A_272 = arith.index_cast %add3A_268 : i32 to index
      %swap3A_273 = tpu.vector_load %arg6[%swap3A_272] {strides = array<i32>} : memref<16512xi32, #tpu.memory_space<vmem>>, vector<16xi32>,
      tpu.vector_store %arg6[%swap3A_272], %broadcast_in_dim3A_4 {strides = array<i32>} : memref<16512xi32, #tpu.memory_space<vmem>>, vector<16xi32>,
      %mul3A_274 = arith.constant 16 : i32
      %mul3A_275 = arith.muli %scan3A_146, %mul3A_274 : i32
      %add3A_276 = arith.constant 14350 : i32
      %add3A_277 = arith.addi %add3A_276, %mul3A_275 : i32
      %get3A_278 = arith.index_cast %add3A_277 : i32 to index
      %get3A_279 = tpu.vector_load %arg6[%get3A_278] {strides = array<i32>} : memref<16512xi32, #tpu.memory_space<vmem>>, vector<16xi32>,
      %add3A_280 = arith.addi %add3A_271, %get3A_279 : vector<16xi32>
      %swap3A_281 = arith.index_cast %add3A_277 : i32 to index
      %swap3A_282 = tpu.vector_load %arg6[%swap3A_281] {strides = array<i32>} : memref<16512xi32, #tpu.memory_space<vmem>>, vector<16xi32>,
      tpu.vector_store %arg6[%swap3A_281], %broadcast_in_dim3A_4 {strides = array<i32>} : memref<16512xi32, #tpu.memory_space<vmem>>, vector<16xi32>,
      %mul3A_283 = arith.constant 16 : i32
      %mul3A_284 = arith.muli %scan3A_146, %mul3A_283 : i32
      %add3A_285 = arith.constant 15375 : i32
      %add3A_286 = arith.addi %add3A_285, %mul3A_284 : i32
      %get3A_287 = arith.index_cast %add3A_286 : i32 to index
      %get3A_288 = tpu.vector_load %arg6[%get3A_287] {strides = array<i32>} : memref<16512xi32, #tpu.memory_space<vmem>>, vector<16xi32>,
      %add3A_289 = arith.addi %add3A_280, %get3A_288 : vector<16xi32>
      %swap3A_290 = arith.index_cast %add3A_286 : i32 to index
      %swap3A_291 = tpu.vector_load %arg6[%swap3A_290] {strides = array<i32>} : memref<16512xi32, #tpu.memory_space<vmem>>, vector<16xi32>,
      tpu.vector_store %arg6[%swap3A_290], %broadcast_in_dim3A_4 {strides = array<i32>} : memref<16512xi32, #tpu.memory_space<vmem>>, vector<16xi32>,
      %cumsum3A = arith.constant true
      %cumsum3A_292 = vector.broadcast %cumsum3A : i1 to vector<16xi1>
      %cumsum3A_293 = tpu.scan <sum>, %add3A_289 masked %cumsum3A_292 : vector<16xi32>, vector<16xi1> -> vector<16xi32>
      %add3A_294 = vector.broadcast %scan3A_147 : i32 to vector<16xi32>
      %add3A_295 = arith.addi %cumsum3A_293, %add3A_294 : vector<16xi32>
      %lt3A = vector.broadcast %scan3A_28 : i32 to vector<16xi32>
      %lt3A_296 = arith.cmpi slt, %add3A_295, %lt3A : vector<16xi32>
      %convert_element_type3A = arith.extui %lt3A_296 : vector<16xi1> to vector<16xi32>
      %add3A_297 = arith.addi %scan3A_148, %convert_element_type3A : vector<16xi32>
      %mul3A_298 = arith.muli %add3A_289, %convert_element_type3A : vector<16xi32>
      %add3A_299 = arith.addi %scan3A_149, %mul3A_298 : vector<16xi32>
      %reduce_sum3A_300 = arith.constant true
      %reduce_sum3A_301 = vector.broadcast %reduce_sum3A_300 : i1 to vector<16xi1>
      %reduce_sum3A_302 = tpu.scan <sum>, %add3A_289 masked %reduce_sum3A_301 : vector<16xi32>, vector<16xi1> -> vector<16xi32>
      %reduce_sum3A_303 = vector.extract %reduce_sum3A_302[15] : i32 from vector<16xi32>
      %add3A_304 = arith.addi %scan3A_147, %reduce_sum3A_303 : i32
      scf.yield %add3A_304, %add3A_297, %add3A_299 : i32, vector<16xi32>, vector<16xi32>
    }
    %scan3A_35 = arith.constant 64 : i32
    %reduce_sum3A = arith.constant true
    %reduce_sum3A_36 = vector.broadcast %reduce_sum3A : i1 to vector<16xi1>
    %reduce_sum3A_37 = tpu.scan <sum>, %scan3A_34#1 masked %reduce_sum3A_36 : vector<16xi32>, vector<16xi1> -> vector<16xi32>
    %reduce_sum3A_38 = vector.extract %reduce_sum3A_37[15] : i32 from vector<16xi32>
    %reduce_sum3A_39 = arith.constant true
    %reduce_sum3A_40 = vector.broadcast %reduce_sum3A_39 : i1 to vector<16xi1>
    %reduce_sum3A_41 = tpu.scan <sum>, %scan3A_34#2 masked %reduce_sum3A_40 : vector<16xi32>, vector<16xi1> -> vector<16xi32>
    %reduce_sum3A_42 = vector.extract %reduce_sum3A_41[15] : i32 from vector<16xi32>
    %sub3A = arith.constant 16384 : i32
    %sub3A_43 = arith.subi %sub3A, %reduce_sum3A_42 : i32
    %scan3A_44 = arith.constant 0 : i32
    %scan3A_45 = arith.constant 0 : i32
    %scan3A_46 = arith.constant 128 : i32
    %scan3A_47 = arith.addi %scan3A_45, %scan3A_46 : i32
    %scan3A_48 = arith.constant 1 : i32
    scf.for %scan3A_146 = %scan3A_45 to %scan3A_47 step %scan3A_48  : i32 {
      %mul3A_147 = arith.constant 256 : i32
      %mul3A_148 = arith.muli %scan3A_146, %mul3A_147 : i32
      %add3A_149 = arith.constant 0 : i32
      %add3A_150 = arith.addi %mul3A_148, %add3A_149 : i32
      %get3A = arith.index_cast %add3A_150 : i32 to index
      %get3A_151 = tpu.vector_load %arg5[%get3A] {strides = array<i32>} : memref<32768xf32, #tpu.memory_space<vmem>>, vector<16xf32>,
      %bitcast_convert_type3A = tpu.bitcast %get3A_151 : vector<16xf32> -> vector<16xi32>
      %mul3A_152 = arith.constant 256 : i32
      %mul3A_153 = arith.muli %scan3A_146, %mul3A_152 : i32
      %add3A_154 = arith.constant 16 : i32
      %add3A_155 = arith.addi %mul3A_153, %add3A_154 : i32
      %get3A_156 = arith.index_cast %add3A_155 : i32 to index
      %get3A_157 = tpu.vector_load %arg5[%get3A_156] {strides = array<i32>} : memref<32768xf32, #tpu.memory_space<vmem>>, vector<16xf32>,
      %bitcast_convert_type3A_158 = tpu.bitcast %get3A_157 : vector<16xf32> -> vector<16xi32>
      %mul3A_159 = arith.constant 256 : i32
      %mul3A_160 = arith.muli %scan3A_146, %mul3A_159 : i32
      %add3A_161 = arith.constant 32 : i32
      %add3A_162 = arith.addi %mul3A_160, %add3A_161 : i32
      %get3A_163 = arith.index_cast %add3A_162 : i32 to index
      %get3A_164 = tpu.vector_load %arg5[%get3A_163] {strides = array<i32>} : memref<32768xf32, #tpu.memory_space<vmem>>, vector<16xf32>,
      %bitcast_convert_type3A_165 = tpu.bitcast %get3A_164 : vector<16xf32> -> vector<16xi32>
      %mul3A_166 = arith.constant 256 : i32
      %mul3A_167 = arith.muli %scan3A_146, %mul3A_166 : i32
      %add3A_168 = arith.constant 48 : i32
      %add3A_169 = arith.addi %mul3A_167, %add3A_168 : i32
      %get3A_170 = arith.index_cast %add3A_169 : i32 to index
      %get3A_171 = tpu.vector_load %arg5[%get3A_170] {strides = array<i32>} : memref<32768xf32, #tpu.memory_space<vmem>>, vector<16xf32>,
      %bitcast_convert_type3A_172 = tpu.bitcast %get3A_171 : vector<16xf32> -> vector<16xi32>
      %mul3A_173 = arith.constant 256 : i32
      %mul3A_174 = arith.muli %scan3A_146, %mul3A_173 : i32
      %add3A_175 = arith.constant 64 : i32
      %add3A_176 = arith.addi %mul3A_174, %add3A_175 : i32
      %get3A_177 = arith.index_cast %add3A_176 : i32 to index
      %get3A_178 = tpu.vector_load %arg5[%get3A_177] {strides = array<i32>} : memref<32768xf32, #tpu.memory_space<vmem>>, vector<16xf32>,
      %bitcast_convert_type3A_179 = tpu.bitcast %get3A_178 : vector<16xf32> -> vector<16xi32>
      %mul3A_180 = arith.constant 256 : i32
      %mul3A_181 = arith.muli %scan3A_146, %mul3A_180 : i32
      %add3A_182 = arith.constant 80 : i32
      %add3A_183 = arith.addi %mul3A_181, %add3A_182 : i32
      %get3A_184 = arith.index_cast %add3A_183 : i32 to index
      %get3A_185 = tpu.vector_load %arg5[%get3A_184] {strides = array<i32>} : memref<32768xf32, #tpu.memory_space<vmem>>, vector<16xf32>,
      %bitcast_convert_type3A_186 = tpu.bitcast %get3A_185 : vector<16xf32> -> vector<16xi32>
      %mul3A_187 = arith.constant 256 : i32
      %mul3A_188 = arith.muli %scan3A_146, %mul3A_187 : i32
      %add3A_189 = arith.constant 96 : i32
      %add3A_190 = arith.addi %mul3A_188, %add3A_189 : i32
      %get3A_191 = arith.index_cast %add3A_190 : i32 to index
      %get3A_192 = tpu.vector_load %arg5[%get3A_191] {strides = array<i32>} : memref<32768xf32, #tpu.memory_space<vmem>>, vector<16xf32>,
      %bitcast_convert_type3A_193 = tpu.bitcast %get3A_192 : vector<16xf32> -> vector<16xi32>
      %mul3A_194 = arith.constant 256 : i32
      %mul3A_195 = arith.muli %scan3A_146, %mul3A_194 : i32
      %add3A_196 = arith.constant 112 : i32
      %add3A_197 = arith.addi %mul3A_195, %add3A_196 : i32
      %get3A_198 = arith.index_cast %add3A_197 : i32 to index
      %get3A_199 = tpu.vector_load %arg5[%get3A_198] {strides = array<i32>} : memref<32768xf32, #tpu.memory_space<vmem>>, vector<16xf32>,
      %bitcast_convert_type3A_200 = tpu.bitcast %get3A_199 : vector<16xf32> -> vector<16xi32>
      %mul3A_201 = arith.constant 256 : i32
      %mul3A_202 = arith.muli %scan3A_146, %mul3A_201 : i32
      %add3A_203 = arith.constant 128 : i32
      %add3A_204 = arith.addi %mul3A_202, %add3A_203 : i32
      %get3A_205 = arith.index_cast %add3A_204 : i32 to index
      %get3A_206 = tpu.vector_load %arg5[%get3A_205] {strides = array<i32>} : memref<32768xf32, #tpu.memory_space<vmem>>, vector<16xf32>,
      %bitcast_convert_type3A_207 = tpu.bitcast %get3A_206 : vector<16xf32> -> vector<16xi32>
      %mul3A_208 = arith.constant 256 : i32
      %mul3A_209 = arith.muli %scan3A_146, %mul3A_208 : i32
      %add3A_210 = arith.constant 144 : i32
      %add3A_211 = arith.addi %mul3A_209, %add3A_210 : i32
      %get3A_212 = arith.index_cast %add3A_211 : i32 to index
      %get3A_213 = tpu.vector_load %arg5[%get3A_212] {strides = array<i32>} : memref<32768xf32, #tpu.memory_space<vmem>>, vector<16xf32>,
      %bitcast_convert_type3A_214 = tpu.bitcast %get3A_213 : vector<16xf32> -> vector<16xi32>
      %mul3A_215 = arith.constant 256 : i32
      %mul3A_216 = arith.muli %scan3A_146, %mul3A_215 : i32
      %add3A_217 = arith.constant 160 : i32
      %add3A_218 = arith.addi %mul3A_216, %add3A_217 : i32
      %get3A_219 = arith.index_cast %add3A_218 : i32 to index
      %get3A_220 = tpu.vector_load %arg5[%get3A_219] {strides = array<i32>} : memref<32768xf32, #tpu.memory_space<vmem>>, vector<16xf32>,
      %bitcast_convert_type3A_221 = tpu.bitcast %get3A_220 : vector<16xf32> -> vector<16xi32>
      %mul3A_222 = arith.constant 256 : i32
      %mul3A_223 = arith.muli %scan3A_146, %mul3A_222 : i32
      %add3A_224 = arith.constant 176 : i32
      %add3A_225 = arith.addi %mul3A_223, %add3A_224 : i32
      %get3A_226 = arith.index_cast %add3A_225 : i32 to index
      %get3A_227 = tpu.vector_load %arg5[%get3A_226] {strides = array<i32>} : memref<32768xf32, #tpu.memory_space<vmem>>, vector<16xf32>,
      %bitcast_convert_type3A_228 = tpu.bitcast %get3A_227 : vector<16xf32> -> vector<16xi32>
      %mul3A_229 = arith.constant 256 : i32
      %mul3A_230 = arith.muli %scan3A_146, %mul3A_229 : i32
      %add3A_231 = arith.constant 192 : i32
      %add3A_232 = arith.addi %mul3A_230, %add3A_231 : i32
      %get3A_233 = arith.index_cast %add3A_232 : i32 to index
      %get3A_234 = tpu.vector_load %arg5[%get3A_233] {strides = array<i32>} : memref<32768xf32, #tpu.memory_space<vmem>>, vector<16xf32>,
      %bitcast_convert_type3A_235 = tpu.bitcast %get3A_234 : vector<16xf32> -> vector<16xi32>
      %mul3A_236 = arith.constant 256 : i32
      %mul3A_237 = arith.muli %scan3A_146, %mul3A_236 : i32
      %add3A_238 = arith.constant 208 : i32
      %add3A_239 = arith.addi %mul3A_237, %add3A_238 : i32
      %get3A_240 = arith.index_cast %add3A_239 : i32 to index
      %get3A_241 = tpu.vector_load %arg5[%get3A_240] {strides = array<i32>} : memref<32768xf32, #tpu.memory_space<vmem>>, vector<16xf32>,
      %bitcast_convert_type3A_242 = tpu.bitcast %get3A_241 : vector<16xf32> -> vector<16xi32>
      %mul3A_243 = arith.constant 256 : i32
      %mul3A_244 = arith.muli %scan3A_146, %mul3A_243 : i32
      %add3A_245 = arith.constant 224 : i32
      %add3A_246 = arith.addi %mul3A_244, %add3A_245 : i32
      %get3A_247 = arith.index_cast %add3A_246 : i32 to index
      %get3A_248 = tpu.vector_load %arg5[%get3A_247] {strides = array<i32>} : memref<32768xf32, #tpu.memory_space<vmem>>, vector<16xf32>,
      %bitcast_convert_type3A_249 = tpu.bitcast %get3A_248 : vector<16xf32> -> vector<16xi32>
      %mul3A_250 = arith.constant 256 : i32
      %mul3A_251 = arith.muli %scan3A_146, %mul3A_250 : i32
      %add3A_252 = arith.constant 240 : i32
      %add3A_253 = arith.addi %mul3A_251, %add3A_252 : i32
      %get3A_254 = arith.index_cast %add3A_253 : i32 to index
      %get3A_255 = tpu.vector_load %arg5[%get3A_254] {strides = array<i32>} : memref<32768xf32, #tpu.memory_space<vmem>>, vector<16xf32>,
      %bitcast_convert_type3A_256 = tpu.bitcast %get3A_255 : vector<16xf32> -> vector<16xi32>
      %mul3A_257 = arith.constant 1048576 : i32
      %mul3A_258 = arith.muli %reduce_sum3A_38, %mul3A_257 : i32
      %sub3A_259 = vector.broadcast %mul3A_258 : i32 to vector<16xi32>
      %sub3A_260 = arith.subi %bitcast_convert_type3A, %sub3A_259 : vector<16xi32>
      %shift_right_logical3A = arith.constant 10 : i32
      %shift_right_logical3A_261 = vector.broadcast %shift_right_logical3A : i32 to vector<16xi32>
      %shift_right_logical3A_262 = arith.shrui %sub3A_260, %shift_right_logical3A_261 : vector<16xi32>
      %sub3A_263 = vector.broadcast %mul3A_258 : i32 to vector<16xi32>
      %sub3A_264 = arith.subi %bitcast_convert_type3A_158, %sub3A_263 : vector<16xi32>
      %shift_right_logical3A_265 = arith.constant 10 : i32
      %shift_right_logical3A_266 = vector.broadcast %shift_right_logical3A_265 : i32 to vector<16xi32>
      %shift_right_logical3A_267 = arith.shrui %sub3A_264, %shift_right_logical3A_266 : vector<16xi32>
      %sub3A_268 = vector.broadcast %mul3A_258 : i32 to vector<16xi32>
      %sub3A_269 = arith.subi %bitcast_convert_type3A_165, %sub3A_268 : vector<16xi32>
      %shift_right_logical3A_270 = arith.constant 10 : i32
      %shift_right_logical3A_271 = vector.broadcast %shift_right_logical3A_270 : i32 to vector<16xi32>
      %shift_right_logical3A_272 = arith.shrui %sub3A_269, %shift_right_logical3A_271 : vector<16xi32>
      %sub3A_273 = vector.broadcast %mul3A_258 : i32 to vector<16xi32>
      %sub3A_274 = arith.subi %bitcast_convert_type3A_172, %sub3A_273 : vector<16xi32>
      %shift_right_logical3A_275 = arith.constant 10 : i32
      %shift_right_logical3A_276 = vector.broadcast %shift_right_logical3A_275 : i32 to vector<16xi32>
      %shift_right_logical3A_277 = arith.shrui %sub3A_274, %shift_right_logical3A_276 : vector<16xi32>
      %sub3A_278 = vector.broadcast %mul3A_258 : i32 to vector<16xi32>
      %sub3A_279 = arith.subi %bitcast_convert_type3A_179, %sub3A_278 : vector<16xi32>
      %shift_right_logical3A_280 = arith.constant 10 : i32
      %shift_right_logical3A_281 = vector.broadcast %shift_right_logical3A_280 : i32 to vector<16xi32>
      %shift_right_logical3A_282 = arith.shrui %sub3A_279, %shift_right_logical3A_281 : vector<16xi32>
      %sub3A_283 = vector.broadcast %mul3A_258 : i32 to vector<16xi32>
      %sub3A_284 = arith.subi %bitcast_convert_type3A_186, %sub3A_283 : vector<16xi32>
      %shift_right_logical3A_285 = arith.constant 10 : i32
      %shift_right_logical3A_286 = vector.broadcast %shift_right_logical3A_285 : i32 to vector<16xi32>
      %shift_right_logical3A_287 = arith.shrui %sub3A_284, %shift_right_logical3A_286 : vector<16xi32>
      %sub3A_288 = vector.broadcast %mul3A_258 : i32 to vector<16xi32>
      %sub3A_289 = arith.subi %bitcast_convert_type3A_193, %sub3A_288 : vector<16xi32>
      %shift_right_logical3A_290 = arith.constant 10 : i32
      %shift_right_logical3A_291 = vector.broadcast %shift_right_logical3A_290 : i32 to vector<16xi32>
      %shift_right_logical3A_292 = arith.shrui %sub3A_289, %shift_right_logical3A_291 : vector<16xi32>
      %sub3A_293 = vector.broadcast %mul3A_258 : i32 to vector<16xi32>
      %sub3A_294 = arith.subi %bitcast_convert_type3A_200, %sub3A_293 : vector<16xi32>
      %shift_right_logical3A_295 = arith.constant 10 : i32
      %shift_right_logical3A_296 = vector.broadcast %shift_right_logical3A_295 : i32 to vector<16xi32>
      %shift_right_logical3A_297 = arith.shrui %sub3A_294, %shift_right_logical3A_296 : vector<16xi32>
      %sub3A_298 = vector.broadcast %mul3A_258 : i32 to vector<16xi32>
      %sub3A_299 = arith.subi %bitcast_convert_type3A_207, %sub3A_298 : vector<16xi32>
      %shift_right_logical3A_300 = arith.constant 10 : i32
      %shift_right_logical3A_301 = vector.broadcast %shift_right_logical3A_300 : i32 to vector<16xi32>
      %shift_right_logical3A_302 = arith.shrui %sub3A_299, %shift_right_logical3A_301 : vector<16xi32>
      %sub3A_303 = vector.broadcast %mul3A_258 : i32 to vector<16xi32>
      %sub3A_304 = arith.subi %bitcast_convert_type3A_214, %sub3A_303 : vector<16xi32>
      %shift_right_logical3A_305 = arith.constant 10 : i32
      %shift_right_logical3A_306 = vector.broadcast %shift_right_logical3A_305 : i32 to vector<16xi32>
      %shift_right_logical3A_307 = arith.shrui %sub3A_304, %shift_right_logical3A_306 : vector<16xi32>
      %sub3A_308 = vector.broadcast %mul3A_258 : i32 to vector<16xi32>
      %sub3A_309 = arith.subi %bitcast_convert_type3A_221, %sub3A_308 : vector<16xi32>
      %shift_right_logical3A_310 = arith.constant 10 : i32
      %shift_right_logical3A_311 = vector.broadcast %shift_right_logical3A_310 : i32 to vector<16xi32>
      %shift_right_logical3A_312 = arith.shrui %sub3A_309, %shift_right_logical3A_311 : vector<16xi32>
      %sub3A_313 = vector.broadcast %mul3A_258 : i32 to vector<16xi32>
      %sub3A_314 = arith.subi %bitcast_convert_type3A_228, %sub3A_313 : vector<16xi32>
      %shift_right_logical3A_315 = arith.constant 10 : i32
      %shift_right_logical3A_316 = vector.broadcast %shift_right_logical3A_315 : i32 to vector<16xi32>
      %shift_right_logical3A_317 = arith.shrui %sub3A_314, %shift_right_logical3A_316 : vector<16xi32>
      %sub3A_318 = vector.broadcast %mul3A_258 : i32 to vector<16xi32>
      %sub3A_319 = arith.subi %bitcast_convert_type3A_235, %sub3A_318 : vector<16xi32>
      %shift_right_logical3A_320 = arith.constant 10 : i32
      %shift_right_logical3A_321 = vector.broadcast %shift_right_logical3A_320 : i32 to vector<16xi32>
      %shift_right_logical3A_322 = arith.shrui %sub3A_319, %shift_right_logical3A_321 : vector<16xi32>
      %sub3A_323 = vector.broadcast %mul3A_258 : i32 to vector<16xi32>
      %sub3A_324 = arith.subi %bitcast_convert_type3A_242, %sub3A_323 : vector<16xi32>
      %shift_right_logical3A_325 = arith.constant 10 : i32
      %shift_right_logical3A_326 = vector.broadcast %shift_right_logical3A_325 : i32 to vector<16xi32>
      %shift_right_logical3A_327 = arith.shrui %sub3A_324, %shift_right_logical3A_326 : vector<16xi32>
      %sub3A_328 = vector.broadcast %mul3A_258 : i32 to vector<16xi32>
      %sub3A_329 = arith.subi %bitcast_convert_type3A_249, %sub3A_328 : vector<16xi32>
      %shift_right_logical3A_330 = arith.constant 10 : i32
      %shift_right_logical3A_331 = vector.broadcast %shift_right_logical3A_330 : i32 to vector<16xi32>
      %shift_right_logical3A_332 = arith.shrui %sub3A_329, %shift_right_logical3A_331 : vector<16xi32>
      %sub3A_333 = vector.broadcast %mul3A_258 : i32 to vector<16xi32>
      %sub3A_334 = arith.subi %bitcast_convert_type3A_256, %sub3A_333 : vector<16xi32>
      %shift_right_logical3A_335 = arith.constant 10 : i32
      %shift_right_logical3A_336 = vector.broadcast %shift_right_logical3A_335 : i32 to vector<16xi32>
      %shift_right_logical3A_337 = arith.shrui %sub3A_334, %shift_right_logical3A_336 : vector<16xi32>
      %min3A = arith.constant 1024 : i32
      %min3A_338 = vector.broadcast %min3A : i32 to vector<16xi32>
      %min3A_339 = arith.minsi %shift_right_logical3A_262, %min3A_338 : vector<16xi32>
      %add3A_340 = arith.addi %mul3A_3, %min3A_339 : vector<16xi32>
      %min3A_341 = arith.constant 1024 : i32
      %min3A_342 = vector.broadcast %min3A_341 : i32 to vector<16xi32>
      %min3A_343 = arith.minsi %shift_right_logical3A_267, %min3A_342 : vector<16xi32>
      %add3A_344 = arith.addi %mul3A_3, %min3A_343 : vector<16xi32>
      %min3A_345 = arith.constant 1024 : i32
      %min3A_346 = vector.broadcast %min3A_345 : i32 to vector<16xi32>
      %min3A_347 = arith.minsi %shift_right_logical3A_272, %min3A_346 : vector<16xi32>
      %add3A_348 = arith.addi %mul3A_3, %min3A_347 : vector<16xi32>
      %min3A_349 = arith.constant 1024 : i32
      %min3A_350 = vector.broadcast %min3A_349 : i32 to vector<16xi32>
      %min3A_351 = arith.minsi %shift_right_logical3A_277, %min3A_350 : vector<16xi32>
      %add3A_352 = arith.addi %mul3A_3, %min3A_351 : vector<16xi32>
      %min3A_353 = arith.constant 1024 : i32
      %min3A_354 = vector.broadcast %min3A_353 : i32 to vector<16xi32>
      %min3A_355 = arith.minsi %shift_right_logical3A_282, %min3A_354 : vector<16xi32>
      %add3A_356 = arith.addi %mul3A_3, %min3A_355 : vector<16xi32>
      %min3A_357 = arith.constant 1024 : i32
      %min3A_358 = vector.broadcast %min3A_357 : i32 to vector<16xi32>
      %min3A_359 = arith.minsi %shift_right_logical3A_287, %min3A_358 : vector<16xi32>
      %add3A_360 = arith.addi %mul3A_3, %min3A_359 : vector<16xi32>
      %min3A_361 = arith.constant 1024 : i32
      %min3A_362 = vector.broadcast %min3A_361 : i32 to vector<16xi32>
      %min3A_363 = arith.minsi %shift_right_logical3A_292, %min3A_362 : vector<16xi32>
      %add3A_364 = arith.addi %mul3A_3, %min3A_363 : vector<16xi32>
      %min3A_365 = arith.constant 1024 : i32
      %min3A_366 = vector.broadcast %min3A_365 : i32 to vector<16xi32>
      %min3A_367 = arith.minsi %shift_right_logical3A_297, %min3A_366 : vector<16xi32>
      %add3A_368 = arith.addi %mul3A_3, %min3A_367 : vector<16xi32>
      %min3A_369 = arith.constant 1024 : i32
      %min3A_370 = vector.broadcast %min3A_369 : i32 to vector<16xi32>
      %min3A_371 = arith.minsi %shift_right_logical3A_302, %min3A_370 : vector<16xi32>
      %add3A_372 = arith.addi %mul3A_3, %min3A_371 : vector<16xi32>
      %min3A_373 = arith.constant 1024 : i32
      %min3A_374 = vector.broadcast %min3A_373 : i32 to vector<16xi32>
      %min3A_375 = arith.minsi %shift_right_logical3A_307, %min3A_374 : vector<16xi32>
      %add3A_376 = arith.addi %mul3A_3, %min3A_375 : vector<16xi32>
      %min3A_377 = arith.constant 1024 : i32
      %min3A_378 = vector.broadcast %min3A_377 : i32 to vector<16xi32>
      %min3A_379 = arith.minsi %shift_right_logical3A_312, %min3A_378 : vector<16xi32>
      %add3A_380 = arith.addi %mul3A_3, %min3A_379 : vector<16xi32>
      %min3A_381 = arith.constant 1024 : i32
      %min3A_382 = vector.broadcast %min3A_381 : i32 to vector<16xi32>
      %min3A_383 = arith.minsi %shift_right_logical3A_317, %min3A_382 : vector<16xi32>
      %add3A_384 = arith.addi %mul3A_3, %min3A_383 : vector<16xi32>
      %min3A_385 = arith.constant 1024 : i32
      %min3A_386 = vector.broadcast %min3A_385 : i32 to vector<16xi32>
      %min3A_387 = arith.minsi %shift_right_logical3A_322, %min3A_386 : vector<16xi32>
      %add3A_388 = arith.addi %mul3A_3, %min3A_387 : vector<16xi32>
      %min3A_389 = arith.constant 1024 : i32
      %min3A_390 = vector.broadcast %min3A_389 : i32 to vector<16xi32>
      %min3A_391 = arith.minsi %shift_right_logical3A_327, %min3A_390 : vector<16xi32>
      %add3A_392 = arith.addi %mul3A_3, %min3A_391 : vector<16xi32>
      %min3A_393 = arith.constant 1024 : i32
      %min3A_394 = vector.broadcast %min3A_393 : i32 to vector<16xi32>
      %min3A_395 = arith.minsi %shift_right_logical3A_332, %min3A_394 : vector<16xi32>
      %add3A_396 = arith.addi %mul3A_3, %min3A_395 : vector<16xi32>
      %min3A_397 = arith.constant 1024 : i32
      %min3A_398 = vector.broadcast %min3A_397 : i32 to vector<16xi32>
      %min3A_399 = arith.minsi %shift_right_logical3A_337, %min3A_398 : vector<16xi32>
      %add3A_400 = arith.addi %mul3A_3, %min3A_399 : vector<16xi32>
      tpu.vector_store_idx %arg6[%add3A_340], %broadcast_in_dim3A_6 {add = true} : memref<16512xi32, #tpu.memory_space<vmem>>[vector<16xi32>], vector<16xi32>,
      tpu.vector_store_idx %arg6[%add3A_344], %broadcast_in_dim3A_6 {add = true} : memref<16512xi32, #tpu.memory_space<vmem>>[vector<16xi32>], vector<16xi32>,
      tpu.vector_store_idx %arg6[%add3A_348], %broadcast_in_dim3A_6 {add = true} : memref<16512xi32, #tpu.memory_space<vmem>>[vector<16xi32>], vector<16xi32>,
      tpu.vector_store_idx %arg6[%add3A_352], %broadcast_in_dim3A_6 {add = true} : memref<16512xi32, #tpu.memory_space<vmem>>[vector<16xi32>], vector<16xi32>,
      tpu.vector_store_idx %arg6[%add3A_356], %broadcast_in_dim3A_6 {add = true} : memref<16512xi32, #tpu.memory_space<vmem>>[vector<16xi32>], vector<16xi32>,
      tpu.vector_store_idx %arg6[%add3A_360], %broadcast_in_dim3A_6 {add = true} : memref<16512xi32, #tpu.memory_space<vmem>>[vector<16xi32>], vector<16xi32>,
      tpu.vector_store_idx %arg6[%add3A_364], %broadcast_in_dim3A_6 {add = true} : memref<16512xi32, #tpu.memory_space<vmem>>[vector<16xi32>], vector<16xi32>,
      tpu.vector_store_idx %arg6[%add3A_368], %broadcast_in_dim3A_6 {add = true} : memref<16512xi32, #tpu.memory_space<vmem>>[vector<16xi32>], vector<16xi32>,
      tpu.vector_store_idx %arg6[%add3A_372], %broadcast_in_dim3A_6 {add = true} : memref<16512xi32, #tpu.memory_space<vmem>>[vector<16xi32>], vector<16xi32>,
      tpu.vector_store_idx %arg6[%add3A_376], %broadcast_in_dim3A_6 {add = true} : memref<16512xi32, #tpu.memory_space<vmem>>[vector<16xi32>], vector<16xi32>,
      tpu.vector_store_idx %arg6[%add3A_380], %broadcast_in_dim3A_6 {add = true} : memref<16512xi32, #tpu.memory_space<vmem>>[vector<16xi32>], vector<16xi32>,
      tpu.vector_store_idx %arg6[%add3A_384], %broadcast_in_dim3A_6 {add = true} : memref<16512xi32, #tpu.memory_space<vmem>>[vector<16xi32>], vector<16xi32>,
      tpu.vector_store_idx %arg6[%add3A_388], %broadcast_in_dim3A_6 {add = true} : memref<16512xi32, #tpu.memory_space<vmem>>[vector<16xi32>], vector<16xi32>,
      tpu.vector_store_idx %arg6[%add3A_392], %broadcast_in_dim3A_6 {add = true} : memref<16512xi32, #tpu.memory_space<vmem>>[vector<16xi32>], vector<16xi32>,
      tpu.vector_store_idx %arg6[%add3A_396], %broadcast_in_dim3A_6 {add = true} : memref<16512xi32, #tpu.memory_space<vmem>>[vector<16xi32>], vector<16xi32>,
      tpu.vector_store_idx %arg6[%add3A_400], %broadcast_in_dim3A_6 {add = true} : memref<16512xi32, #tpu.memory_space<vmem>>[vector<16xi32>], vector<16xi32>,
    }
    %scan3A_49 = arith.constant 128 : i32
    %scan3A_50 = arith.constant 0 : i32
    %scan3A_51 = arith.constant 0 : i32
    %scan3A_52 = arith.constant 64 : i32
    %scan3A_53 = arith.addi %scan3A_51, %scan3A_52 : i32
    %scan3A_54 = arith.constant 1 : i32
    %scan3A_55:3 = scf.for %scan3A_146 = %scan3A_51 to %scan3A_53 step %scan3A_54 iter_args(%scan3A_147 = %scan3A_50, %scan3A_148 = %broadcast_in_dim3A_4, %scan3A_149 = %broadcast_in_dim3A_4) -> (i32, vector<16xi32>, vector<16xi32>)  : i32 {
      %mul3A_150 = arith.constant 16 : i32
      %mul3A_151 = arith.muli %scan3A_146, %mul3A_150 : i32
      %add3A_152 = arith.constant 0 : i32
      %add3A_153 = arith.addi %add3A_152, %mul3A_151 : i32
      %get3A = arith.index_cast %add3A_153 : i32 to index
      %get3A_154 = tpu.vector_load %arg6[%get3A] {strides = array<i32>} : memref<16512xi32, #tpu.memory_space<vmem>>, vector<16xi32>,
      %add3A_155 = arith.addi %broadcast_in_dim3A_4, %get3A_154 : vector<16xi32>
      %swap3A = arith.index_cast %add3A_153 : i32 to index
      %swap3A_156 = tpu.vector_load %arg6[%swap3A] {strides = array<i32>} : memref<16512xi32, #tpu.memory_space<vmem>>, vector<16xi32>,
      tpu.vector_store %arg6[%swap3A], %broadcast_in_dim3A_4 {strides = array<i32>} : memref<16512xi32, #tpu.memory_space<vmem>>, vector<16xi32>,
      %mul3A_157 = arith.constant 16 : i32
      %mul3A_158 = arith.muli %scan3A_146, %mul3A_157 : i32
      %add3A_159 = arith.constant 1025 : i32
      %add3A_160 = arith.addi %add3A_159, %mul3A_158 : i32
      %get3A_161 = arith.index_cast %add3A_160 : i32 to index
      %get3A_162 = tpu.vector_load %arg6[%get3A_161] {strides = array<i32>} : memref<16512xi32, #tpu.memory_space<vmem>>, vector<16xi32>,
      %add3A_163 = arith.addi %add3A_155, %get3A_162 : vector<16xi32>
      %swap3A_164 = arith.index_cast %add3A_160 : i32 to index
      %swap3A_165 = tpu.vector_load %arg6[%swap3A_164] {strides = array<i32>} : memref<16512xi32, #tpu.memory_space<vmem>>, vector<16xi32>,
      tpu.vector_store %arg6[%swap3A_164], %broadcast_in_dim3A_4 {strides = array<i32>} : memref<16512xi32, #tpu.memory_space<vmem>>, vector<16xi32>,
      %mul3A_166 = arith.constant 16 : i32
      %mul3A_167 = arith.muli %scan3A_146, %mul3A_166 : i32
      %add3A_168 = arith.constant 2050 : i32
      %add3A_169 = arith.addi %add3A_168, %mul3A_167 : i32
      %get3A_170 = arith.index_cast %add3A_169 : i32 to index
      %get3A_171 = tpu.vector_load %arg6[%get3A_170] {strides = array<i32>} : memref<16512xi32, #tpu.memory_space<vmem>>, vector<16xi32>,
      %add3A_172 = arith.addi %add3A_163, %get3A_171 : vector<16xi32>
      %swap3A_173 = arith.index_cast %add3A_169 : i32 to index
      %swap3A_174 = tpu.vector_load %arg6[%swap3A_173] {strides = array<i32>} : memref<16512xi32, #tpu.memory_space<vmem>>, vector<16xi32>,
      tpu.vector_store %arg6[%swap3A_173], %broadcast_in_dim3A_4 {strides = array<i32>} : memref<16512xi32, #tpu.memory_space<vmem>>, vector<16xi32>,
      %mul3A_175 = arith.constant 16 : i32
      %mul3A_176 = arith.muli %scan3A_146, %mul3A_175 : i32
      %add3A_177 = arith.constant 3075 : i32
      %add3A_178 = arith.addi %add3A_177, %mul3A_176 : i32
      %get3A_179 = arith.index_cast %add3A_178 : i32 to index
      %get3A_180 = tpu.vector_load %arg6[%get3A_179] {strides = array<i32>} : memref<16512xi32, #tpu.memory_space<vmem>>, vector<16xi32>,
      %add3A_181 = arith.addi %add3A_172, %get3A_180 : vector<16xi32>
      %swap3A_182 = arith.index_cast %add3A_178 : i32 to index
      %swap3A_183 = tpu.vector_load %arg6[%swap3A_182] {strides = array<i32>} : memref<16512xi32, #tpu.memory_space<vmem>>, vector<16xi32>,
      tpu.vector_store %arg6[%swap3A_182], %broadcast_in_dim3A_4 {strides = array<i32>} : memref<16512xi32, #tpu.memory_space<vmem>>, vector<16xi32>,
      %mul3A_184 = arith.constant 16 : i32
      %mul3A_185 = arith.muli %scan3A_146, %mul3A_184 : i32
      %add3A_186 = arith.constant 4100 : i32
      %add3A_187 = arith.addi %add3A_186, %mul3A_185 : i32
      %get3A_188 = arith.index_cast %add3A_187 : i32 to index
      %get3A_189 = tpu.vector_load %arg6[%get3A_188] {strides = array<i32>} : memref<16512xi32, #tpu.memory_space<vmem>>, vector<16xi32>,
      %add3A_190 = arith.addi %add3A_181, %get3A_189 : vector<16xi32>
      %swap3A_191 = arith.index_cast %add3A_187 : i32 to index
      %swap3A_192 = tpu.vector_load %arg6[%swap3A_191] {strides = array<i32>} : memref<16512xi32, #tpu.memory_space<vmem>>, vector<16xi32>,
      tpu.vector_store %arg6[%swap3A_191], %broadcast_in_dim3A_4 {strides = array<i32>} : memref<16512xi32, #tpu.memory_space<vmem>>, vector<16xi32>,
      %mul3A_193 = arith.constant 16 : i32
      %mul3A_194 = arith.muli %scan3A_146, %mul3A_193 : i32
      %add3A_195 = arith.constant 5125 : i32
      %add3A_196 = arith.addi %add3A_195, %mul3A_194 : i32
      %get3A_197 = arith.index_cast %add3A_196 : i32 to index
      %get3A_198 = tpu.vector_load %arg6[%get3A_197] {strides = array<i32>} : memref<16512xi32, #tpu.memory_space<vmem>>, vector<16xi32>,
      %add3A_199 = arith.addi %add3A_190, %get3A_198 : vector<16xi32>
      %swap3A_200 = arith.index_cast %add3A_196 : i32 to index
      %swap3A_201 = tpu.vector_load %arg6[%swap3A_200] {strides = array<i32>} : memref<16512xi32, #tpu.memory_space<vmem>>, vector<16xi32>,
      tpu.vector_store %arg6[%swap3A_200], %broadcast_in_dim3A_4 {strides = array<i32>} : memref<16512xi32, #tpu.memory_space<vmem>>, vector<16xi32>,
      %mul3A_202 = arith.constant 16 : i32
      %mul3A_203 = arith.muli %scan3A_146, %mul3A_202 : i32
      %add3A_204 = arith.constant 6150 : i32
      %add3A_205 = arith.addi %add3A_204, %mul3A_203 : i32
      %get3A_206 = arith.index_cast %add3A_205 : i32 to index
      %get3A_207 = tpu.vector_load %arg6[%get3A_206] {strides = array<i32>} : memref<16512xi32, #tpu.memory_space<vmem>>, vector<16xi32>,
      %add3A_208 = arith.addi %add3A_199, %get3A_207 : vector<16xi32>
      %swap3A_209 = arith.index_cast %add3A_205 : i32 to index
      %swap3A_210 = tpu.vector_load %arg6[%swap3A_209] {strides = array<i32>} : memref<16512xi32, #tpu.memory_space<vmem>>, vector<16xi32>,
      tpu.vector_store %arg6[%swap3A_209], %broadcast_in_dim3A_4 {strides = array<i32>} : memref<16512xi32, #tpu.memory_space<vmem>>, vector<16xi32>,
      %mul3A_211 = arith.constant 16 : i32
      %mul3A_212 = arith.muli %scan3A_146, %mul3A_211 : i32
      %add3A_213 = arith.constant 7175 : i32
      %add3A_214 = arith.addi %add3A_213, %mul3A_212 : i32
      %get3A_215 = arith.index_cast %add3A_214 : i32 to index
      %get3A_216 = tpu.vector_load %arg6[%get3A_215] {strides = array<i32>} : memref<16512xi32, #tpu.memory_space<vmem>>, vector<16xi32>,
      %add3A_217 = arith.addi %add3A_208, %get3A_216 : vector<16xi32>
      %swap3A_218 = arith.index_cast %add3A_214 : i32 to index
      %swap3A_219 = tpu.vector_load %arg6[%swap3A_218] {strides = array<i32>} : memref<16512xi32, #tpu.memory_space<vmem>>, vector<16xi32>,
      tpu.vector_store %arg6[%swap3A_218], %broadcast_in_dim3A_4 {strides = array<i32>} : memref<16512xi32, #tpu.memory_space<vmem>>, vector<16xi32>,
      %mul3A_220 = arith.constant 16 : i32
      %mul3A_221 = arith.muli %scan3A_146, %mul3A_220 : i32
      %add3A_222 = arith.constant 8200 : i32
      %add3A_223 = arith.addi %add3A_222, %mul3A_221 : i32
      %get3A_224 = arith.index_cast %add3A_223 : i32 to index
      %get3A_225 = tpu.vector_load %arg6[%get3A_224] {strides = array<i32>} : memref<16512xi32, #tpu.memory_space<vmem>>, vector<16xi32>,
      %add3A_226 = arith.addi %add3A_217, %get3A_225 : vector<16xi32>
      %swap3A_227 = arith.index_cast %add3A_223 : i32 to index
      %swap3A_228 = tpu.vector_load %arg6[%swap3A_227] {strides = array<i32>} : memref<16512xi32, #tpu.memory_space<vmem>>, vector<16xi32>,
      tpu.vector_store %arg6[%swap3A_227], %broadcast_in_dim3A_4 {strides = array<i32>} : memref<16512xi32, #tpu.memory_space<vmem>>, vector<16xi32>,
      %mul3A_229 = arith.constant 16 : i32
      %mul3A_230 = arith.muli %scan3A_146, %mul3A_229 : i32
      %add3A_231 = arith.constant 9225 : i32
      %add3A_232 = arith.addi %add3A_231, %mul3A_230 : i32
      %get3A_233 = arith.index_cast %add3A_232 : i32 to index
      %get3A_234 = tpu.vector_load %arg6[%get3A_233] {strides = array<i32>} : memref<16512xi32, #tpu.memory_space<vmem>>, vector<16xi32>,
      %add3A_235 = arith.addi %add3A_226, %get3A_234 : vector<16xi32>
      %swap3A_236 = arith.index_cast %add3A_232 : i32 to index
      %swap3A_237 = tpu.vector_load %arg6[%swap3A_236] {strides = array<i32>} : memref<16512xi32, #tpu.memory_space<vmem>>, vector<16xi32>,
      tpu.vector_store %arg6[%swap3A_236], %broadcast_in_dim3A_4 {strides = array<i32>} : memref<16512xi32, #tpu.memory_space<vmem>>, vector<16xi32>,
      %mul3A_238 = arith.constant 16 : i32
      %mul3A_239 = arith.muli %scan3A_146, %mul3A_238 : i32
      %add3A_240 = arith.constant 10250 : i32
      %add3A_241 = arith.addi %add3A_240, %mul3A_239 : i32
      %get3A_242 = arith.index_cast %add3A_241 : i32 to index
      %get3A_243 = tpu.vector_load %arg6[%get3A_242] {strides = array<i32>} : memref<16512xi32, #tpu.memory_space<vmem>>, vector<16xi32>,
      %add3A_244 = arith.addi %add3A_235, %get3A_243 : vector<16xi32>
      %swap3A_245 = arith.index_cast %add3A_241 : i32 to index
      %swap3A_246 = tpu.vector_load %arg6[%swap3A_245] {strides = array<i32>} : memref<16512xi32, #tpu.memory_space<vmem>>, vector<16xi32>,
      tpu.vector_store %arg6[%swap3A_245], %broadcast_in_dim3A_4 {strides = array<i32>} : memref<16512xi32, #tpu.memory_space<vmem>>, vector<16xi32>,
      %mul3A_247 = arith.constant 16 : i32
      %mul3A_248 = arith.muli %scan3A_146, %mul3A_247 : i32
      %add3A_249 = arith.constant 11275 : i32
      %add3A_250 = arith.addi %add3A_249, %mul3A_248 : i32
      %get3A_251 = arith.index_cast %add3A_250 : i32 to index
      %get3A_252 = tpu.vector_load %arg6[%get3A_251] {strides = array<i32>} : memref<16512xi32, #tpu.memory_space<vmem>>, vector<16xi32>,
      %add3A_253 = arith.addi %add3A_244, %get3A_252 : vector<16xi32>
      %swap3A_254 = arith.index_cast %add3A_250 : i32 to index
      %swap3A_255 = tpu.vector_load %arg6[%swap3A_254] {strides = array<i32>} : memref<16512xi32, #tpu.memory_space<vmem>>, vector<16xi32>,
      tpu.vector_store %arg6[%swap3A_254], %broadcast_in_dim3A_4 {strides = array<i32>} : memref<16512xi32, #tpu.memory_space<vmem>>, vector<16xi32>,
      %mul3A_256 = arith.constant 16 : i32
      %mul3A_257 = arith.muli %scan3A_146, %mul3A_256 : i32
      %add3A_258 = arith.constant 12300 : i32
      %add3A_259 = arith.addi %add3A_258, %mul3A_257 : i32
      %get3A_260 = arith.index_cast %add3A_259 : i32 to index
      %get3A_261 = tpu.vector_load %arg6[%get3A_260] {strides = array<i32>} : memref<16512xi32, #tpu.memory_space<vmem>>, vector<16xi32>,
      %add3A_262 = arith.addi %add3A_253, %get3A_261 : vector<16xi32>
      %swap3A_263 = arith.index_cast %add3A_259 : i32 to index
      %swap3A_264 = tpu.vector_load %arg6[%swap3A_263] {strides = array<i32>} : memref<16512xi32, #tpu.memory_space<vmem>>, vector<16xi32>,
      tpu.vector_store %arg6[%swap3A_263], %broadcast_in_dim3A_4 {strides = array<i32>} : memref<16512xi32, #tpu.memory_space<vmem>>, vector<16xi32>,
      %mul3A_265 = arith.constant 16 : i32
      %mul3A_266 = arith.muli %scan3A_146, %mul3A_265 : i32
      %add3A_267 = arith.constant 13325 : i32
      %add3A_268 = arith.addi %add3A_267, %mul3A_266 : i32
      %get3A_269 = arith.index_cast %add3A_268 : i32 to index
      %get3A_270 = tpu.vector_load %arg6[%get3A_269] {strides = array<i32>} : memref<16512xi32, #tpu.memory_space<vmem>>, vector<16xi32>,
      %add3A_271 = arith.addi %add3A_262, %get3A_270 : vector<16xi32>
      %swap3A_272 = arith.index_cast %add3A_268 : i32 to index
      %swap3A_273 = tpu.vector_load %arg6[%swap3A_272] {strides = array<i32>} : memref<16512xi32, #tpu.memory_space<vmem>>, vector<16xi32>,
      tpu.vector_store %arg6[%swap3A_272], %broadcast_in_dim3A_4 {strides = array<i32>} : memref<16512xi32, #tpu.memory_space<vmem>>, vector<16xi32>,
      %mul3A_274 = arith.constant 16 : i32
      %mul3A_275 = arith.muli %scan3A_146, %mul3A_274 : i32
      %add3A_276 = arith.constant 14350 : i32
      %add3A_277 = arith.addi %add3A_276, %mul3A_275 : i32
      %get3A_278 = arith.index_cast %add3A_277 : i32 to index
      %get3A_279 = tpu.vector_load %arg6[%get3A_278] {strides = array<i32>} : memref<16512xi32, #tpu.memory_space<vmem>>, vector<16xi32>,
      %add3A_280 = arith.addi %add3A_271, %get3A_279 : vector<16xi32>
      %swap3A_281 = arith.index_cast %add3A_277 : i32 to index
      %swap3A_282 = tpu.vector_load %arg6[%swap3A_281] {strides = array<i32>} : memref<16512xi32, #tpu.memory_space<vmem>>, vector<16xi32>,
      tpu.vector_store %arg6[%swap3A_281], %broadcast_in_dim3A_4 {strides = array<i32>} : memref<16512xi32, #tpu.memory_space<vmem>>, vector<16xi32>,
      %mul3A_283 = arith.constant 16 : i32
      %mul3A_284 = arith.muli %scan3A_146, %mul3A_283 : i32
      %add3A_285 = arith.constant 15375 : i32
      %add3A_286 = arith.addi %add3A_285, %mul3A_284 : i32
      %get3A_287 = arith.index_cast %add3A_286 : i32 to index
      %get3A_288 = tpu.vector_load %arg6[%get3A_287] {strides = array<i32>} : memref<16512xi32, #tpu.memory_space<vmem>>, vector<16xi32>,
      %add3A_289 = arith.addi %add3A_280, %get3A_288 : vector<16xi32>
      %swap3A_290 = arith.index_cast %add3A_286 : i32 to index
      %swap3A_291 = tpu.vector_load %arg6[%swap3A_290] {strides = array<i32>} : memref<16512xi32, #tpu.memory_space<vmem>>, vector<16xi32>,
      tpu.vector_store %arg6[%swap3A_290], %broadcast_in_dim3A_4 {strides = array<i32>} : memref<16512xi32, #tpu.memory_space<vmem>>, vector<16xi32>,
      %cumsum3A = arith.constant true
      %cumsum3A_292 = vector.broadcast %cumsum3A : i1 to vector<16xi1>
      %cumsum3A_293 = tpu.scan <sum>, %add3A_289 masked %cumsum3A_292 : vector<16xi32>, vector<16xi1> -> vector<16xi32>
      %add3A_294 = vector.broadcast %scan3A_147 : i32 to vector<16xi32>
      %add3A_295 = arith.addi %cumsum3A_293, %add3A_294 : vector<16xi32>
      %lt3A = vector.broadcast %sub3A_43 : i32 to vector<16xi32>
      %lt3A_296 = arith.cmpi slt, %add3A_295, %lt3A : vector<16xi32>
      %convert_element_type3A = arith.extui %lt3A_296 : vector<16xi1> to vector<16xi32>
      %add3A_297 = arith.addi %scan3A_148, %convert_element_type3A : vector<16xi32>
      %mul3A_298 = arith.muli %add3A_289, %convert_element_type3A : vector<16xi32>
      %add3A_299 = arith.addi %scan3A_149, %mul3A_298 : vector<16xi32>
      %reduce_sum3A_300 = arith.constant true
      %reduce_sum3A_301 = vector.broadcast %reduce_sum3A_300 : i1 to vector<16xi1>
      %reduce_sum3A_302 = tpu.scan <sum>, %add3A_289 masked %reduce_sum3A_301 : vector<16xi32>, vector<16xi1> -> vector<16xi32>
      %reduce_sum3A_303 = vector.extract %reduce_sum3A_302[15] : i32 from vector<16xi32>
      %add3A_304 = arith.addi %scan3A_147, %reduce_sum3A_303 : i32
      scf.yield %add3A_304, %add3A_297, %add3A_299 : i32, vector<16xi32>, vector<16xi32>
    }
    %scan3A_56 = arith.constant 64 : i32
    %reduce_sum3A_57 = arith.constant true
    %reduce_sum3A_58 = vector.broadcast %reduce_sum3A_57 : i1 to vector<16xi1>
    %reduce_sum3A_59 = tpu.scan <sum>, %scan3A_55#1 masked %reduce_sum3A_58 : vector<16xi32>, vector<16xi1> -> vector<16xi32>
    %reduce_sum3A_60 = vector.extract %reduce_sum3A_59[15] : i32 from vector<16xi32>
    %reduce_sum3A_61 = arith.constant true
    %reduce_sum3A_62 = vector.broadcast %reduce_sum3A_61 : i1 to vector<16xi1>
    %reduce_sum3A_63 = tpu.scan <sum>, %scan3A_55#2 masked %reduce_sum3A_62 : vector<16xi32>, vector<16xi1> -> vector<16xi32>
    %reduce_sum3A_64 = vector.extract %reduce_sum3A_63[15] : i32 from vector<16xi32>
    %sub3A_65 = arith.subi %sub3A_43, %reduce_sum3A_64 : i32
    %mul3A_66 = arith.constant 1024 : i32
    %mul3A_67 = arith.muli %reduce_sum3A_38, %mul3A_66 : i32
    %add3A_68 = arith.addi %mul3A_67, %reduce_sum3A_60 : i32
    %scan3A_69 = arith.constant 0 : i32
    %scan3A_70 = arith.constant 0 : i32
    %scan3A_71 = arith.constant 128 : i32
    %scan3A_72 = arith.addi %scan3A_70, %scan3A_71 : i32
    %scan3A_73 = arith.constant 1 : i32
    scf.for %scan3A_146 = %scan3A_70 to %scan3A_72 step %scan3A_73  : i32 {
      %mul3A_147 = arith.constant 256 : i32
      %mul3A_148 = arith.muli %scan3A_146, %mul3A_147 : i32
      %add3A_149 = arith.constant 0 : i32
      %add3A_150 = arith.addi %mul3A_148, %add3A_149 : i32
      %get3A = arith.index_cast %add3A_150 : i32 to index
      %get3A_151 = tpu.vector_load %arg5[%get3A] {strides = array<i32>} : memref<32768xf32, #tpu.memory_space<vmem>>, vector<16xf32>,
      %bitcast_convert_type3A = tpu.bitcast %get3A_151 : vector<16xf32> -> vector<16xi32>
      %mul3A_152 = arith.constant 256 : i32
      %mul3A_153 = arith.muli %scan3A_146, %mul3A_152 : i32
      %add3A_154 = arith.constant 16 : i32
      %add3A_155 = arith.addi %mul3A_153, %add3A_154 : i32
      %get3A_156 = arith.index_cast %add3A_155 : i32 to index
      %get3A_157 = tpu.vector_load %arg5[%get3A_156] {strides = array<i32>} : memref<32768xf32, #tpu.memory_space<vmem>>, vector<16xf32>,
      %bitcast_convert_type3A_158 = tpu.bitcast %get3A_157 : vector<16xf32> -> vector<16xi32>
      %mul3A_159 = arith.constant 256 : i32
      %mul3A_160 = arith.muli %scan3A_146, %mul3A_159 : i32
      %add3A_161 = arith.constant 32 : i32
      %add3A_162 = arith.addi %mul3A_160, %add3A_161 : i32
      %get3A_163 = arith.index_cast %add3A_162 : i32 to index
      %get3A_164 = tpu.vector_load %arg5[%get3A_163] {strides = array<i32>} : memref<32768xf32, #tpu.memory_space<vmem>>, vector<16xf32>,
      %bitcast_convert_type3A_165 = tpu.bitcast %get3A_164 : vector<16xf32> -> vector<16xi32>
      %mul3A_166 = arith.constant 256 : i32
      %mul3A_167 = arith.muli %scan3A_146, %mul3A_166 : i32
      %add3A_168 = arith.constant 48 : i32
      %add3A_169 = arith.addi %mul3A_167, %add3A_168 : i32
      %get3A_170 = arith.index_cast %add3A_169 : i32 to index
      %get3A_171 = tpu.vector_load %arg5[%get3A_170] {strides = array<i32>} : memref<32768xf32, #tpu.memory_space<vmem>>, vector<16xf32>,
      %bitcast_convert_type3A_172 = tpu.bitcast %get3A_171 : vector<16xf32> -> vector<16xi32>
      %mul3A_173 = arith.constant 256 : i32
      %mul3A_174 = arith.muli %scan3A_146, %mul3A_173 : i32
      %add3A_175 = arith.constant 64 : i32
      %add3A_176 = arith.addi %mul3A_174, %add3A_175 : i32
      %get3A_177 = arith.index_cast %add3A_176 : i32 to index
      %get3A_178 = tpu.vector_load %arg5[%get3A_177] {strides = array<i32>} : memref<32768xf32, #tpu.memory_space<vmem>>, vector<16xf32>,
      %bitcast_convert_type3A_179 = tpu.bitcast %get3A_178 : vector<16xf32> -> vector<16xi32>
      %mul3A_180 = arith.constant 256 : i32
      %mul3A_181 = arith.muli %scan3A_146, %mul3A_180 : i32
      %add3A_182 = arith.constant 80 : i32
      %add3A_183 = arith.addi %mul3A_181, %add3A_182 : i32
      %get3A_184 = arith.index_cast %add3A_183 : i32 to index
      %get3A_185 = tpu.vector_load %arg5[%get3A_184] {strides = array<i32>} : memref<32768xf32, #tpu.memory_space<vmem>>, vector<16xf32>,
      %bitcast_convert_type3A_186 = tpu.bitcast %get3A_185 : vector<16xf32> -> vector<16xi32>
      %mul3A_187 = arith.constant 256 : i32
      %mul3A_188 = arith.muli %scan3A_146, %mul3A_187 : i32
      %add3A_189 = arith.constant 96 : i32
      %add3A_190 = arith.addi %mul3A_188, %add3A_189 : i32
      %get3A_191 = arith.index_cast %add3A_190 : i32 to index
      %get3A_192 = tpu.vector_load %arg5[%get3A_191] {strides = array<i32>} : memref<32768xf32, #tpu.memory_space<vmem>>, vector<16xf32>,
      %bitcast_convert_type3A_193 = tpu.bitcast %get3A_192 : vector<16xf32> -> vector<16xi32>
      %mul3A_194 = arith.constant 256 : i32
      %mul3A_195 = arith.muli %scan3A_146, %mul3A_194 : i32
      %add3A_196 = arith.constant 112 : i32
      %add3A_197 = arith.addi %mul3A_195, %add3A_196 : i32
      %get3A_198 = arith.index_cast %add3A_197 : i32 to index
      %get3A_199 = tpu.vector_load %arg5[%get3A_198] {strides = array<i32>} : memref<32768xf32, #tpu.memory_space<vmem>>, vector<16xf32>,
      %bitcast_convert_type3A_200 = tpu.bitcast %get3A_199 : vector<16xf32> -> vector<16xi32>
      %mul3A_201 = arith.constant 256 : i32
      %mul3A_202 = arith.muli %scan3A_146, %mul3A_201 : i32
      %add3A_203 = arith.constant 128 : i32
      %add3A_204 = arith.addi %mul3A_202, %add3A_203 : i32
      %get3A_205 = arith.index_cast %add3A_204 : i32 to index
      %get3A_206 = tpu.vector_load %arg5[%get3A_205] {strides = array<i32>} : memref<32768xf32, #tpu.memory_space<vmem>>, vector<16xf32>,
      %bitcast_convert_type3A_207 = tpu.bitcast %get3A_206 : vector<16xf32> -> vector<16xi32>
      %mul3A_208 = arith.constant 256 : i32
      %mul3A_209 = arith.muli %scan3A_146, %mul3A_208 : i32
      %add3A_210 = arith.constant 144 : i32
      %add3A_211 = arith.addi %mul3A_209, %add3A_210 : i32
      %get3A_212 = arith.index_cast %add3A_211 : i32 to index
      %get3A_213 = tpu.vector_load %arg5[%get3A_212] {strides = array<i32>} : memref<32768xf32, #tpu.memory_space<vmem>>, vector<16xf32>,
      %bitcast_convert_type3A_214 = tpu.bitcast %get3A_213 : vector<16xf32> -> vector<16xi32>
      %mul3A_215 = arith.constant 256 : i32
      %mul3A_216 = arith.muli %scan3A_146, %mul3A_215 : i32
      %add3A_217 = arith.constant 160 : i32
      %add3A_218 = arith.addi %mul3A_216, %add3A_217 : i32
      %get3A_219 = arith.index_cast %add3A_218 : i32 to index
      %get3A_220 = tpu.vector_load %arg5[%get3A_219] {strides = array<i32>} : memref<32768xf32, #tpu.memory_space<vmem>>, vector<16xf32>,
      %bitcast_convert_type3A_221 = tpu.bitcast %get3A_220 : vector<16xf32> -> vector<16xi32>
      %mul3A_222 = arith.constant 256 : i32
      %mul3A_223 = arith.muli %scan3A_146, %mul3A_222 : i32
      %add3A_224 = arith.constant 176 : i32
      %add3A_225 = arith.addi %mul3A_223, %add3A_224 : i32
      %get3A_226 = arith.index_cast %add3A_225 : i32 to index
      %get3A_227 = tpu.vector_load %arg5[%get3A_226] {strides = array<i32>} : memref<32768xf32, #tpu.memory_space<vmem>>, vector<16xf32>,
      %bitcast_convert_type3A_228 = tpu.bitcast %get3A_227 : vector<16xf32> -> vector<16xi32>
      %mul3A_229 = arith.constant 256 : i32
      %mul3A_230 = arith.muli %scan3A_146, %mul3A_229 : i32
      %add3A_231 = arith.constant 192 : i32
      %add3A_232 = arith.addi %mul3A_230, %add3A_231 : i32
      %get3A_233 = arith.index_cast %add3A_232 : i32 to index
      %get3A_234 = tpu.vector_load %arg5[%get3A_233] {strides = array<i32>} : memref<32768xf32, #tpu.memory_space<vmem>>, vector<16xf32>,
      %bitcast_convert_type3A_235 = tpu.bitcast %get3A_234 : vector<16xf32> -> vector<16xi32>
      %mul3A_236 = arith.constant 256 : i32
      %mul3A_237 = arith.muli %scan3A_146, %mul3A_236 : i32
      %add3A_238 = arith.constant 208 : i32
      %add3A_239 = arith.addi %mul3A_237, %add3A_238 : i32
      %get3A_240 = arith.index_cast %add3A_239 : i32 to index
      %get3A_241 = tpu.vector_load %arg5[%get3A_240] {strides = array<i32>} : memref<32768xf32, #tpu.memory_space<vmem>>, vector<16xf32>,
      %bitcast_convert_type3A_242 = tpu.bitcast %get3A_241 : vector<16xf32> -> vector<16xi32>
      %mul3A_243 = arith.constant 256 : i32
      %mul3A_244 = arith.muli %scan3A_146, %mul3A_243 : i32
      %add3A_245 = arith.constant 224 : i32
      %add3A_246 = arith.addi %mul3A_244, %add3A_245 : i32
      %get3A_247 = arith.index_cast %add3A_246 : i32 to index
      %get3A_248 = tpu.vector_load %arg5[%get3A_247] {strides = array<i32>} : memref<32768xf32, #tpu.memory_space<vmem>>, vector<16xf32>,
      %bitcast_convert_type3A_249 = tpu.bitcast %get3A_248 : vector<16xf32> -> vector<16xi32>
      %mul3A_250 = arith.constant 256 : i32
      %mul3A_251 = arith.muli %scan3A_146, %mul3A_250 : i32
      %add3A_252 = arith.constant 240 : i32
      %add3A_253 = arith.addi %mul3A_251, %add3A_252 : i32
      %get3A_254 = arith.index_cast %add3A_253 : i32 to index
      %get3A_255 = tpu.vector_load %arg5[%get3A_254] {strides = array<i32>} : memref<32768xf32, #tpu.memory_space<vmem>>, vector<16xf32>,
      %bitcast_convert_type3A_256 = tpu.bitcast %get3A_255 : vector<16xf32> -> vector<16xi32>
      %mul3A_257 = arith.constant 1024 : i32
      %mul3A_258 = arith.muli %add3A_68, %mul3A_257 : i32
      %sub3A_259 = vector.broadcast %mul3A_258 : i32 to vector<16xi32>
      %sub3A_260 = arith.subi %bitcast_convert_type3A, %sub3A_259 : vector<16xi32>
      %bitcast_convert_type3A_261 = tpu.bitcast %sub3A_260 : vector<16xi32> -> vector<16xi32>
      %sub3A_262 = vector.broadcast %mul3A_258 : i32 to vector<16xi32>
      %sub3A_263 = arith.subi %bitcast_convert_type3A_158, %sub3A_262 : vector<16xi32>
      %bitcast_convert_type3A_264 = tpu.bitcast %sub3A_263 : vector<16xi32> -> vector<16xi32>
      %sub3A_265 = vector.broadcast %mul3A_258 : i32 to vector<16xi32>
      %sub3A_266 = arith.subi %bitcast_convert_type3A_165, %sub3A_265 : vector<16xi32>
      %bitcast_convert_type3A_267 = tpu.bitcast %sub3A_266 : vector<16xi32> -> vector<16xi32>
      %sub3A_268 = vector.broadcast %mul3A_258 : i32 to vector<16xi32>
      %sub3A_269 = arith.subi %bitcast_convert_type3A_172, %sub3A_268 : vector<16xi32>
      %bitcast_convert_type3A_270 = tpu.bitcast %sub3A_269 : vector<16xi32> -> vector<16xi32>
      %sub3A_271 = vector.broadcast %mul3A_258 : i32 to vector<16xi32>
      %sub3A_272 = arith.subi %bitcast_convert_type3A_179, %sub3A_271 : vector<16xi32>
      %bitcast_convert_type3A_273 = tpu.bitcast %sub3A_272 : vector<16xi32> -> vector<16xi32>
      %sub3A_274 = vector.broadcast %mul3A_258 : i32 to vector<16xi32>
      %sub3A_275 = arith.subi %bitcast_convert_type3A_186, %sub3A_274 : vector<16xi32>
      %bitcast_convert_type3A_276 = tpu.bitcast %sub3A_275 : vector<16xi32> -> vector<16xi32>
      %sub3A_277 = vector.broadcast %mul3A_258 : i32 to vector<16xi32>
      %sub3A_278 = arith.subi %bitcast_convert_type3A_193, %sub3A_277 : vector<16xi32>
      %bitcast_convert_type3A_279 = tpu.bitcast %sub3A_278 : vector<16xi32> -> vector<16xi32>
      %sub3A_280 = vector.broadcast %mul3A_258 : i32 to vector<16xi32>
      %sub3A_281 = arith.subi %bitcast_convert_type3A_200, %sub3A_280 : vector<16xi32>
      %bitcast_convert_type3A_282 = tpu.bitcast %sub3A_281 : vector<16xi32> -> vector<16xi32>
      %sub3A_283 = vector.broadcast %mul3A_258 : i32 to vector<16xi32>
      %sub3A_284 = arith.subi %bitcast_convert_type3A_207, %sub3A_283 : vector<16xi32>
      %bitcast_convert_type3A_285 = tpu.bitcast %sub3A_284 : vector<16xi32> -> vector<16xi32>
      %sub3A_286 = vector.broadcast %mul3A_258 : i32 to vector<16xi32>
      %sub3A_287 = arith.subi %bitcast_convert_type3A_214, %sub3A_286 : vector<16xi32>
      %bitcast_convert_type3A_288 = tpu.bitcast %sub3A_287 : vector<16xi32> -> vector<16xi32>
      %sub3A_289 = vector.broadcast %mul3A_258 : i32 to vector<16xi32>
      %sub3A_290 = arith.subi %bitcast_convert_type3A_221, %sub3A_289 : vector<16xi32>
      %bitcast_convert_type3A_291 = tpu.bitcast %sub3A_290 : vector<16xi32> -> vector<16xi32>
      %sub3A_292 = vector.broadcast %mul3A_258 : i32 to vector<16xi32>
      %sub3A_293 = arith.subi %bitcast_convert_type3A_228, %sub3A_292 : vector<16xi32>
      %bitcast_convert_type3A_294 = tpu.bitcast %sub3A_293 : vector<16xi32> -> vector<16xi32>
      %sub3A_295 = vector.broadcast %mul3A_258 : i32 to vector<16xi32>
      %sub3A_296 = arith.subi %bitcast_convert_type3A_235, %sub3A_295 : vector<16xi32>
      %bitcast_convert_type3A_297 = tpu.bitcast %sub3A_296 : vector<16xi32> -> vector<16xi32>
      %sub3A_298 = vector.broadcast %mul3A_258 : i32 to vector<16xi32>
      %sub3A_299 = arith.subi %bitcast_convert_type3A_242, %sub3A_298 : vector<16xi32>
      %bitcast_convert_type3A_300 = tpu.bitcast %sub3A_299 : vector<16xi32> -> vector<16xi32>
      %sub3A_301 = vector.broadcast %mul3A_258 : i32 to vector<16xi32>
      %sub3A_302 = arith.subi %bitcast_convert_type3A_249, %sub3A_301 : vector<16xi32>
      %bitcast_convert_type3A_303 = tpu.bitcast %sub3A_302 : vector<16xi32> -> vector<16xi32>
      %sub3A_304 = vector.broadcast %mul3A_258 : i32 to vector<16xi32>
      %sub3A_305 = arith.subi %bitcast_convert_type3A_256, %sub3A_304 : vector<16xi32>
      %bitcast_convert_type3A_306 = tpu.bitcast %sub3A_305 : vector<16xi32> -> vector<16xi32>
      %min3A = arith.constant 1024 : i32
      %min3A_307 = vector.broadcast %min3A : i32 to vector<16xi32>
      %min3A_308 = arith.minui %bitcast_convert_type3A_261, %min3A_307 : vector<16xi32>
      %bitcast_convert_type3A_309 = tpu.bitcast %min3A_308 : vector<16xi32> -> vector<16xi32>
      %add3A_310 = arith.addi %mul3A_3, %bitcast_convert_type3A_309 : vector<16xi32>
      %min3A_311 = arith.constant 1024 : i32
      %min3A_312 = vector.broadcast %min3A_311 : i32 to vector<16xi32>
      %min3A_313 = arith.minui %bitcast_convert_type3A_264, %min3A_312 : vector<16xi32>
      %bitcast_convert_type3A_314 = tpu.bitcast %min3A_313 : vector<16xi32> -> vector<16xi32>
      %add3A_315 = arith.addi %mul3A_3, %bitcast_convert_type3A_314 : vector<16xi32>
      %min3A_316 = arith.constant 1024 : i32
      %min3A_317 = vector.broadcast %min3A_316 : i32 to vector<16xi32>
      %min3A_318 = arith.minui %bitcast_convert_type3A_267, %min3A_317 : vector<16xi32>
      %bitcast_convert_type3A_319 = tpu.bitcast %min3A_318 : vector<16xi32> -> vector<16xi32>
      %add3A_320 = arith.addi %mul3A_3, %bitcast_convert_type3A_319 : vector<16xi32>
      %min3A_321 = arith.constant 1024 : i32
      %min3A_322 = vector.broadcast %min3A_321 : i32 to vector<16xi32>
      %min3A_323 = arith.minui %bitcast_convert_type3A_270, %min3A_322 : vector<16xi32>
      %bitcast_convert_type3A_324 = tpu.bitcast %min3A_323 : vector<16xi32> -> vector<16xi32>
      %add3A_325 = arith.addi %mul3A_3, %bitcast_convert_type3A_324 : vector<16xi32>
      %min3A_326 = arith.constant 1024 : i32
      %min3A_327 = vector.broadcast %min3A_326 : i32 to vector<16xi32>
      %min3A_328 = arith.minui %bitcast_convert_type3A_273, %min3A_327 : vector<16xi32>
      %bitcast_convert_type3A_329 = tpu.bitcast %min3A_328 : vector<16xi32> -> vector<16xi32>
      %add3A_330 = arith.addi %mul3A_3, %bitcast_convert_type3A_329 : vector<16xi32>
      %min3A_331 = arith.constant 1024 : i32
      %min3A_332 = vector.broadcast %min3A_331 : i32 to vector<16xi32>
      %min3A_333 = arith.minui %bitcast_convert_type3A_276, %min3A_332 : vector<16xi32>
      %bitcast_convert_type3A_334 = tpu.bitcast %min3A_333 : vector<16xi32> -> vector<16xi32>
      %add3A_335 = arith.addi %mul3A_3, %bitcast_convert_type3A_334 : vector<16xi32>
      %min3A_336 = arith.constant 1024 : i32
      %min3A_337 = vector.broadcast %min3A_336 : i32 to vector<16xi32>
      %min3A_338 = arith.minui %bitcast_convert_type3A_279, %min3A_337 : vector<16xi32>
      %bitcast_convert_type3A_339 = tpu.bitcast %min3A_338 : vector<16xi32> -> vector<16xi32>
      %add3A_340 = arith.addi %mul3A_3, %bitcast_convert_type3A_339 : vector<16xi32>
      %min3A_341 = arith.constant 1024 : i32
      %min3A_342 = vector.broadcast %min3A_341 : i32 to vector<16xi32>
      %min3A_343 = arith.minui %bitcast_convert_type3A_282, %min3A_342 : vector<16xi32>
      %bitcast_convert_type3A_344 = tpu.bitcast %min3A_343 : vector<16xi32> -> vector<16xi32>
      %add3A_345 = arith.addi %mul3A_3, %bitcast_convert_type3A_344 : vector<16xi32>
      %min3A_346 = arith.constant 1024 : i32
      %min3A_347 = vector.broadcast %min3A_346 : i32 to vector<16xi32>
      %min3A_348 = arith.minui %bitcast_convert_type3A_285, %min3A_347 : vector<16xi32>
      %bitcast_convert_type3A_349 = tpu.bitcast %min3A_348 : vector<16xi32> -> vector<16xi32>
      %add3A_350 = arith.addi %mul3A_3, %bitcast_convert_type3A_349 : vector<16xi32>
      %min3A_351 = arith.constant 1024 : i32
      %min3A_352 = vector.broadcast %min3A_351 : i32 to vector<16xi32>
      %min3A_353 = arith.minui %bitcast_convert_type3A_288, %min3A_352 : vector<16xi32>
      %bitcast_convert_type3A_354 = tpu.bitcast %min3A_353 : vector<16xi32> -> vector<16xi32>
      %add3A_355 = arith.addi %mul3A_3, %bitcast_convert_type3A_354 : vector<16xi32>
      %min3A_356 = arith.constant 1024 : i32
      %min3A_357 = vector.broadcast %min3A_356 : i32 to vector<16xi32>
      %min3A_358 = arith.minui %bitcast_convert_type3A_291, %min3A_357 : vector<16xi32>
      %bitcast_convert_type3A_359 = tpu.bitcast %min3A_358 : vector<16xi32> -> vector<16xi32>
      %add3A_360 = arith.addi %mul3A_3, %bitcast_convert_type3A_359 : vector<16xi32>
      %min3A_361 = arith.constant 1024 : i32
      %min3A_362 = vector.broadcast %min3A_361 : i32 to vector<16xi32>
      %min3A_363 = arith.minui %bitcast_convert_type3A_294, %min3A_362 : vector<16xi32>
      %bitcast_convert_type3A_364 = tpu.bitcast %min3A_363 : vector<16xi32> -> vector<16xi32>
      %add3A_365 = arith.addi %mul3A_3, %bitcast_convert_type3A_364 : vector<16xi32>
      %min3A_366 = arith.constant 1024 : i32
      %min3A_367 = vector.broadcast %min3A_366 : i32 to vector<16xi32>
      %min3A_368 = arith.minui %bitcast_convert_type3A_297, %min3A_367 : vector<16xi32>
      %bitcast_convert_type3A_369 = tpu.bitcast %min3A_368 : vector<16xi32> -> vector<16xi32>
      %add3A_370 = arith.addi %mul3A_3, %bitcast_convert_type3A_369 : vector<16xi32>
      %min3A_371 = arith.constant 1024 : i32
      %min3A_372 = vector.broadcast %min3A_371 : i32 to vector<16xi32>
      %min3A_373 = arith.minui %bitcast_convert_type3A_300, %min3A_372 : vector<16xi32>
      %bitcast_convert_type3A_374 = tpu.bitcast %min3A_373 : vector<16xi32> -> vector<16xi32>
      %add3A_375 = arith.addi %mul3A_3, %bitcast_convert_type3A_374 : vector<16xi32>
      %min3A_376 = arith.constant 1024 : i32
      %min3A_377 = vector.broadcast %min3A_376 : i32 to vector<16xi32>
      %min3A_378 = arith.minui %bitcast_convert_type3A_303, %min3A_377 : vector<16xi32>
      %bitcast_convert_type3A_379 = tpu.bitcast %min3A_378 : vector<16xi32> -> vector<16xi32>
      %add3A_380 = arith.addi %mul3A_3, %bitcast_convert_type3A_379 : vector<16xi32>
      %min3A_381 = arith.constant 1024 : i32
      %min3A_382 = vector.broadcast %min3A_381 : i32 to vector<16xi32>
      %min3A_383 = arith.minui %bitcast_convert_type3A_306, %min3A_382 : vector<16xi32>
      %bitcast_convert_type3A_384 = tpu.bitcast %min3A_383 : vector<16xi32> -> vector<16xi32>
      %add3A_385 = arith.addi %mul3A_3, %bitcast_convert_type3A_384 : vector<16xi32>
      tpu.vector_store_idx %arg6[%add3A_310], %broadcast_in_dim3A_6 {add = true} : memref<16512xi32, #tpu.memory_space<vmem>>[vector<16xi32>], vector<16xi32>,
      tpu.vector_store_idx %arg6[%add3A_315], %broadcast_in_dim3A_6 {add = true} : memref<16512xi32, #tpu.memory_space<vmem>>[vector<16xi32>], vector<16xi32>,
      tpu.vector_store_idx %arg6[%add3A_320], %broadcast_in_dim3A_6 {add = true} : memref<16512xi32, #tpu.memory_space<vmem>>[vector<16xi32>], vector<16xi32>,
      tpu.vector_store_idx %arg6[%add3A_325], %broadcast_in_dim3A_6 {add = true} : memref<16512xi32, #tpu.memory_space<vmem>>[vector<16xi32>], vector<16xi32>,
      tpu.vector_store_idx %arg6[%add3A_330], %broadcast_in_dim3A_6 {add = true} : memref<16512xi32, #tpu.memory_space<vmem>>[vector<16xi32>], vector<16xi32>,
      tpu.vector_store_idx %arg6[%add3A_335], %broadcast_in_dim3A_6 {add = true} : memref<16512xi32, #tpu.memory_space<vmem>>[vector<16xi32>], vector<16xi32>,
      tpu.vector_store_idx %arg6[%add3A_340], %broadcast_in_dim3A_6 {add = true} : memref<16512xi32, #tpu.memory_space<vmem>>[vector<16xi32>], vector<16xi32>,
      tpu.vector_store_idx %arg6[%add3A_345], %broadcast_in_dim3A_6 {add = true} : memref<16512xi32, #tpu.memory_space<vmem>>[vector<16xi32>], vector<16xi32>,
      tpu.vector_store_idx %arg6[%add3A_350], %broadcast_in_dim3A_6 {add = true} : memref<16512xi32, #tpu.memory_space<vmem>>[vector<16xi32>], vector<16xi32>,
      tpu.vector_store_idx %arg6[%add3A_355], %broadcast_in_dim3A_6 {add = true} : memref<16512xi32, #tpu.memory_space<vmem>>[vector<16xi32>], vector<16xi32>,
      tpu.vector_store_idx %arg6[%add3A_360], %broadcast_in_dim3A_6 {add = true} : memref<16512xi32, #tpu.memory_space<vmem>>[vector<16xi32>], vector<16xi32>,
      tpu.vector_store_idx %arg6[%add3A_365], %broadcast_in_dim3A_6 {add = true} : memref<16512xi32, #tpu.memory_space<vmem>>[vector<16xi32>], vector<16xi32>,
      tpu.vector_store_idx %arg6[%add3A_370], %broadcast_in_dim3A_6 {add = true} : memref<16512xi32, #tpu.memory_space<vmem>>[vector<16xi32>], vector<16xi32>,
      tpu.vector_store_idx %arg6[%add3A_375], %broadcast_in_dim3A_6 {add = true} : memref<16512xi32, #tpu.memory_space<vmem>>[vector<16xi32>], vector<16xi32>,
      tpu.vector_store_idx %arg6[%add3A_380], %broadcast_in_dim3A_6 {add = true} : memref<16512xi32, #tpu.memory_space<vmem>>[vector<16xi32>], vector<16xi32>,
      tpu.vector_store_idx %arg6[%add3A_385], %broadcast_in_dim3A_6 {add = true} : memref<16512xi32, #tpu.memory_space<vmem>>[vector<16xi32>], vector<16xi32>,
    }
    %scan3A_74 = arith.constant 128 : i32
    %scan3A_75 = arith.constant 0 : i32
    %scan3A_76 = arith.constant 0 : i32
    %scan3A_77 = arith.constant 64 : i32
    %scan3A_78 = arith.addi %scan3A_76, %scan3A_77 : i32
    %scan3A_79 = arith.constant 1 : i32
    %scan3A_80:3 = scf.for %scan3A_146 = %scan3A_76 to %scan3A_78 step %scan3A_79 iter_args(%scan3A_147 = %scan3A_75, %scan3A_148 = %broadcast_in_dim3A_4, %scan3A_149 = %broadcast_in_dim3A_4) -> (i32, vector<16xi32>, vector<16xi32>)  : i32 {
      %mul3A_150 = arith.constant 16 : i32
      %mul3A_151 = arith.muli %scan3A_146, %mul3A_150 : i32
      %add3A_152 = arith.constant 0 : i32
      %add3A_153 = arith.addi %add3A_152, %mul3A_151 : i32
      %get3A = arith.index_cast %add3A_153 : i32 to index
      %get3A_154 = tpu.vector_load %arg6[%get3A] {strides = array<i32>} : memref<16512xi32, #tpu.memory_space<vmem>>, vector<16xi32>,
      %add3A_155 = arith.addi %broadcast_in_dim3A_4, %get3A_154 : vector<16xi32>
      %swap3A = arith.index_cast %add3A_153 : i32 to index
      %swap3A_156 = tpu.vector_load %arg6[%swap3A] {strides = array<i32>} : memref<16512xi32, #tpu.memory_space<vmem>>, vector<16xi32>,
      tpu.vector_store %arg6[%swap3A], %broadcast_in_dim3A_4 {strides = array<i32>} : memref<16512xi32, #tpu.memory_space<vmem>>, vector<16xi32>,
      %mul3A_157 = arith.constant 16 : i32
      %mul3A_158 = arith.muli %scan3A_146, %mul3A_157 : i32
      %add3A_159 = arith.constant 1025 : i32
      %add3A_160 = arith.addi %add3A_159, %mul3A_158 : i32
      %get3A_161 = arith.index_cast %add3A_160 : i32 to index
      %get3A_162 = tpu.vector_load %arg6[%get3A_161] {strides = array<i32>} : memref<16512xi32, #tpu.memory_space<vmem>>, vector<16xi32>,
      %add3A_163 = arith.addi %add3A_155, %get3A_162 : vector<16xi32>
      %swap3A_164 = arith.index_cast %add3A_160 : i32 to index
      %swap3A_165 = tpu.vector_load %arg6[%swap3A_164] {strides = array<i32>} : memref<16512xi32, #tpu.memory_space<vmem>>, vector<16xi32>,
      tpu.vector_store %arg6[%swap3A_164], %broadcast_in_dim3A_4 {strides = array<i32>} : memref<16512xi32, #tpu.memory_space<vmem>>, vector<16xi32>,
      %mul3A_166 = arith.constant 16 : i32
      %mul3A_167 = arith.muli %scan3A_146, %mul3A_166 : i32
      %add3A_168 = arith.constant 2050 : i32
      %add3A_169 = arith.addi %add3A_168, %mul3A_167 : i32
      %get3A_170 = arith.index_cast %add3A_169 : i32 to index
      %get3A_171 = tpu.vector_load %arg6[%get3A_170] {strides = array<i32>} : memref<16512xi32, #tpu.memory_space<vmem>>, vector<16xi32>,
      %add3A_172 = arith.addi %add3A_163, %get3A_171 : vector<16xi32>
      %swap3A_173 = arith.index_cast %add3A_169 : i32 to index
      %swap3A_174 = tpu.vector_load %arg6[%swap3A_173] {strides = array<i32>} : memref<16512xi32, #tpu.memory_space<vmem>>, vector<16xi32>,
      tpu.vector_store %arg6[%swap3A_173], %broadcast_in_dim3A_4 {strides = array<i32>} : memref<16512xi32, #tpu.memory_space<vmem>>, vector<16xi32>,
      %mul3A_175 = arith.constant 16 : i32
      %mul3A_176 = arith.muli %scan3A_146, %mul3A_175 : i32
      %add3A_177 = arith.constant 3075 : i32
      %add3A_178 = arith.addi %add3A_177, %mul3A_176 : i32
      %get3A_179 = arith.index_cast %add3A_178 : i32 to index
      %get3A_180 = tpu.vector_load %arg6[%get3A_179] {strides = array<i32>} : memref<16512xi32, #tpu.memory_space<vmem>>, vector<16xi32>,
      %add3A_181 = arith.addi %add3A_172, %get3A_180 : vector<16xi32>
      %swap3A_182 = arith.index_cast %add3A_178 : i32 to index
      %swap3A_183 = tpu.vector_load %arg6[%swap3A_182] {strides = array<i32>} : memref<16512xi32, #tpu.memory_space<vmem>>, vector<16xi32>,
      tpu.vector_store %arg6[%swap3A_182], %broadcast_in_dim3A_4 {strides = array<i32>} : memref<16512xi32, #tpu.memory_space<vmem>>, vector<16xi32>,
      %mul3A_184 = arith.constant 16 : i32
      %mul3A_185 = arith.muli %scan3A_146, %mul3A_184 : i32
      %add3A_186 = arith.constant 4100 : i32
      %add3A_187 = arith.addi %add3A_186, %mul3A_185 : i32
      %get3A_188 = arith.index_cast %add3A_187 : i32 to index
      %get3A_189 = tpu.vector_load %arg6[%get3A_188] {strides = array<i32>} : memref<16512xi32, #tpu.memory_space<vmem>>, vector<16xi32>,
      %add3A_190 = arith.addi %add3A_181, %get3A_189 : vector<16xi32>
      %swap3A_191 = arith.index_cast %add3A_187 : i32 to index
      %swap3A_192 = tpu.vector_load %arg6[%swap3A_191] {strides = array<i32>} : memref<16512xi32, #tpu.memory_space<vmem>>, vector<16xi32>,
      tpu.vector_store %arg6[%swap3A_191], %broadcast_in_dim3A_4 {strides = array<i32>} : memref<16512xi32, #tpu.memory_space<vmem>>, vector<16xi32>,
      %mul3A_193 = arith.constant 16 : i32
      %mul3A_194 = arith.muli %scan3A_146, %mul3A_193 : i32
      %add3A_195 = arith.constant 5125 : i32
      %add3A_196 = arith.addi %add3A_195, %mul3A_194 : i32
      %get3A_197 = arith.index_cast %add3A_196 : i32 to index
      %get3A_198 = tpu.vector_load %arg6[%get3A_197] {strides = array<i32>} : memref<16512xi32, #tpu.memory_space<vmem>>, vector<16xi32>,
      %add3A_199 = arith.addi %add3A_190, %get3A_198 : vector<16xi32>
      %swap3A_200 = arith.index_cast %add3A_196 : i32 to index
      %swap3A_201 = tpu.vector_load %arg6[%swap3A_200] {strides = array<i32>} : memref<16512xi32, #tpu.memory_space<vmem>>, vector<16xi32>,
      tpu.vector_store %arg6[%swap3A_200], %broadcast_in_dim3A_4 {strides = array<i32>} : memref<16512xi32, #tpu.memory_space<vmem>>, vector<16xi32>,
      %mul3A_202 = arith.constant 16 : i32
      %mul3A_203 = arith.muli %scan3A_146, %mul3A_202 : i32
      %add3A_204 = arith.constant 6150 : i32
      %add3A_205 = arith.addi %add3A_204, %mul3A_203 : i32
      %get3A_206 = arith.index_cast %add3A_205 : i32 to index
      %get3A_207 = tpu.vector_load %arg6[%get3A_206] {strides = array<i32>} : memref<16512xi32, #tpu.memory_space<vmem>>, vector<16xi32>,
      %add3A_208 = arith.addi %add3A_199, %get3A_207 : vector<16xi32>
      %swap3A_209 = arith.index_cast %add3A_205 : i32 to index
      %swap3A_210 = tpu.vector_load %arg6[%swap3A_209] {strides = array<i32>} : memref<16512xi32, #tpu.memory_space<vmem>>, vector<16xi32>,
      tpu.vector_store %arg6[%swap3A_209], %broadcast_in_dim3A_4 {strides = array<i32>} : memref<16512xi32, #tpu.memory_space<vmem>>, vector<16xi32>,
      %mul3A_211 = arith.constant 16 : i32
      %mul3A_212 = arith.muli %scan3A_146, %mul3A_211 : i32
      %add3A_213 = arith.constant 7175 : i32
      %add3A_214 = arith.addi %add3A_213, %mul3A_212 : i32
      %get3A_215 = arith.index_cast %add3A_214 : i32 to index
      %get3A_216 = tpu.vector_load %arg6[%get3A_215] {strides = array<i32>} : memref<16512xi32, #tpu.memory_space<vmem>>, vector<16xi32>,
      %add3A_217 = arith.addi %add3A_208, %get3A_216 : vector<16xi32>
      %swap3A_218 = arith.index_cast %add3A_214 : i32 to index
      %swap3A_219 = tpu.vector_load %arg6[%swap3A_218] {strides = array<i32>} : memref<16512xi32, #tpu.memory_space<vmem>>, vector<16xi32>,
      tpu.vector_store %arg6[%swap3A_218], %broadcast_in_dim3A_4 {strides = array<i32>} : memref<16512xi32, #tpu.memory_space<vmem>>, vector<16xi32>,
      %mul3A_220 = arith.constant 16 : i32
      %mul3A_221 = arith.muli %scan3A_146, %mul3A_220 : i32
      %add3A_222 = arith.constant 8200 : i32
      %add3A_223 = arith.addi %add3A_222, %mul3A_221 : i32
      %get3A_224 = arith.index_cast %add3A_223 : i32 to index
      %get3A_225 = tpu.vector_load %arg6[%get3A_224] {strides = array<i32>} : memref<16512xi32, #tpu.memory_space<vmem>>, vector<16xi32>,
      %add3A_226 = arith.addi %add3A_217, %get3A_225 : vector<16xi32>
      %swap3A_227 = arith.index_cast %add3A_223 : i32 to index
      %swap3A_228 = tpu.vector_load %arg6[%swap3A_227] {strides = array<i32>} : memref<16512xi32, #tpu.memory_space<vmem>>, vector<16xi32>,
      tpu.vector_store %arg6[%swap3A_227], %broadcast_in_dim3A_4 {strides = array<i32>} : memref<16512xi32, #tpu.memory_space<vmem>>, vector<16xi32>,
      %mul3A_229 = arith.constant 16 : i32
      %mul3A_230 = arith.muli %scan3A_146, %mul3A_229 : i32
      %add3A_231 = arith.constant 9225 : i32
      %add3A_232 = arith.addi %add3A_231, %mul3A_230 : i32
      %get3A_233 = arith.index_cast %add3A_232 : i32 to index
      %get3A_234 = tpu.vector_load %arg6[%get3A_233] {strides = array<i32>} : memref<16512xi32, #tpu.memory_space<vmem>>, vector<16xi32>,
      %add3A_235 = arith.addi %add3A_226, %get3A_234 : vector<16xi32>
      %swap3A_236 = arith.index_cast %add3A_232 : i32 to index
      %swap3A_237 = tpu.vector_load %arg6[%swap3A_236] {strides = array<i32>} : memref<16512xi32, #tpu.memory_space<vmem>>, vector<16xi32>,
      tpu.vector_store %arg6[%swap3A_236], %broadcast_in_dim3A_4 {strides = array<i32>} : memref<16512xi32, #tpu.memory_space<vmem>>, vector<16xi32>,
      %mul3A_238 = arith.constant 16 : i32
      %mul3A_239 = arith.muli %scan3A_146, %mul3A_238 : i32
      %add3A_240 = arith.constant 10250 : i32
      %add3A_241 = arith.addi %add3A_240, %mul3A_239 : i32
      %get3A_242 = arith.index_cast %add3A_241 : i32 to index
      %get3A_243 = tpu.vector_load %arg6[%get3A_242] {strides = array<i32>} : memref<16512xi32, #tpu.memory_space<vmem>>, vector<16xi32>,
      %add3A_244 = arith.addi %add3A_235, %get3A_243 : vector<16xi32>
      %swap3A_245 = arith.index_cast %add3A_241 : i32 to index
      %swap3A_246 = tpu.vector_load %arg6[%swap3A_245] {strides = array<i32>} : memref<16512xi32, #tpu.memory_space<vmem>>, vector<16xi32>,
      tpu.vector_store %arg6[%swap3A_245], %broadcast_in_dim3A_4 {strides = array<i32>} : memref<16512xi32, #tpu.memory_space<vmem>>, vector<16xi32>,
      %mul3A_247 = arith.constant 16 : i32
      %mul3A_248 = arith.muli %scan3A_146, %mul3A_247 : i32
      %add3A_249 = arith.constant 11275 : i32
      %add3A_250 = arith.addi %add3A_249, %mul3A_248 : i32
      %get3A_251 = arith.index_cast %add3A_250 : i32 to index
      %get3A_252 = tpu.vector_load %arg6[%get3A_251] {strides = array<i32>} : memref<16512xi32, #tpu.memory_space<vmem>>, vector<16xi32>,
      %add3A_253 = arith.addi %add3A_244, %get3A_252 : vector<16xi32>
      %swap3A_254 = arith.index_cast %add3A_250 : i32 to index
      %swap3A_255 = tpu.vector_load %arg6[%swap3A_254] {strides = array<i32>} : memref<16512xi32, #tpu.memory_space<vmem>>, vector<16xi32>,
      tpu.vector_store %arg6[%swap3A_254], %broadcast_in_dim3A_4 {strides = array<i32>} : memref<16512xi32, #tpu.memory_space<vmem>>, vector<16xi32>,
      %mul3A_256 = arith.constant 16 : i32
      %mul3A_257 = arith.muli %scan3A_146, %mul3A_256 : i32
      %add3A_258 = arith.constant 12300 : i32
      %add3A_259 = arith.addi %add3A_258, %mul3A_257 : i32
      %get3A_260 = arith.index_cast %add3A_259 : i32 to index
      %get3A_261 = tpu.vector_load %arg6[%get3A_260] {strides = array<i32>} : memref<16512xi32, #tpu.memory_space<vmem>>, vector<16xi32>,
      %add3A_262 = arith.addi %add3A_253, %get3A_261 : vector<16xi32>
      %swap3A_263 = arith.index_cast %add3A_259 : i32 to index
      %swap3A_264 = tpu.vector_load %arg6[%swap3A_263] {strides = array<i32>} : memref<16512xi32, #tpu.memory_space<vmem>>, vector<16xi32>,
      tpu.vector_store %arg6[%swap3A_263], %broadcast_in_dim3A_4 {strides = array<i32>} : memref<16512xi32, #tpu.memory_space<vmem>>, vector<16xi32>,
      %mul3A_265 = arith.constant 16 : i32
      %mul3A_266 = arith.muli %scan3A_146, %mul3A_265 : i32
      %add3A_267 = arith.constant 13325 : i32
      %add3A_268 = arith.addi %add3A_267, %mul3A_266 : i32
      %get3A_269 = arith.index_cast %add3A_268 : i32 to index
      %get3A_270 = tpu.vector_load %arg6[%get3A_269] {strides = array<i32>} : memref<16512xi32, #tpu.memory_space<vmem>>, vector<16xi32>,
      %add3A_271 = arith.addi %add3A_262, %get3A_270 : vector<16xi32>
      %swap3A_272 = arith.index_cast %add3A_268 : i32 to index
      %swap3A_273 = tpu.vector_load %arg6[%swap3A_272] {strides = array<i32>} : memref<16512xi32, #tpu.memory_space<vmem>>, vector<16xi32>,
      tpu.vector_store %arg6[%swap3A_272], %broadcast_in_dim3A_4 {strides = array<i32>} : memref<16512xi32, #tpu.memory_space<vmem>>, vector<16xi32>,
      %mul3A_274 = arith.constant 16 : i32
      %mul3A_275 = arith.muli %scan3A_146, %mul3A_274 : i32
      %add3A_276 = arith.constant 14350 : i32
      %add3A_277 = arith.addi %add3A_276, %mul3A_275 : i32
      %get3A_278 = arith.index_cast %add3A_277 : i32 to index
      %get3A_279 = tpu.vector_load %arg6[%get3A_278] {strides = array<i32>} : memref<16512xi32, #tpu.memory_space<vmem>>, vector<16xi32>,
      %add3A_280 = arith.addi %add3A_271, %get3A_279 : vector<16xi32>
      %swap3A_281 = arith.index_cast %add3A_277 : i32 to index
      %swap3A_282 = tpu.vector_load %arg6[%swap3A_281] {strides = array<i32>} : memref<16512xi32, #tpu.memory_space<vmem>>, vector<16xi32>,
      tpu.vector_store %arg6[%swap3A_281], %broadcast_in_dim3A_4 {strides = array<i32>} : memref<16512xi32, #tpu.memory_space<vmem>>, vector<16xi32>,
      %mul3A_283 = arith.constant 16 : i32
      %mul3A_284 = arith.muli %scan3A_146, %mul3A_283 : i32
      %add3A_285 = arith.constant 15375 : i32
      %add3A_286 = arith.addi %add3A_285, %mul3A_284 : i32
      %get3A_287 = arith.index_cast %add3A_286 : i32 to index
      %get3A_288 = tpu.vector_load %arg6[%get3A_287] {strides = array<i32>} : memref<16512xi32, #tpu.memory_space<vmem>>, vector<16xi32>,
      %add3A_289 = arith.addi %add3A_280, %get3A_288 : vector<16xi32>
      %swap3A_290 = arith.index_cast %add3A_286 : i32 to index
      %swap3A_291 = tpu.vector_load %arg6[%swap3A_290] {strides = array<i32>} : memref<16512xi32, #tpu.memory_space<vmem>>, vector<16xi32>,
      tpu.vector_store %arg6[%swap3A_290], %broadcast_in_dim3A_4 {strides = array<i32>} : memref<16512xi32, #tpu.memory_space<vmem>>, vector<16xi32>,
      %cumsum3A = arith.constant true
      %cumsum3A_292 = vector.broadcast %cumsum3A : i1 to vector<16xi1>
      %cumsum3A_293 = tpu.scan <sum>, %add3A_289 masked %cumsum3A_292 : vector<16xi32>, vector<16xi1> -> vector<16xi32>
      %add3A_294 = vector.broadcast %scan3A_147 : i32 to vector<16xi32>
      %add3A_295 = arith.addi %cumsum3A_293, %add3A_294 : vector<16xi32>
      %lt3A = vector.broadcast %sub3A_65 : i32 to vector<16xi32>
      %lt3A_296 = arith.cmpi slt, %add3A_295, %lt3A : vector<16xi32>
      %convert_element_type3A = arith.extui %lt3A_296 : vector<16xi1> to vector<16xi32>
      %add3A_297 = arith.addi %scan3A_148, %convert_element_type3A : vector<16xi32>
      %mul3A_298 = arith.muli %add3A_289, %convert_element_type3A : vector<16xi32>
      %add3A_299 = arith.addi %scan3A_149, %mul3A_298 : vector<16xi32>
      %reduce_sum3A_300 = arith.constant true
      %reduce_sum3A_301 = vector.broadcast %reduce_sum3A_300 : i1 to vector<16xi1>
      %reduce_sum3A_302 = tpu.scan <sum>, %add3A_289 masked %reduce_sum3A_301 : vector<16xi32>, vector<16xi1> -> vector<16xi32>
      %reduce_sum3A_303 = vector.extract %reduce_sum3A_302[15] : i32 from vector<16xi32>
      %add3A_304 = arith.addi %scan3A_147, %reduce_sum3A_303 : i32
      scf.yield %add3A_304, %add3A_297, %add3A_299 : i32, vector<16xi32>, vector<16xi32>
    }
    %scan3A_81 = arith.constant 64 : i32
    %reduce_sum3A_82 = arith.constant true
    %reduce_sum3A_83 = vector.broadcast %reduce_sum3A_82 : i1 to vector<16xi1>
    %reduce_sum3A_84 = tpu.scan <sum>, %scan3A_80#1 masked %reduce_sum3A_83 : vector<16xi32>, vector<16xi1> -> vector<16xi32>
    %reduce_sum3A_85 = vector.extract %reduce_sum3A_84[15] : i32 from vector<16xi32>
    %reduce_sum3A_86 = arith.constant true
    %reduce_sum3A_87 = vector.broadcast %reduce_sum3A_86 : i1 to vector<16xi1>
    %reduce_sum3A_88 = tpu.scan <sum>, %scan3A_80#2 masked %reduce_sum3A_87 : vector<16xi32>, vector<16xi1> -> vector<16xi32>
    %reduce_sum3A_89 = vector.extract %reduce_sum3A_88[15] : i32 from vector<16xi32>
    %mul3A_90 = arith.constant 1024 : i32
    %mul3A_91 = arith.muli %add3A_68, %mul3A_90 : i32
    %add3A_92 = arith.addi %mul3A_91, %reduce_sum3A_85 : i32
    %sub3A_93 = arith.subi %sub3A_65, %reduce_sum3A_89 : i32
    %scan3A_94 = arith.constant 0 : i32
    %scan3A_95 = arith.constant 128 : i32
    %scan3A_96 = arith.addi %scan3A_94, %scan3A_95 : i32
    %scan3A_97 = arith.constant 1 : i32
    %scan3A_98 = scf.for %scan3A_146 = %scan3A_94 to %scan3A_96 step %scan3A_97 iter_args(%scan3A_147 = %broadcast_in_dim3A_4) -> (vector<16xi32>)  : i32 {
      %mul3A_148 = arith.constant 128 : i32
      %mul3A_149 = arith.muli %scan3A_146, %mul3A_148 : i32
      %add3A_150 = arith.constant 0 : i32
      %add3A_151 = arith.addi %mul3A_149, %add3A_150 : i32
      %get3A = arith.index_cast %add3A_151 : i32 to index
      %get3A_152 = tpu.vector_load %arg5[%get3A] {strides = array<i32>} : memref<32768xf32, #tpu.memory_space<vmem>>, vector<16xf32>,
      %mul3A_153 = arith.constant 128 : i32
      %mul3A_154 = arith.muli %scan3A_146, %mul3A_153 : i32
      %add3A_155 = arith.constant 16 : i32
      %add3A_156 = arith.addi %mul3A_154, %add3A_155 : i32
      %get3A_157 = arith.index_cast %add3A_156 : i32 to index
      %get3A_158 = tpu.vector_load %arg5[%get3A_157] {strides = array<i32>} : memref<32768xf32, #tpu.memory_space<vmem>>, vector<16xf32>,
      %mul3A_159 = arith.constant 128 : i32
      %mul3A_160 = arith.muli %scan3A_146, %mul3A_159 : i32
      %add3A_161 = arith.constant 32 : i32
      %add3A_162 = arith.addi %mul3A_160, %add3A_161 : i32
      %get3A_163 = arith.index_cast %add3A_162 : i32 to index
      %get3A_164 = tpu.vector_load %arg5[%get3A_163] {strides = array<i32>} : memref<32768xf32, #tpu.memory_space<vmem>>, vector<16xf32>,
      %mul3A_165 = arith.constant 128 : i32
      %mul3A_166 = arith.muli %scan3A_146, %mul3A_165 : i32
      %add3A_167 = arith.constant 48 : i32
      %add3A_168 = arith.addi %mul3A_166, %add3A_167 : i32
      %get3A_169 = arith.index_cast %add3A_168 : i32 to index
      %get3A_170 = tpu.vector_load %arg5[%get3A_169] {strides = array<i32>} : memref<32768xf32, #tpu.memory_space<vmem>>, vector<16xf32>,
      %mul3A_171 = arith.constant 128 : i32
      %mul3A_172 = arith.muli %scan3A_146, %mul3A_171 : i32
      %add3A_173 = arith.constant 64 : i32
      %add3A_174 = arith.addi %mul3A_172, %add3A_173 : i32
      %get3A_175 = arith.index_cast %add3A_174 : i32 to index
      %get3A_176 = tpu.vector_load %arg5[%get3A_175] {strides = array<i32>} : memref<32768xf32, #tpu.memory_space<vmem>>, vector<16xf32>,
      %mul3A_177 = arith.constant 128 : i32
      %mul3A_178 = arith.muli %scan3A_146, %mul3A_177 : i32
      %add3A_179 = arith.constant 80 : i32
      %add3A_180 = arith.addi %mul3A_178, %add3A_179 : i32
      %get3A_181 = arith.index_cast %add3A_180 : i32 to index
      %get3A_182 = tpu.vector_load %arg5[%get3A_181] {strides = array<i32>} : memref<32768xf32, #tpu.memory_space<vmem>>, vector<16xf32>,
      %mul3A_183 = arith.constant 128 : i32
      %mul3A_184 = arith.muli %scan3A_146, %mul3A_183 : i32
      %add3A_185 = arith.constant 96 : i32
      %add3A_186 = arith.addi %mul3A_184, %add3A_185 : i32
      %get3A_187 = arith.index_cast %add3A_186 : i32 to index
      %get3A_188 = tpu.vector_load %arg5[%get3A_187] {strides = array<i32>} : memref<32768xf32, #tpu.memory_space<vmem>>, vector<16xf32>,
      %mul3A_189 = arith.constant 128 : i32
      %mul3A_190 = arith.muli %scan3A_146, %mul3A_189 : i32
      %add3A_191 = arith.constant 112 : i32
      %add3A_192 = arith.addi %mul3A_190, %add3A_191 : i32
      %get3A_193 = arith.index_cast %add3A_192 : i32 to index
      %get3A_194 = tpu.vector_load %arg5[%get3A_193] {strides = array<i32>} : memref<32768xf32, #tpu.memory_space<vmem>>, vector<16xf32>,
      %bitcast_convert_type3A = tpu.bitcast %get3A_152 : vector<16xf32> -> vector<16xi32>
      %bitcast_convert_type3A_195 = tpu.bitcast %get3A_158 : vector<16xf32> -> vector<16xi32>
      %bitcast_convert_type3A_196 = tpu.bitcast %get3A_164 : vector<16xf32> -> vector<16xi32>
      %bitcast_convert_type3A_197 = tpu.bitcast %get3A_170 : vector<16xf32> -> vector<16xi32>
      %bitcast_convert_type3A_198 = tpu.bitcast %get3A_176 : vector<16xf32> -> vector<16xi32>
      %bitcast_convert_type3A_199 = tpu.bitcast %get3A_182 : vector<16xf32> -> vector<16xi32>
      %bitcast_convert_type3A_200 = tpu.bitcast %get3A_188 : vector<16xf32> -> vector<16xi32>
      %bitcast_convert_type3A_201 = tpu.bitcast %get3A_194 : vector<16xf32> -> vector<16xi32>
      %eq3A = vector.broadcast %add3A_92 : i32 to vector<16xi32>
      %eq3A_202 = arith.cmpi eq, %bitcast_convert_type3A, %eq3A : vector<16xi32>
      %eq3A_203 = vector.broadcast %add3A_92 : i32 to vector<16xi32>
      %eq3A_204 = arith.cmpi eq, %bitcast_convert_type3A_195, %eq3A_203 : vector<16xi32>
      %eq3A_205 = vector.broadcast %add3A_92 : i32 to vector<16xi32>
      %eq3A_206 = arith.cmpi eq, %bitcast_convert_type3A_196, %eq3A_205 : vector<16xi32>
      %eq3A_207 = vector.broadcast %add3A_92 : i32 to vector<16xi32>
      %eq3A_208 = arith.cmpi eq, %bitcast_convert_type3A_197, %eq3A_207 : vector<16xi32>
      %eq3A_209 = vector.broadcast %add3A_92 : i32 to vector<16xi32>
      %eq3A_210 = arith.cmpi eq, %bitcast_convert_type3A_198, %eq3A_209 : vector<16xi32>
      %eq3A_211 = vector.broadcast %add3A_92 : i32 to vector<16xi32>
      %eq3A_212 = arith.cmpi eq, %bitcast_convert_type3A_199, %eq3A_211 : vector<16xi32>
      %eq3A_213 = vector.broadcast %add3A_92 : i32 to vector<16xi32>
      %eq3A_214 = arith.cmpi eq, %bitcast_convert_type3A_200, %eq3A_213 : vector<16xi32>
      %eq3A_215 = vector.broadcast %add3A_92 : i32 to vector<16xi32>
      %eq3A_216 = arith.cmpi eq, %bitcast_convert_type3A_201, %eq3A_215 : vector<16xi32>
      %convert_element_type3A = arith.extui %eq3A_202 : vector<16xi1> to vector<16xi32>
      %cumsum3A = arith.constant true
      %cumsum3A_217 = vector.broadcast %cumsum3A : i1 to vector<16xi1>
      %cumsum3A_218 = tpu.scan <sum>, %convert_element_type3A masked %cumsum3A_217 : vector<16xi32>, vector<16xi1> -> vector<16xi32>
      %convert_element_type3A_219 = arith.extui %eq3A_204 : vector<16xi1> to vector<16xi32>
      %cumsum3A_220 = arith.constant true
      %cumsum3A_221 = vector.broadcast %cumsum3A_220 : i1 to vector<16xi1>
      %cumsum3A_222 = tpu.scan <sum>, %convert_element_type3A_219 masked %cumsum3A_221 : vector<16xi32>, vector<16xi1> -> vector<16xi32>
      %convert_element_type3A_223 = arith.extui %eq3A_206 : vector<16xi1> to vector<16xi32>
      %cumsum3A_224 = arith.constant true
      %cumsum3A_225 = vector.broadcast %cumsum3A_224 : i1 to vector<16xi1>
      %cumsum3A_226 = tpu.scan <sum>, %convert_element_type3A_223 masked %cumsum3A_225 : vector<16xi32>, vector<16xi1> -> vector<16xi32>
      %convert_element_type3A_227 = arith.extui %eq3A_208 : vector<16xi1> to vector<16xi32>
      %cumsum3A_228 = arith.constant true
      %cumsum3A_229 = vector.broadcast %cumsum3A_228 : i1 to vector<16xi1>
      %cumsum3A_230 = tpu.scan <sum>, %convert_element_type3A_227 masked %cumsum3A_229 : vector<16xi32>, vector<16xi1> -> vector<16xi32>
      %convert_element_type3A_231 = arith.extui %eq3A_210 : vector<16xi1> to vector<16xi32>
      %cumsum3A_232 = arith.constant true
      %cumsum3A_233 = vector.broadcast %cumsum3A_232 : i1 to vector<16xi1>
      %cumsum3A_234 = tpu.scan <sum>, %convert_element_type3A_231 masked %cumsum3A_233 : vector<16xi32>, vector<16xi1> -> vector<16xi32>
      %convert_element_type3A_235 = arith.extui %eq3A_212 : vector<16xi1> to vector<16xi32>
      %cumsum3A_236 = arith.constant true
      %cumsum3A_237 = vector.broadcast %cumsum3A_236 : i1 to vector<16xi1>
      %cumsum3A_238 = tpu.scan <sum>, %convert_element_type3A_235 masked %cumsum3A_237 : vector<16xi32>, vector<16xi1> -> vector<16xi32>
      %convert_element_type3A_239 = arith.extui %eq3A_214 : vector<16xi1> to vector<16xi32>
      %cumsum3A_240 = arith.constant true
      %cumsum3A_241 = vector.broadcast %cumsum3A_240 : i1 to vector<16xi1>
      %cumsum3A_242 = tpu.scan <sum>, %convert_element_type3A_239 masked %cumsum3A_241 : vector<16xi32>, vector<16xi1> -> vector<16xi32>
      %convert_element_type3A_243 = arith.extui %eq3A_216 : vector<16xi1> to vector<16xi32>
      %cumsum3A_244 = arith.constant true
      %cumsum3A_245 = vector.broadcast %cumsum3A_244 : i1 to vector<16xi1>
      %cumsum3A_246 = tpu.scan <sum>, %convert_element_type3A_243 masked %cumsum3A_245 : vector<16xi32>, vector<16xi1> -> vector<16xi32>
      %all_reduce_population_count3A = tpu.all_reduce %eq3A_202 {dim = 0 : i64, kind = #tpu.reduction_kind<sum>} : vector<16xi1> -> vector<16xi32>
      %all_reduce_population_count3A_247 = tpu.all_reduce %eq3A_204 {dim = 0 : i64, kind = #tpu.reduction_kind<sum>} : vector<16xi1> -> vector<16xi32>
      %all_reduce_population_count3A_248 = tpu.all_reduce %eq3A_206 {dim = 0 : i64, kind = #tpu.reduction_kind<sum>} : vector<16xi1> -> vector<16xi32>
      %all_reduce_population_count3A_249 = tpu.all_reduce %eq3A_208 {dim = 0 : i64, kind = #tpu.reduction_kind<sum>} : vector<16xi1> -> vector<16xi32>
      %all_reduce_population_count3A_250 = tpu.all_reduce %eq3A_210 {dim = 0 : i64, kind = #tpu.reduction_kind<sum>} : vector<16xi1> -> vector<16xi32>
      %all_reduce_population_count3A_251 = tpu.all_reduce %eq3A_212 {dim = 0 : i64, kind = #tpu.reduction_kind<sum>} : vector<16xi1> -> vector<16xi32>
      %all_reduce_population_count3A_252 = tpu.all_reduce %eq3A_214 {dim = 0 : i64, kind = #tpu.reduction_kind<sum>} : vector<16xi1> -> vector<16xi32>
      %all_reduce_population_count3A_253 = tpu.all_reduce %eq3A_216 {dim = 0 : i64, kind = #tpu.reduction_kind<sum>} : vector<16xi1> -> vector<16xi32>
      %add3A_254 = arith.addi %cumsum3A_218, %scan3A_147 : vector<16xi32>
      %lt3A = vector.broadcast %add3A_92 : i32 to vector<16xi32>
      %lt3A_255 = arith.cmpi slt, %bitcast_convert_type3A, %lt3A : vector<16xi32>
      %le3A = vector.broadcast %sub3A_93 : i32 to vector<16xi32>
      %le3A_256 = arith.cmpi sle, %add3A_254, %le3A : vector<16xi32>
      %and3A = arith.andi %eq3A_202, %le3A_256 : vector<16xi1>
      %or3A = arith.ori %lt3A_255, %and3A : vector<16xi1>
      %jit3A = arith.constant 0.000000e+00 : f32
      %broadcast_in_dim3A_257 = vector.broadcast %jit3A : f32 to vector<16xf32>
      %select_n3A = arith.select %or3A, %broadcast_in_dim3A_257, %get3A_152 : vector<16xi1>, vector<16xf32>
      %add3A_258 = arith.addi %scan3A_147, %all_reduce_population_count3A : vector<16xi32>
      %add3A_259 = arith.addi %cumsum3A_222, %add3A_258 : vector<16xi32>
      %lt3A_260 = vector.broadcast %add3A_92 : i32 to vector<16xi32>
      %lt3A_261 = arith.cmpi slt, %bitcast_convert_type3A_195, %lt3A_260 : vector<16xi32>
      %le3A_262 = vector.broadcast %sub3A_93 : i32 to vector<16xi32>
      %le3A_263 = arith.cmpi sle, %add3A_259, %le3A_262 : vector<16xi32>
      %and3A_264 = arith.andi %eq3A_204, %le3A_263 : vector<16xi1>
      %or3A_265 = arith.ori %lt3A_261, %and3A_264 : vector<16xi1>
      %jit3A_266 = arith.constant 0.000000e+00 : f32
      %broadcast_in_dim3A_267 = vector.broadcast %jit3A_266 : f32 to vector<16xf32>
      %select_n3A_268 = arith.select %or3A_265, %broadcast_in_dim3A_267, %get3A_158 : vector<16xi1>, vector<16xf32>
      %add3A_269 = arith.addi %add3A_258, %all_reduce_population_count3A_247 : vector<16xi32>
      %add3A_270 = arith.addi %cumsum3A_226, %add3A_269 : vector<16xi32>
      %lt3A_271 = vector.broadcast %add3A_92 : i32 to vector<16xi32>
      %lt3A_272 = arith.cmpi slt, %bitcast_convert_type3A_196, %lt3A_271 : vector<16xi32>
      %le3A_273 = vector.broadcast %sub3A_93 : i32 to vector<16xi32>
      %le3A_274 = arith.cmpi sle, %add3A_270, %le3A_273 : vector<16xi32>
      %and3A_275 = arith.andi %eq3A_206, %le3A_274 : vector<16xi1>
      %or3A_276 = arith.ori %lt3A_272, %and3A_275 : vector<16xi1>
      %jit3A_277 = arith.constant 0.000000e+00 : f32
      %broadcast_in_dim3A_278 = vector.broadcast %jit3A_277 : f32 to vector<16xf32>
      %select_n3A_279 = arith.select %or3A_276, %broadcast_in_dim3A_278, %get3A_164 : vector<16xi1>, vector<16xf32>
      %add3A_280 = arith.addi %add3A_269, %all_reduce_population_count3A_248 : vector<16xi32>
      %add3A_281 = arith.addi %cumsum3A_230, %add3A_280 : vector<16xi32>
      %lt3A_282 = vector.broadcast %add3A_92 : i32 to vector<16xi32>
      %lt3A_283 = arith.cmpi slt, %bitcast_convert_type3A_197, %lt3A_282 : vector<16xi32>
      %le3A_284 = vector.broadcast %sub3A_93 : i32 to vector<16xi32>
      %le3A_285 = arith.cmpi sle, %add3A_281, %le3A_284 : vector<16xi32>
      %and3A_286 = arith.andi %eq3A_208, %le3A_285 : vector<16xi1>
      %or3A_287 = arith.ori %lt3A_283, %and3A_286 : vector<16xi1>
      %jit3A_288 = arith.constant 0.000000e+00 : f32
      %broadcast_in_dim3A_289 = vector.broadcast %jit3A_288 : f32 to vector<16xf32>
      %select_n3A_290 = arith.select %or3A_287, %broadcast_in_dim3A_289, %get3A_170 : vector<16xi1>, vector<16xf32>
      %add3A_291 = arith.addi %add3A_280, %all_reduce_population_count3A_249 : vector<16xi32>
      %add3A_292 = arith.addi %cumsum3A_234, %add3A_291 : vector<16xi32>
      %lt3A_293 = vector.broadcast %add3A_92 : i32 to vector<16xi32>
      %lt3A_294 = arith.cmpi slt, %bitcast_convert_type3A_198, %lt3A_293 : vector<16xi32>
      %le3A_295 = vector.broadcast %sub3A_93 : i32 to vector<16xi32>
      %le3A_296 = arith.cmpi sle, %add3A_292, %le3A_295 : vector<16xi32>
      %and3A_297 = arith.andi %eq3A_210, %le3A_296 : vector<16xi1>
      %or3A_298 = arith.ori %lt3A_294, %and3A_297 : vector<16xi1>
      %jit3A_299 = arith.constant 0.000000e+00 : f32
      %broadcast_in_dim3A_300 = vector.broadcast %jit3A_299 : f32 to vector<16xf32>
      %select_n3A_301 = arith.select %or3A_298, %broadcast_in_dim3A_300, %get3A_176 : vector<16xi1>, vector<16xf32>
      %add3A_302 = arith.addi %add3A_291, %all_reduce_population_count3A_250 : vector<16xi32>
      %add3A_303 = arith.addi %cumsum3A_238, %add3A_302 : vector<16xi32>
      %lt3A_304 = vector.broadcast %add3A_92 : i32 to vector<16xi32>
      %lt3A_305 = arith.cmpi slt, %bitcast_convert_type3A_199, %lt3A_304 : vector<16xi32>
      %le3A_306 = vector.broadcast %sub3A_93 : i32 to vector<16xi32>
      %le3A_307 = arith.cmpi sle, %add3A_303, %le3A_306 : vector<16xi32>
      %and3A_308 = arith.andi %eq3A_212, %le3A_307 : vector<16xi1>
      %or3A_309 = arith.ori %lt3A_305, %and3A_308 : vector<16xi1>
      %jit3A_310 = arith.constant 0.000000e+00 : f32
      %broadcast_in_dim3A_311 = vector.broadcast %jit3A_310 : f32 to vector<16xf32>
      %select_n3A_312 = arith.select %or3A_309, %broadcast_in_dim3A_311, %get3A_182 : vector<16xi1>, vector<16xf32>
      %add3A_313 = arith.addi %add3A_302, %all_reduce_population_count3A_251 : vector<16xi32>
      %add3A_314 = arith.addi %cumsum3A_242, %add3A_313 : vector<16xi32>
      %lt3A_315 = vector.broadcast %add3A_92 : i32 to vector<16xi32>
      %lt3A_316 = arith.cmpi slt, %bitcast_convert_type3A_200, %lt3A_315 : vector<16xi32>
      %le3A_317 = vector.broadcast %sub3A_93 : i32 to vector<16xi32>
      %le3A_318 = arith.cmpi sle, %add3A_314, %le3A_317 : vector<16xi32>
      %and3A_319 = arith.andi %eq3A_214, %le3A_318 : vector<16xi1>
      %or3A_320 = arith.ori %lt3A_316, %and3A_319 : vector<16xi1>
      %jit3A_321 = arith.constant 0.000000e+00 : f32
      %broadcast_in_dim3A_322 = vector.broadcast %jit3A_321 : f32 to vector<16xf32>
      %select_n3A_323 = arith.select %or3A_320, %broadcast_in_dim3A_322, %get3A_188 : vector<16xi1>, vector<16xf32>
      %add3A_324 = arith.addi %add3A_313, %all_reduce_population_count3A_252 : vector<16xi32>
      %add3A_325 = arith.addi %cumsum3A_246, %add3A_324 : vector<16xi32>
      %lt3A_326 = vector.broadcast %add3A_92 : i32 to vector<16xi32>
      %lt3A_327 = arith.cmpi slt, %bitcast_convert_type3A_201, %lt3A_326 : vector<16xi32>
      %le3A_328 = vector.broadcast %sub3A_93 : i32 to vector<16xi32>
      %le3A_329 = arith.cmpi sle, %add3A_325, %le3A_328 : vector<16xi32>
      %and3A_330 = arith.andi %eq3A_216, %le3A_329 : vector<16xi1>
      %or3A_331 = arith.ori %lt3A_327, %and3A_330 : vector<16xi1>
      %jit3A_332 = arith.constant 0.000000e+00 : f32
      %broadcast_in_dim3A_333 = vector.broadcast %jit3A_332 : f32 to vector<16xf32>
      %select_n3A_334 = arith.select %or3A_331, %broadcast_in_dim3A_333, %get3A_194 : vector<16xi1>, vector<16xf32>
      %add3A_335 = arith.addi %add3A_324, %all_reduce_population_count3A_253 : vector<16xi32>
      %mul3A_336 = arith.constant 128 : i32
      %mul3A_337 = arith.muli %scan3A_146, %mul3A_336 : i32
      %add3A_338 = arith.constant 0 : i32
      %add3A_339 = arith.addi %mul3A_337, %add3A_338 : i32
      %swap3A = arith.index_cast %add3A_339 : i32 to index
      %swap3A_340 = tpu.vector_load %arg4[%swap3A] {strides = array<i32>} : memref<32768xf32, #tpu.memory_space<vmem>>, vector<16xf32>,
      tpu.vector_store %arg4[%swap3A], %select_n3A {strides = array<i32>} : memref<32768xf32, #tpu.memory_space<vmem>>, vector<16xf32>,
      %mul3A_341 = arith.constant 128 : i32
      %mul3A_342 = arith.muli %scan3A_146, %mul3A_341 : i32
      %add3A_343 = arith.constant 16 : i32
      %add3A_344 = arith.addi %mul3A_342, %add3A_343 : i32
      %swap3A_345 = arith.index_cast %add3A_344 : i32 to index
      %swap3A_346 = tpu.vector_load %arg4[%swap3A_345] {strides = array<i32>} : memref<32768xf32, #tpu.memory_space<vmem>>, vector<16xf32>,
      tpu.vector_store %arg4[%swap3A_345], %select_n3A_268 {strides = array<i32>} : memref<32768xf32, #tpu.memory_space<vmem>>, vector<16xf32>,
      %mul3A_347 = arith.constant 128 : i32
      %mul3A_348 = arith.muli %scan3A_146, %mul3A_347 : i32
      %add3A_349 = arith.constant 32 : i32
      %add3A_350 = arith.addi %mul3A_348, %add3A_349 : i32
      %swap3A_351 = arith.index_cast %add3A_350 : i32 to index
      %swap3A_352 = tpu.vector_load %arg4[%swap3A_351] {strides = array<i32>} : memref<32768xf32, #tpu.memory_space<vmem>>, vector<16xf32>,
      tpu.vector_store %arg4[%swap3A_351], %select_n3A_279 {strides = array<i32>} : memref<32768xf32, #tpu.memory_space<vmem>>, vector<16xf32>,
      %mul3A_353 = arith.constant 128 : i32
      %mul3A_354 = arith.muli %scan3A_146, %mul3A_353 : i32
      %add3A_355 = arith.constant 48 : i32
      %add3A_356 = arith.addi %mul3A_354, %add3A_355 : i32
      %swap3A_357 = arith.index_cast %add3A_356 : i32 to index
      %swap3A_358 = tpu.vector_load %arg4[%swap3A_357] {strides = array<i32>} : memref<32768xf32, #tpu.memory_space<vmem>>, vector<16xf32>,
      tpu.vector_store %arg4[%swap3A_357], %select_n3A_290 {strides = array<i32>} : memref<32768xf32, #tpu.memory_space<vmem>>, vector<16xf32>,
      %mul3A_359 = arith.constant 128 : i32
      %mul3A_360 = arith.muli %scan3A_146, %mul3A_359 : i32
      %add3A_361 = arith.constant 64 : i32
      %add3A_362 = arith.addi %mul3A_360, %add3A_361 : i32
      %swap3A_363 = arith.index_cast %add3A_362 : i32 to index
      %swap3A_364 = tpu.vector_load %arg4[%swap3A_363] {strides = array<i32>} : memref<32768xf32, #tpu.memory_space<vmem>>, vector<16xf32>,
      tpu.vector_store %arg4[%swap3A_363], %select_n3A_301 {strides = array<i32>} : memref<32768xf32, #tpu.memory_space<vmem>>, vector<16xf32>,
      %mul3A_365 = arith.constant 128 : i32
      %mul3A_366 = arith.muli %scan3A_146, %mul3A_365 : i32
      %add3A_367 = arith.constant 80 : i32
      %add3A_368 = arith.addi %mul3A_366, %add3A_367 : i32
      %swap3A_369 = arith.index_cast %add3A_368 : i32 to index
      %swap3A_370 = tpu.vector_load %arg4[%swap3A_369] {strides = array<i32>} : memref<32768xf32, #tpu.memory_space<vmem>>, vector<16xf32>,
      tpu.vector_store %arg4[%swap3A_369], %select_n3A_312 {strides = array<i32>} : memref<32768xf32, #tpu.memory_space<vmem>>, vector<16xf32>,
      %mul3A_371 = arith.constant 128 : i32
      %mul3A_372 = arith.muli %scan3A_146, %mul3A_371 : i32
      %add3A_373 = arith.constant 96 : i32
      %add3A_374 = arith.addi %mul3A_372, %add3A_373 : i32
      %swap3A_375 = arith.index_cast %add3A_374 : i32 to index
      %swap3A_376 = tpu.vector_load %arg4[%swap3A_375] {strides = array<i32>} : memref<32768xf32, #tpu.memory_space<vmem>>, vector<16xf32>,
      tpu.vector_store %arg4[%swap3A_375], %select_n3A_323 {strides = array<i32>} : memref<32768xf32, #tpu.memory_space<vmem>>, vector<16xf32>,
      %mul3A_377 = arith.constant 128 : i32
      %mul3A_378 = arith.muli %scan3A_146, %mul3A_377 : i32
      %add3A_379 = arith.constant 112 : i32
      %add3A_380 = arith.addi %mul3A_378, %add3A_379 : i32
      %swap3A_381 = arith.index_cast %add3A_380 : i32 to index
      %swap3A_382 = tpu.vector_load %arg4[%swap3A_381] {strides = array<i32>} : memref<32768xf32, #tpu.memory_space<vmem>>, vector<16xf32>,
      tpu.vector_store %arg4[%swap3A_381], %select_n3A_334 {strides = array<i32>} : memref<32768xf32, #tpu.memory_space<vmem>>, vector<16xf32>,
      scf.yield %add3A_335 : vector<16xi32>
    }
    %scan3A_99 = arith.constant 128 : i32
    %dma_start3A_100 = arith.constant 0 : i32
    %dma_start3A_101 = tpu.memref_slice %arg4[%dma_start3A_100] : memref<32768xf32, #tpu.memory_space<vmem>> -> memref<16384xf32, #tpu.memory_space<vmem>>
    %dma_start3A_102 = arith.constant 0 : i32
    %dma_start3A_103 = tpu.memref_slice %arg3[%add3A, %dma_start3A_102] : memref<32x32768xf32, #tpu.memory_space<hbm>> -> memref<1x16384xf32, #tpu.memory_space<hbm>>
    %dma_start3A_104 = tpu.memref_squeeze %dma_start3A_103 : memref<1x16384xf32, #tpu.memory_space<hbm>> -> memref<16384xf32, #tpu.memory_space<hbm>>
    %dma_start3A_105 = arith.constant 0 : i32
    %dma_start3A_106 = tpu.memref_slice %arg3[%add3A, %dma_start3A_105] : memref<32x32768xf32, #tpu.memory_space<hbm>> -> memref<1x16384xf32, #tpu.memory_space<hbm>>
    %dma_start3A_107 = tpu.memref_squeeze %dma_start3A_106 : memref<1x16384xf32, #tpu.memory_space<hbm>> -> memref<16384xf32, #tpu.memory_space<hbm>>
    %dma_start3A_108 = arith.constant 0 : i32
    %dma_start3A_109 = tpu.memref_slice %arg4[%dma_start3A_108] : memref<32768xf32, #tpu.memory_space<vmem>> -> memref<16384xf32, #tpu.memory_space<vmem>>
    tpu.enqueue_dma source(%dma_start3A_109 : memref<16384xf32, #tpu.memory_space<vmem>>) target(%dma_start3A_107 : memref<16384xf32, #tpu.memory_space<hbm>>) target_semaphore(%arg7 : memref<!tpu.dma_semaphore, #tpu.memory_space<semaphore_mem>>)
    %scan3A_110 = arith.constant 128 : i32
    %scan3A_111 = arith.constant 128 : i32
    %scan3A_112 = arith.addi %scan3A_110, %scan3A_111 : i32
    %scan3A_113 = arith.constant 1 : i32
    %scan3A_114 = scf.for %scan3A_146 = %scan3A_110 to %scan3A_112 step %scan3A_113 iter_args(%scan3A_147 = %scan3A_98) -> (vector<16xi32>)  : i32 {
      %mul3A_148 = arith.constant 128 : i32
      %mul3A_149 = arith.muli %scan3A_146, %mul3A_148 : i32
      %add3A_150 = arith.constant 0 : i32
      %add3A_151 = arith.addi %mul3A_149, %add3A_150 : i32
      %get3A = arith.index_cast %add3A_151 : i32 to index
      %get3A_152 = tpu.vector_load %arg5[%get3A] {strides = array<i32>} : memref<32768xf32, #tpu.memory_space<vmem>>, vector<16xf32>,
      %mul3A_153 = arith.constant 128 : i32
      %mul3A_154 = arith.muli %scan3A_146, %mul3A_153 : i32
      %add3A_155 = arith.constant 16 : i32
      %add3A_156 = arith.addi %mul3A_154, %add3A_155 : i32
      %get3A_157 = arith.index_cast %add3A_156 : i32 to index
      %get3A_158 = tpu.vector_load %arg5[%get3A_157] {strides = array<i32>} : memref<32768xf32, #tpu.memory_space<vmem>>, vector<16xf32>,
      %mul3A_159 = arith.constant 128 : i32
      %mul3A_160 = arith.muli %scan3A_146, %mul3A_159 : i32
      %add3A_161 = arith.constant 32 : i32
      %add3A_162 = arith.addi %mul3A_160, %add3A_161 : i32
      %get3A_163 = arith.index_cast %add3A_162 : i32 to index
      %get3A_164 = tpu.vector_load %arg5[%get3A_163] {strides = array<i32>} : memref<32768xf32, #tpu.memory_space<vmem>>, vector<16xf32>,
      %mul3A_165 = arith.constant 128 : i32
      %mul3A_166 = arith.muli %scan3A_146, %mul3A_165 : i32
      %add3A_167 = arith.constant 48 : i32
      %add3A_168 = arith.addi %mul3A_166, %add3A_167 : i32
      %get3A_169 = arith.index_cast %add3A_168 : i32 to index
      %get3A_170 = tpu.vector_load %arg5[%get3A_169] {strides = array<i32>} : memref<32768xf32, #tpu.memory_space<vmem>>, vector<16xf32>,
      %mul3A_171 = arith.constant 128 : i32
      %mul3A_172 = arith.muli %scan3A_146, %mul3A_171 : i32
      %add3A_173 = arith.constant 64 : i32
      %add3A_174 = arith.addi %mul3A_172, %add3A_173 : i32
      %get3A_175 = arith.index_cast %add3A_174 : i32 to index
      %get3A_176 = tpu.vector_load %arg5[%get3A_175] {strides = array<i32>} : memref<32768xf32, #tpu.memory_space<vmem>>, vector<16xf32>,
      %mul3A_177 = arith.constant 128 : i32
      %mul3A_178 = arith.muli %scan3A_146, %mul3A_177 : i32
      %add3A_179 = arith.constant 80 : i32
      %add3A_180 = arith.addi %mul3A_178, %add3A_179 : i32
      %get3A_181 = arith.index_cast %add3A_180 : i32 to index
      %get3A_182 = tpu.vector_load %arg5[%get3A_181] {strides = array<i32>} : memref<32768xf32, #tpu.memory_space<vmem>>, vector<16xf32>,
      %mul3A_183 = arith.constant 128 : i32
      %mul3A_184 = arith.muli %scan3A_146, %mul3A_183 : i32
      %add3A_185 = arith.constant 96 : i32
      %add3A_186 = arith.addi %mul3A_184, %add3A_185 : i32
      %get3A_187 = arith.index_cast %add3A_186 : i32 to index
      %get3A_188 = tpu.vector_load %arg5[%get3A_187] {strides = array<i32>} : memref<32768xf32, #tpu.memory_space<vmem>>, vector<16xf32>,
      %mul3A_189 = arith.constant 128 : i32
      %mul3A_190 = arith.muli %scan3A_146, %mul3A_189 : i32
      %add3A_191 = arith.constant 112 : i32
      %add3A_192 = arith.addi %mul3A_190, %add3A_191 : i32
      %get3A_193 = arith.index_cast %add3A_192 : i32 to index
      %get3A_194 = tpu.vector_load %arg5[%get3A_193] {strides = array<i32>} : memref<32768xf32, #tpu.memory_space<vmem>>, vector<16xf32>,
      %bitcast_convert_type3A = tpu.bitcast %get3A_152 : vector<16xf32> -> vector<16xi32>
      %bitcast_convert_type3A_195 = tpu.bitcast %get3A_158 : vector<16xf32> -> vector<16xi32>
      %bitcast_convert_type3A_196 = tpu.bitcast %get3A_164 : vector<16xf32> -> vector<16xi32>
      %bitcast_convert_type3A_197 = tpu.bitcast %get3A_170 : vector<16xf32> -> vector<16xi32>
      %bitcast_convert_type3A_198 = tpu.bitcast %get3A_176 : vector<16xf32> -> vector<16xi32>
      %bitcast_convert_type3A_199 = tpu.bitcast %get3A_182 : vector<16xf32> -> vector<16xi32>
      %bitcast_convert_type3A_200 = tpu.bitcast %get3A_188 : vector<16xf32> -> vector<16xi32>
      %bitcast_convert_type3A_201 = tpu.bitcast %get3A_194 : vector<16xf32> -> vector<16xi32>
      %eq3A = vector.broadcast %add3A_92 : i32 to vector<16xi32>
      %eq3A_202 = arith.cmpi eq, %bitcast_convert_type3A, %eq3A : vector<16xi32>
      %eq3A_203 = vector.broadcast %add3A_92 : i32 to vector<16xi32>
      %eq3A_204 = arith.cmpi eq, %bitcast_convert_type3A_195, %eq3A_203 : vector<16xi32>
      %eq3A_205 = vector.broadcast %add3A_92 : i32 to vector<16xi32>
      %eq3A_206 = arith.cmpi eq, %bitcast_convert_type3A_196, %eq3A_205 : vector<16xi32>
      %eq3A_207 = vector.broadcast %add3A_92 : i32 to vector<16xi32>
      %eq3A_208 = arith.cmpi eq, %bitcast_convert_type3A_197, %eq3A_207 : vector<16xi32>
      %eq3A_209 = vector.broadcast %add3A_92 : i32 to vector<16xi32>
      %eq3A_210 = arith.cmpi eq, %bitcast_convert_type3A_198, %eq3A_209 : vector<16xi32>
      %eq3A_211 = vector.broadcast %add3A_92 : i32 to vector<16xi32>
      %eq3A_212 = arith.cmpi eq, %bitcast_convert_type3A_199, %eq3A_211 : vector<16xi32>
      %eq3A_213 = vector.broadcast %add3A_92 : i32 to vector<16xi32>
      %eq3A_214 = arith.cmpi eq, %bitcast_convert_type3A_200, %eq3A_213 : vector<16xi32>
      %eq3A_215 = vector.broadcast %add3A_92 : i32 to vector<16xi32>
      %eq3A_216 = arith.cmpi eq, %bitcast_convert_type3A_201, %eq3A_215 : vector<16xi32>
      %convert_element_type3A = arith.extui %eq3A_202 : vector<16xi1> to vector<16xi32>
      %cumsum3A = arith.constant true
      %cumsum3A_217 = vector.broadcast %cumsum3A : i1 to vector<16xi1>
      %cumsum3A_218 = tpu.scan <sum>, %convert_element_type3A masked %cumsum3A_217 : vector<16xi32>, vector<16xi1> -> vector<16xi32>
      %convert_element_type3A_219 = arith.extui %eq3A_204 : vector<16xi1> to vector<16xi32>
      %cumsum3A_220 = arith.constant true
      %cumsum3A_221 = vector.broadcast %cumsum3A_220 : i1 to vector<16xi1>
      %cumsum3A_222 = tpu.scan <sum>, %convert_element_type3A_219 masked %cumsum3A_221 : vector<16xi32>, vector<16xi1> -> vector<16xi32>
      %convert_element_type3A_223 = arith.extui %eq3A_206 : vector<16xi1> to vector<16xi32>
      %cumsum3A_224 = arith.constant true
      %cumsum3A_225 = vector.broadcast %cumsum3A_224 : i1 to vector<16xi1>
      %cumsum3A_226 = tpu.scan <sum>, %convert_element_type3A_223 masked %cumsum3A_225 : vector<16xi32>, vector<16xi1> -> vector<16xi32>
      %convert_element_type3A_227 = arith.extui %eq3A_208 : vector<16xi1> to vector<16xi32>
      %cumsum3A_228 = arith.constant true
      %cumsum3A_229 = vector.broadcast %cumsum3A_228 : i1 to vector<16xi1>
      %cumsum3A_230 = tpu.scan <sum>, %convert_element_type3A_227 masked %cumsum3A_229 : vector<16xi32>, vector<16xi1> -> vector<16xi32>
      %convert_element_type3A_231 = arith.extui %eq3A_210 : vector<16xi1> to vector<16xi32>
      %cumsum3A_232 = arith.constant true
      %cumsum3A_233 = vector.broadcast %cumsum3A_232 : i1 to vector<16xi1>
      %cumsum3A_234 = tpu.scan <sum>, %convert_element_type3A_231 masked %cumsum3A_233 : vector<16xi32>, vector<16xi1> -> vector<16xi32>
      %convert_element_type3A_235 = arith.extui %eq3A_212 : vector<16xi1> to vector<16xi32>
      %cumsum3A_236 = arith.constant true
      %cumsum3A_237 = vector.broadcast %cumsum3A_236 : i1 to vector<16xi1>
      %cumsum3A_238 = tpu.scan <sum>, %convert_element_type3A_235 masked %cumsum3A_237 : vector<16xi32>, vector<16xi1> -> vector<16xi32>
      %convert_element_type3A_239 = arith.extui %eq3A_214 : vector<16xi1> to vector<16xi32>
      %cumsum3A_240 = arith.constant true
      %cumsum3A_241 = vector.broadcast %cumsum3A_240 : i1 to vector<16xi1>
      %cumsum3A_242 = tpu.scan <sum>, %convert_element_type3A_239 masked %cumsum3A_241 : vector<16xi32>, vector<16xi1> -> vector<16xi32>
      %convert_element_type3A_243 = arith.extui %eq3A_216 : vector<16xi1> to vector<16xi32>
      %cumsum3A_244 = arith.constant true
      %cumsum3A_245 = vector.broadcast %cumsum3A_244 : i1 to vector<16xi1>
      %cumsum3A_246 = tpu.scan <sum>, %convert_element_type3A_243 masked %cumsum3A_245 : vector<16xi32>, vector<16xi1> -> vector<16xi32>
      %all_reduce_population_count3A = tpu.all_reduce %eq3A_202 {dim = 0 : i64, kind = #tpu.reduction_kind<sum>} : vector<16xi1> -> vector<16xi32>
      %all_reduce_population_count3A_247 = tpu.all_reduce %eq3A_204 {dim = 0 : i64, kind = #tpu.reduction_kind<sum>} : vector<16xi1> -> vector<16xi32>
      %all_reduce_population_count3A_248 = tpu.all_reduce %eq3A_206 {dim = 0 : i64, kind = #tpu.reduction_kind<sum>} : vector<16xi1> -> vector<16xi32>
      %all_reduce_population_count3A_249 = tpu.all_reduce %eq3A_208 {dim = 0 : i64, kind = #tpu.reduction_kind<sum>} : vector<16xi1> -> vector<16xi32>
      %all_reduce_population_count3A_250 = tpu.all_reduce %eq3A_210 {dim = 0 : i64, kind = #tpu.reduction_kind<sum>} : vector<16xi1> -> vector<16xi32>
      %all_reduce_population_count3A_251 = tpu.all_reduce %eq3A_212 {dim = 0 : i64, kind = #tpu.reduction_kind<sum>} : vector<16xi1> -> vector<16xi32>
      %all_reduce_population_count3A_252 = tpu.all_reduce %eq3A_214 {dim = 0 : i64, kind = #tpu.reduction_kind<sum>} : vector<16xi1> -> vector<16xi32>
      %all_reduce_population_count3A_253 = tpu.all_reduce %eq3A_216 {dim = 0 : i64, kind = #tpu.reduction_kind<sum>} : vector<16xi1> -> vector<16xi32>
      %add3A_254 = arith.addi %cumsum3A_218, %scan3A_147 : vector<16xi32>
      %lt3A = vector.broadcast %add3A_92 : i32 to vector<16xi32>
      %lt3A_255 = arith.cmpi slt, %bitcast_convert_type3A, %lt3A : vector<16xi32>
      %le3A = vector.broadcast %sub3A_93 : i32 to vector<16xi32>
      %le3A_256 = arith.cmpi sle, %add3A_254, %le3A : vector<16xi32>
      %and3A = arith.andi %eq3A_202, %le3A_256 : vector<16xi1>
      %or3A = arith.ori %lt3A_255, %and3A : vector<16xi1>
      %jit3A = arith.constant 0.000000e+00 : f32
      %broadcast_in_dim3A_257 = vector.broadcast %jit3A : f32 to vector<16xf32>
      %select_n3A = arith.select %or3A, %broadcast_in_dim3A_257, %get3A_152 : vector<16xi1>, vector<16xf32>
      %add3A_258 = arith.addi %scan3A_147, %all_reduce_population_count3A : vector<16xi32>
      %add3A_259 = arith.addi %cumsum3A_222, %add3A_258 : vector<16xi32>
      %lt3A_260 = vector.broadcast %add3A_92 : i32 to vector<16xi32>
      %lt3A_261 = arith.cmpi slt, %bitcast_convert_type3A_195, %lt3A_260 : vector<16xi32>
      %le3A_262 = vector.broadcast %sub3A_93 : i32 to vector<16xi32>
      %le3A_263 = arith.cmpi sle, %add3A_259, %le3A_262 : vector<16xi32>
      %and3A_264 = arith.andi %eq3A_204, %le3A_263 : vector<16xi1>
      %or3A_265 = arith.ori %lt3A_261, %and3A_264 : vector<16xi1>
      %jit3A_266 = arith.constant 0.000000e+00 : f32
      %broadcast_in_dim3A_267 = vector.broadcast %jit3A_266 : f32 to vector<16xf32>
      %select_n3A_268 = arith.select %or3A_265, %broadcast_in_dim3A_267, %get3A_158 : vector<16xi1>, vector<16xf32>
      %add3A_269 = arith.addi %add3A_258, %all_reduce_population_count3A_247 : vector<16xi32>
      %add3A_270 = arith.addi %cumsum3A_226, %add3A_269 : vector<16xi32>
      %lt3A_271 = vector.broadcast %add3A_92 : i32 to vector<16xi32>
      %lt3A_272 = arith.cmpi slt, %bitcast_convert_type3A_196, %lt3A_271 : vector<16xi32>
      %le3A_273 = vector.broadcast %sub3A_93 : i32 to vector<16xi32>
      %le3A_274 = arith.cmpi sle, %add3A_270, %le3A_273 : vector<16xi32>
      %and3A_275 = arith.andi %eq3A_206, %le3A_274 : vector<16xi1>
      %or3A_276 = arith.ori %lt3A_272, %and3A_275 : vector<16xi1>
      %jit3A_277 = arith.constant 0.000000e+00 : f32
      %broadcast_in_dim3A_278 = vector.broadcast %jit3A_277 : f32 to vector<16xf32>
      %select_n3A_279 = arith.select %or3A_276, %broadcast_in_dim3A_278, %get3A_164 : vector<16xi1>, vector<16xf32>
      %add3A_280 = arith.addi %add3A_269, %all_reduce_population_count3A_248 : vector<16xi32>
      %add3A_281 = arith.addi %cumsum3A_230, %add3A_280 : vector<16xi32>
      %lt3A_282 = vector.broadcast %add3A_92 : i32 to vector<16xi32>
      %lt3A_283 = arith.cmpi slt, %bitcast_convert_type3A_197, %lt3A_282 : vector<16xi32>
      %le3A_284 = vector.broadcast %sub3A_93 : i32 to vector<16xi32>
      %le3A_285 = arith.cmpi sle, %add3A_281, %le3A_284 : vector<16xi32>
      %and3A_286 = arith.andi %eq3A_208, %le3A_285 : vector<16xi1>
      %or3A_287 = arith.ori %lt3A_283, %and3A_286 : vector<16xi1>
      %jit3A_288 = arith.constant 0.000000e+00 : f32
      %broadcast_in_dim3A_289 = vector.broadcast %jit3A_288 : f32 to vector<16xf32>
      %select_n3A_290 = arith.select %or3A_287, %broadcast_in_dim3A_289, %get3A_170 : vector<16xi1>, vector<16xf32>
      %add3A_291 = arith.addi %add3A_280, %all_reduce_population_count3A_249 : vector<16xi32>
      %add3A_292 = arith.addi %cumsum3A_234, %add3A_291 : vector<16xi32>
      %lt3A_293 = vector.broadcast %add3A_92 : i32 to vector<16xi32>
      %lt3A_294 = arith.cmpi slt, %bitcast_convert_type3A_198, %lt3A_293 : vector<16xi32>
      %le3A_295 = vector.broadcast %sub3A_93 : i32 to vector<16xi32>
      %le3A_296 = arith.cmpi sle, %add3A_292, %le3A_295 : vector<16xi32>
      %and3A_297 = arith.andi %eq3A_210, %le3A_296 : vector<16xi1>
      %or3A_298 = arith.ori %lt3A_294, %and3A_297 : vector<16xi1>
      %jit3A_299 = arith.constant 0.000000e+00 : f32
      %broadcast_in_dim3A_300 = vector.broadcast %jit3A_299 : f32 to vector<16xf32>
      %select_n3A_301 = arith.select %or3A_298, %broadcast_in_dim3A_300, %get3A_176 : vector<16xi1>, vector<16xf32>
      %add3A_302 = arith.addi %add3A_291, %all_reduce_population_count3A_250 : vector<16xi32>
      %add3A_303 = arith.addi %cumsum3A_238, %add3A_302 : vector<16xi32>
      %lt3A_304 = vector.broadcast %add3A_92 : i32 to vector<16xi32>
      %lt3A_305 = arith.cmpi slt, %bitcast_convert_type3A_199, %lt3A_304 : vector<16xi32>
      %le3A_306 = vector.broadcast %sub3A_93 : i32 to vector<16xi32>
      %le3A_307 = arith.cmpi sle, %add3A_303, %le3A_306 : vector<16xi32>
      %and3A_308 = arith.andi %eq3A_212, %le3A_307 : vector<16xi1>
      %or3A_309 = arith.ori %lt3A_305, %and3A_308 : vector<16xi1>
      %jit3A_310 = arith.constant 0.000000e+00 : f32
      %broadcast_in_dim3A_311 = vector.broadcast %jit3A_310 : f32 to vector<16xf32>
      %select_n3A_312 = arith.select %or3A_309, %broadcast_in_dim3A_311, %get3A_182 : vector<16xi1>, vector<16xf32>
      %add3A_313 = arith.addi %add3A_302, %all_reduce_population_count3A_251 : vector<16xi32>
      %add3A_314 = arith.addi %cumsum3A_242, %add3A_313 : vector<16xi32>
      %lt3A_315 = vector.broadcast %add3A_92 : i32 to vector<16xi32>
      %lt3A_316 = arith.cmpi slt, %bitcast_convert_type3A_200, %lt3A_315 : vector<16xi32>
      %le3A_317 = vector.broadcast %sub3A_93 : i32 to vector<16xi32>
      %le3A_318 = arith.cmpi sle, %add3A_314, %le3A_317 : vector<16xi32>
      %and3A_319 = arith.andi %eq3A_214, %le3A_318 : vector<16xi1>
      %or3A_320 = arith.ori %lt3A_316, %and3A_319 : vector<16xi1>
      %jit3A_321 = arith.constant 0.000000e+00 : f32
      %broadcast_in_dim3A_322 = vector.broadcast %jit3A_321 : f32 to vector<16xf32>
      %select_n3A_323 = arith.select %or3A_320, %broadcast_in_dim3A_322, %get3A_188 : vector<16xi1>, vector<16xf32>
      %add3A_324 = arith.addi %add3A_313, %all_reduce_population_count3A_252 : vector<16xi32>
      %add3A_325 = arith.addi %cumsum3A_246, %add3A_324 : vector<16xi32>
      %lt3A_326 = vector.broadcast %add3A_92 : i32 to vector<16xi32>
      %lt3A_327 = arith.cmpi slt, %bitcast_convert_type3A_201, %lt3A_326 : vector<16xi32>
      %le3A_328 = vector.broadcast %sub3A_93 : i32 to vector<16xi32>
      %le3A_329 = arith.cmpi sle, %add3A_325, %le3A_328 : vector<16xi32>
      %and3A_330 = arith.andi %eq3A_216, %le3A_329 : vector<16xi1>
      %or3A_331 = arith.ori %lt3A_327, %and3A_330 : vector<16xi1>
      %jit3A_332 = arith.constant 0.000000e+00 : f32
      %broadcast_in_dim3A_333 = vector.broadcast %jit3A_332 : f32 to vector<16xf32>
      %select_n3A_334 = arith.select %or3A_331, %broadcast_in_dim3A_333, %get3A_194 : vector<16xi1>, vector<16xf32>
      %add3A_335 = arith.addi %add3A_324, %all_reduce_population_count3A_253 : vector<16xi32>
      %mul3A_336 = arith.constant 128 : i32
      %mul3A_337 = arith.muli %scan3A_146, %mul3A_336 : i32
      %add3A_338 = arith.constant 0 : i32
      %add3A_339 = arith.addi %mul3A_337, %add3A_338 : i32
      %swap3A = arith.index_cast %add3A_339 : i32 to index
      %swap3A_340 = tpu.vector_load %arg4[%swap3A] {strides = array<i32>} : memref<32768xf32, #tpu.memory_space<vmem>>, vector<16xf32>,
      tpu.vector_store %arg4[%swap3A], %select_n3A {strides = array<i32>} : memref<32768xf32, #tpu.memory_space<vmem>>, vector<16xf32>,
      %mul3A_341 = arith.constant 128 : i32
      %mul3A_342 = arith.muli %scan3A_146, %mul3A_341 : i32
      %add3A_343 = arith.constant 16 : i32
      %add3A_344 = arith.addi %mul3A_342, %add3A_343 : i32
      %swap3A_345 = arith.index_cast %add3A_344 : i32 to index
      %swap3A_346 = tpu.vector_load %arg4[%swap3A_345] {strides = array<i32>} : memref<32768xf32, #tpu.memory_space<vmem>>, vector<16xf32>,
      tpu.vector_store %arg4[%swap3A_345], %select_n3A_268 {strides = array<i32>} : memref<32768xf32, #tpu.memory_space<vmem>>, vector<16xf32>,
      %mul3A_347 = arith.constant 128 : i32
      %mul3A_348 = arith.muli %scan3A_146, %mul3A_347 : i32
      %add3A_349 = arith.constant 32 : i32
      %add3A_350 = arith.addi %mul3A_348, %add3A_349 : i32
      %swap3A_351 = arith.index_cast %add3A_350 : i32 to index
      %swap3A_352 = tpu.vector_load %arg4[%swap3A_351] {strides = array<i32>} : memref<32768xf32, #tpu.memory_space<vmem>>, vector<16xf32>,
      tpu.vector_store %arg4[%swap3A_351], %select_n3A_279 {strides = array<i32>} : memref<32768xf32, #tpu.memory_space<vmem>>, vector<16xf32>,
      %mul3A_353 = arith.constant 128 : i32
      %mul3A_354 = arith.muli %scan3A_146, %mul3A_353 : i32
      %add3A_355 = arith.constant 48 : i32
      %add3A_356 = arith.addi %mul3A_354, %add3A_355 : i32
      %swap3A_357 = arith.index_cast %add3A_356 : i32 to index
      %swap3A_358 = tpu.vector_load %arg4[%swap3A_357] {strides = array<i32>} : memref<32768xf32, #tpu.memory_space<vmem>>, vector<16xf32>,
      tpu.vector_store %arg4[%swap3A_357], %select_n3A_290 {strides = array<i32>} : memref<32768xf32, #tpu.memory_space<vmem>>, vector<16xf32>,
      %mul3A_359 = arith.constant 128 : i32
      %mul3A_360 = arith.muli %scan3A_146, %mul3A_359 : i32
      %add3A_361 = arith.constant 64 : i32
      %add3A_362 = arith.addi %mul3A_360, %add3A_361 : i32
      %swap3A_363 = arith.index_cast %add3A_362 : i32 to index
      %swap3A_364 = tpu.vector_load %arg4[%swap3A_363] {strides = array<i32>} : memref<32768xf32, #tpu.memory_space<vmem>>, vector<16xf32>,
      tpu.vector_store %arg4[%swap3A_363], %select_n3A_301 {strides = array<i32>} : memref<32768xf32, #tpu.memory_space<vmem>>, vector<16xf32>,
      %mul3A_365 = arith.constant 128 : i32
      %mul3A_366 = arith.muli %scan3A_146, %mul3A_365 : i32
      %add3A_367 = arith.constant 80 : i32
      %add3A_368 = arith.addi %mul3A_366, %add3A_367 : i32
      %swap3A_369 = arith.index_cast %add3A_368 : i32 to index
      %swap3A_370 = tpu.vector_load %arg4[%swap3A_369] {strides = array<i32>} : memref<32768xf32, #tpu.memory_space<vmem>>, vector<16xf32>,
      tpu.vector_store %arg4[%swap3A_369], %select_n3A_312 {strides = array<i32>} : memref<32768xf32, #tpu.memory_space<vmem>>, vector<16xf32>,
      %mul3A_371 = arith.constant 128 : i32
      %mul3A_372 = arith.muli %scan3A_146, %mul3A_371 : i32
      %add3A_373 = arith.constant 96 : i32
      %add3A_374 = arith.addi %mul3A_372, %add3A_373 : i32
      %swap3A_375 = arith.index_cast %add3A_374 : i32 to index
      %swap3A_376 = tpu.vector_load %arg4[%swap3A_375] {strides = array<i32>} : memref<32768xf32, #tpu.memory_space<vmem>>, vector<16xf32>,
      tpu.vector_store %arg4[%swap3A_375], %select_n3A_323 {strides = array<i32>} : memref<32768xf32, #tpu.memory_space<vmem>>, vector<16xf32>,
      %mul3A_377 = arith.constant 128 : i32
      %mul3A_378 = arith.muli %scan3A_146, %mul3A_377 : i32
      %add3A_379 = arith.constant 112 : i32
      %add3A_380 = arith.addi %mul3A_378, %add3A_379 : i32
      %swap3A_381 = arith.index_cast %add3A_380 : i32 to index
      %swap3A_382 = tpu.vector_load %arg4[%swap3A_381] {strides = array<i32>} : memref<32768xf32, #tpu.memory_space<vmem>>, vector<16xf32>,
      tpu.vector_store %arg4[%swap3A_381], %select_n3A_334 {strides = array<i32>} : memref<32768xf32, #tpu.memory_space<vmem>>, vector<16xf32>,
      scf.yield %add3A_335 : vector<16xi32>
    }
    %scan3A_115 = arith.constant 128 : i32
    %dma_start3A_116 = arith.constant 16384 : i32
    %dma_start3A_117 = tpu.memref_slice %arg4[%dma_start3A_116] : memref<32768xf32, #tpu.memory_space<vmem>> -> memref<16384xf32, #tpu.memory_space<vmem>>
    %dma_start3A_118 = arith.constant 16384 : i32
    %dma_start3A_119 = tpu.memref_slice %arg3[%add3A, %dma_start3A_118] : memref<32x32768xf32, #tpu.memory_space<hbm>> -> memref<1x16384xf32, #tpu.memory_space<hbm>>
    %dma_start3A_120 = tpu.memref_squeeze %dma_start3A_119 : memref<1x16384xf32, #tpu.memory_space<hbm>> -> memref<16384xf32, #tpu.memory_space<hbm>>
    %dma_start3A_121 = arith.constant 16384 : i32
    %dma_start3A_122 = tpu.memref_slice %arg3[%add3A, %dma_start3A_121] : memref<32x32768xf32, #tpu.memory_space<hbm>> -> memref<1x16384xf32, #tpu.memory_space<hbm>>
    %dma_start3A_123 = tpu.memref_squeeze %dma_start3A_122 : memref<1x16384xf32, #tpu.memory_space<hbm>> -> memref<16384xf32, #tpu.memory_space<hbm>>
    %dma_start3A_124 = arith.constant 16384 : i32
    %dma_start3A_125 = tpu.memref_slice %arg4[%dma_start3A_124] : memref<32768xf32, #tpu.memory_space<vmem>> -> memref<16384xf32, #tpu.memory_space<vmem>>
    tpu.enqueue_dma source(%dma_start3A_125 : memref<16384xf32, #tpu.memory_space<vmem>>) target(%dma_start3A_123 : memref<16384xf32, #tpu.memory_space<hbm>>) target_semaphore(%arg7 : memref<!tpu.dma_semaphore, #tpu.memory_space<semaphore_mem>>)
    %dma_wait3A_126 = arith.constant 0 : i32
    %dma_wait3A_127 = tpu.memref_slice %arg4[%dma_wait3A_126] : memref<32768xf32, #tpu.memory_space<vmem>> -> memref<16384xf32, #tpu.memory_space<vmem>>
    %dma_wait3A_128 = arith.constant 0 : i32
    %dma_wait3A_129 = tpu.memref_slice %arg3[%add3A, %dma_wait3A_128] : memref<32x32768xf32, #tpu.memory_space<hbm>> -> memref<1x16384xf32, #tpu.memory_space<hbm>>
    %dma_wait3A_130 = tpu.memref_squeeze %dma_wait3A_129 : memref<1x16384xf32, #tpu.memory_space<hbm>> -> memref<16384xf32, #tpu.memory_space<hbm>>
    %dma_wait3A_131 = arith.constant 0 : i32
    %dma_wait3A_132 = tpu.memref_slice %arg3[%add3A, %dma_wait3A_131] : memref<32x32768xf32, #tpu.memory_space<hbm>> -> memref<1x16384xf32, #tpu.memory_space<hbm>>
    %dma_wait3A_133 = tpu.memref_squeeze %dma_wait3A_132 : memref<1x16384xf32, #tpu.memory_space<hbm>> -> memref<16384xf32, #tpu.memory_space<hbm>>
    %dma_wait3A_134 = arith.constant 0 : i32
    %dma_wait3A_135 = tpu.memref_slice %arg4[%dma_wait3A_134] : memref<32768xf32, #tpu.memory_space<vmem>> -> memref<16384xf32, #tpu.memory_space<vmem>>
    tpu.wait_dma2 semaphore(%arg7 : memref<!tpu.dma_semaphore, #tpu.memory_space<semaphore_mem>>) src(%dma_wait3A_135 : memref<16384xf32, #tpu.memory_space<vmem>>) dst(%dma_wait3A_133 : memref<16384xf32, #tpu.memory_space<hbm>>)
    %dma_wait3A_136 = arith.constant 16384 : i32
    %dma_wait3A_137 = tpu.memref_slice %arg4[%dma_wait3A_136] : memref<32768xf32, #tpu.memory_space<vmem>> -> memref<16384xf32, #tpu.memory_space<vmem>>
    %dma_wait3A_138 = arith.constant 16384 : i32
    %dma_wait3A_139 = tpu.memref_slice %arg3[%add3A, %dma_wait3A_138] : memref<32x32768xf32, #tpu.memory_space<hbm>> -> memref<1x16384xf32, #tpu.memory_space<hbm>>
    %dma_wait3A_140 = tpu.memref_squeeze %dma_wait3A_139 : memref<1x16384xf32, #tpu.memory_space<hbm>> -> memref<16384xf32, #tpu.memory_space<hbm>>
    %dma_wait3A_141 = arith.constant 16384 : i32
    %dma_wait3A_142 = tpu.memref_slice %arg3[%add3A, %dma_wait3A_141] : memref<32x32768xf32, #tpu.memory_space<hbm>> -> memref<1x16384xf32, #tpu.memory_space<hbm>>
    %dma_wait3A_143 = tpu.memref_squeeze %dma_wait3A_142 : memref<1x16384xf32, #tpu.memory_space<hbm>> -> memref<16384xf32, #tpu.memory_space<hbm>>
    %dma_wait3A_144 = arith.constant 16384 : i32
    %dma_wait3A_145 = tpu.memref_slice %arg4[%dma_wait3A_144] : memref<32768xf32, #tpu.memory_space<vmem>> -> memref<16384xf32, #tpu.memory_space<vmem>>
    tpu.wait_dma2 semaphore(%arg7 : memref<!tpu.dma_semaphore, #tpu.memory_space<semaphore_mem>>) src(%dma_wait3A_145 : memref<16384xf32, #tpu.memory_space<vmem>>) dst(%dma_wait3A_143 : memref<16384xf32, #tpu.memory_space<hbm>>)
    return
  }
}

</mosaic_0001>

<sc_bundles>
// kernel: kernel.3.cloned.1.call-start
scs
__scs_entry_jumppad:
0x0: {  	(pc) =	sbr.rel $0x88, $3  }
0x1: {  	(tag) =	ssettag $0x0;
	lr =	simm.s32 $0x1  }
0x2: {  	[smem:$0x3FA0] =	sst lr;
	_ =	strace $0xD0000000  }
0x3: {  	_ = 	snop  }
0x4: {  	_ = 	snop  }
0x5: {  	_ = 	snop  }
0x6: {  	_ = 	snop  }
0x7: {  	_ = 	snop  }
__scs_overlays_trampoline_lowered:
0x8: {  	[smem:$0x3FAF] =	sst s0  }
0x9: {  	[smem:$0x3FB0] =	sst s1  }
0xa: {  	[smem:$0x3FB1] =	sst s2  }
0xb: {  	[smem:$0x3FB2] =	sst s3  }
0xc: {  	[smem:$0x3FB3] =	sst s4  }
0xd: {  	[smem:$0x3FB4] =	sst s5  }
0xe: {  	[smem:$0x3FB5] =	sst s6  }
0xf: {  	[smem:$0x3FB6] =	sst s7  }
0x10: {  	[smem:$0x3FB7] =	sst s8  }
0x11: {  	[smem:$0x3FB8] =	sst s9;
	s0 =	simm.s32 @!p0 $0x0  }
0x12: {  	s1 =	sld [smem:$0x3F9E];
	s0 =	simm.s32 @p0 $0x1  }
0x13: {  	[smem:$0x3FB9] =	sst s0;
	s0 =	simm.s32 @!p1 $0x0  }
0x14: {  	s2 =	sld [smem:$0x3F9D];
	s0 =	simm.s32 @p1 $0x1  }
0x15: {  	[smem:$0x3FBA] =	sst s0;
	s0 =	simm.s32 @!p2 $0x0  }
0x16: {  	s3 =	sld [smem:$0x3FDB];
	s0 =	simm.s32 @p2 $0x1  }
0x17: {  	s4 =	simm.s32 $0x1BF5;
	[smem:$0x3FBC] =	sst s0  }
0x18: {  	s0 =	sld [smem:$0x3F9F];
	_ =	swait.ge [sflag:s4], $0x0  }
0x19: {  	s7 =	sld [smem:$0x3FA0]  }
0x1a: {  	s8 =	sadd.s32 $0xFFFFE003, lr  }
0x1b: {  	s9 =	sadd.s32 $0xFFFFFEF7, lr;
	s5 =	simm.s32 $0xFFFFFFFF;
	p2 =	slt.u32 s8, $0xFFFFF086  }
0x1c: {  	p1 =	slt.u32 s9, $0xF7A;
	s5 =	simm.s32 @!p2 $0x0  }
0x1d: {  	s5 =	simm.s32 @p1 $0x1;
	p0 =	seq.s32 s7, s2  }
0x1e: {  	s7 =	smul.u32 @!p0 $0xF7A, s2;
	p2 =	seq.s32 @!p0 s5, $0x0  }
0x1f: {  	s9 =	smul.u32 $0xF7A, s1;
	s8 =	simm.s32 @!p0 $0x1BF5;
	p2 =	por !p2, p0  }
0x20: {  	[sflag:s8] =	ssyncset.s32 @!p0 $0xFFFFF086;
	s6 =	sadd.s32 @!p0 s3, s7;
	s7 =	simm.s32 @!p0 $0x108  }
0x21: {  	s3 =	sadd.s32 s3, s9;
	s6 =	sadd.s32 @!p0 $0x88, s6;
	s7 =	simm.s32 @p2 $0x1082  }
0x22: {  	[simem:s7], [sflag:s8] =	dma.local @!p0 [hbm:s6], $0xF7A  }
0x23: {  	s9 =	sor.u32 $0xD0000000, s2;
	s6 =	simm.s32 $0x108;
	_ =	swait.ge @!p0 [sflag:s8], $0x0  }
0x24: {  	s3 =	sadd.s32 $0x88, s3;
	s6 =	simm.s32 @!p1 $0x1082;
	[sflag:s4] =	ssyncset.s32 $0xFFFFF086  }
0x25: {  	[simem:s6], [sflag:s4] =	dma.local [hbm:s3], $0xF7A  }
0x26: {  	[smem:$0x3FA0] =	sst s1;
	(tag) =	ssettag s2;
	_ =	strace s9  }
0x27: {  	s1 =	sld [smem:$0x3FB0]  }
0x28: {  	s2 =	sld [smem:$0x3FB1]  }
0x29: {  	s4 =	sld [smem:$0x3FB3]  }
0x2a: {  	p0 =	seq.s32 s5, $0x0;
	s5 =	sld [smem:$0x3FB4]  }
0x2b: {  	s6 =	sld [smem:$0x3FB5]  }
0x2c: {  	s7 =	sld [smem:$0x3FB6]  }
0x2d: {  	s3 =	simm.s32 $0x108;
	s8 =	sld [smem:$0x3FB7]  }
0x2e: {  	s3 =	simm.s32 @!p0 $0x1082;
	s9 =	sld [smem:$0x3FB8]  }
0x2f: {  	lr =	sadd.s32 s0, s3;
	s0 =	sld [smem:$0x3FAF]  }
0x30: {  	s3 =	sld [smem:$0x3FB2]  }
0x31: {  	[smem:$0x3FBB] =	sst s10  }
0x32: {  	s10 =	sld [smem:$0x3FB9];
	_ =	sdelay $0x3  }
0x33: {  	p0 =	seq.s32 s10, $0x1;
	s10 =	sld [smem:$0x3FBB];
	_ =	sdelay $0x3  }
0x34: {  	[smem:$0x3FBB] =	sst s10  }
0x35: {  	s10 =	sld [smem:$0x3FBA];
	_ =	sdelay $0x3  }
0x36: {  	p1 =	seq.s32 s10, $0x1;
	s10 =	sld [smem:$0x3FBB];
	_ =	sdelay $0x3  }
0x37: {  	[smem:$0x3FBB] =	sst s10  }
0x38: {  	s10 =	sld [smem:$0x3FBC]  }
0x39: {  	_ = 	snop;
	(pc) =	sbr.ind lr, $3  }
0x3a: {  	_ = 	snop  }
0x3b: {  	_ = 	snop  }
0x3c: {  	p2 =	seq.s32 s10, $0x1;
	s10 =	sld [smem:$0x3FBB]  }
0x3d: {  	_ =	shalt  }
0x3e: {  	_ =	shalt  }
0x3f: {  	_ =	shalt  }
0x40: {  	_ =	shalt  }
0x41: {  	_ =	shalt  }
0x42: {  	_ =	shalt  }
0x43: {  	_ =	shalt  }
0x44: {  	_ =	shalt  }
0x45: {  	_ =	shalt  }
0x46: {  	_ =	shalt  }
0x47: {  	_ =	shalt  }
0x48: {  	_ =	shalt  }
0x49: {  	_ =	shalt  }
0x4a: {  	_ =	shalt  }
0x4b: {  	_ =	shalt  }
0x4c: {  	_ =	shalt  }
0x4d: {  	_ =	shalt  }
0x4e: {  	_ =	shalt  }
0x4f: {  	_ =	shalt  }
0x50: {  	_ =	shalt  }
0x51: {  	_ =	shalt  }
0x52: {  	_ =	shalt  }
0x53: {  	_ =	shalt  }
0x54: {  	_ =	shalt  }
0x55: {  	_ =	shalt  }
0x56: {  	_ =	shalt  }
0x57: {  	_ =	shalt  }
0x58: {  	_ =	shalt  }
0x59: {  	_ =	shalt  }
0x5a: {  	_ =	shalt  }
0x5b: {  	_ =	shalt  }
0x5c: {  	_ =	shalt  }
0x5d: {  	_ =	shalt  }
0x5e: {  	_ =	shalt  }
0x5f: {  	_ =	shalt  }
0x60: {  	_ =	shalt  }
0x61: {  	_ =	shalt  }
0x62: {  	_ =	shalt  }
0x63: {  	_ =	shalt  }
0x64: {  	_ =	shalt  }
0x65: {  	_ =	shalt  }
0x66: {  	_ =	shalt  }
0x67: {  	_ =	shalt  }
0x68: {  	_ =	shalt  }
0x69: {  	_ =	shalt  }
0x6a: {  	_ =	shalt  }
0x6b: {  	_ =	shalt  }
0x6c: {  	_ =	shalt  }
0x6d: {  	_ =	shalt  }
0x6e: {  	_ =	shalt  }
0x6f: {  	_ =	shalt  }
0x70: {  	_ =	shalt  }
0x71: {  	_ =	shalt  }
0x72: {  	_ =	shalt  }
0x73: {  	_ =	shalt  }
0x74: {  	_ =	shalt  }
0x75: {  	_ =	shalt  }
0x76: {  	_ =	shalt  }
0x77: {  	_ =	shalt  }
0x78: {  	_ =	shalt  }
0x79: {  	_ =	shalt  }
0x7a: {  	_ =	shalt  }
0x7b: {  	_ =	shalt  }
0x7c: {  	_ =	shalt  }
0x7d: {  	_ =	shalt  }
0x7e: {  	_ =	shalt  }
0x7f: {  	_ =	shalt  }
0x80: {  	_ =	shalt  }
0x81: {  	_ =	shalt  }
0x82: {  	_ =	shalt  }
0x83: {  	_ =	shalt  }
0x84: {  	_ =	shalt  }
0x85: {  	_ =	shalt  }
0x86: {  	_ =	shalt  }
0x87: {  	_ =	shalt  }
.Lfunc_end0:
.L_simem_size_0:
called_computation_lowered:
.L_overlay_start_0:
0x88: {  	s2 =	sld [smem:$0x3FD9]  }
0x89: {  	s3 =	sld [smem:$0x3FFE];
	_ =	sdelay $0x1  }
0x8a: {  	s1 =	srdreg.scid  }
0x8b: {  	s0 =	sand.u32 $0x1, s1  }
0x8c: {  	s18 =	sshll.u32 s0, $0xA;
	s2 =	sadd.s32 s3, s2  }
0x8d: {  	s2 =	sadd.s32 s2, s18  }
0x8e: {  	[smem:$0x3FC7] =	sst s2  }
0x8f: {  	_ = 	snop  }
0x90: {  	s2 =	sld [smem:$0x3FC9]  }
0x91: {  	s19 =	sld [smem:$0x3FD0];
	(tm) =	ssettm $0x1  }
0x92: {  	s4 =	sld [smem:$0x3FFB];
	_ =	sdelay $0x3  }
0x93: {  	_ =	strace s4  }
0x94: {  	s4 =	sld [smem:$0x3FFC];
	_ =	sdelay $0x3  }
0x95: {  	_ =	strace s4  }
0x96: {  	s4 =	sld [smem:$0x3FFD];
	_ =	sdelay $0x3  }
0x97: {  	_ =	strace s4  }
0x98: {  	_ =	strace $0x8FFFFFFF  }
0x99: {  	s20 =	sld [smem:$0x3FDB];
	_ =	sdelay $0x1  }
0x9a: {  	s5 =	simm.s32 $_scs_section_size  }
0x9b: {  	s6 =	simm.s32 $_size__tile_overlayer_lowered;
	s7 =	simm.s32 $_tile_overlayer_lowered  }
0x9c: {  	s23 =	simm.s32 $0x1BFF;
	s22 =	sshll.u32 s7, $0x1;
	s4 =	sadd.s32 s5, s20  }
0x9d: {  	s8 =	simm.s32 $0x0;
	s21 =	sshll.u32 s6, $0x1;
	s6 =	sadd.s32 s22, s4  }
0x9e: {  	[timem:s8], [sflag:s23] =	dma.local [hbm:s6], s21  }
0x9f: {  	_ =	swait.ge [sflag:s23], s21  }
0xa0: {  	s5 =	ssub.s32 $0x0, s21;
	[sflag:s23] =	ssyncset.done $0x0  }
0xa1: {  	[sflag:s23] =	ssyncadd.s32 s5;
	_ =	sdelay $0x1  }
0xa2: {  	s24 =	simm.s32 $0x1B8B  }
0xa3: {  	_ =	swait.ge [sflag:s24], $0x1  }
0xa4: {  	[sflag:s24] =	ssyncset.done $0x0  }
0xa5: {  	s25 =	simm.s32 $0x1B8E;
	[sflag:s24] =	ssyncadd.s32 $0xFFFFFFFF  }
0xa6: {  	s26 =	simm.s32 $execute0_lowered;
	[smem:$0x3FD2] =	sst s25  }
0xa7: {  	s5 =	sshll.u32 s26, $0x1;
	_ =	strace $0x80000046;
	[dreg:$0x1] =	wrdreg $0xFFFFFFFF  }
0xa8: {  	s28 =	simm.s32 $_size_execute0_lowered;
	s4 =	sadd.s32 s4, s5;
	[dreg:$0x0] =	wrdreg $0x0  }
0xa9: {  	s5 =	sshll.u32 s28, $0x1;
	[dreg:$0x2] =	wrdreg s4  }
0xaa: {  	[dreg:$0x3] =	wrdreg s5  }
0xab: {  	[dreg:$0x4] =	wrdreg $0xC0  }
0xac: {  	_ =	task [dreg:s8], $0x5FFFF  }
0xad: {  	[dreg:$0x1] =	wrdreg $0xFFFFFFFF  }
0xae: {  	[dreg:$0x0] =	wrdreg $0x60  }
0xaf: {  	[dreg:$0x2] =	wrdreg s2  }
0xb0: {  	[dreg:$0x3] =	wrdreg s19  }
0xb1: {  	[dreg:$0x4] =	wrdreg $0x9  }
0xb2: {  	_ =	task.clear_ibuf [dreg:s8], $0x5FFFF;
	_ =	strace $0x90000046  }
0xb3: {  	s29 =	simm.s32 $0x9;
	_ =	strace $0x80000048  }
0xb4: {  	_ =	swait.ge [sflag:s29], $0x1  }
0xb5: {  	[sflag:s29] =	ssyncadd.s32 $0xFFFFFFFF  }
0xb6: {  	_ =	strace $0x90000048  }
0xb7: {  	_ =	sfence  }
0xb8: {  	s30 =	sld [smem:$0x0];
	_ =	sdelay $0x2  }
0xb9: {  	s31 =	sshll.u32 s1, $0xD;
	s1 =	sshrl.u32 s1, $0x2  }
0xba: {  	s3 =	sand.u32 $0x4000, s31;
	s1 =	sadd.s32 s1, s30  }
0xbb: {  	s0 =	sor.u32 s3, s0;
	s1 =	sshll.u32 s1, $0x11  }
0xbc: {  	s0 =	sor.u32 s1, s0  }
0xbd: {  	s0 =	sadd.s32 $0x8F2B, s0  }
0xbe: {  	[sflag:s0] =	ssyncadd.remote.s32 $0x1  }
0xbf: {  	_ =	sfence.sel $0xFFFF  }
0xc0: {  	[dreg:$0x0] =	wrdreg $0xFFFFFFFF;
	(pc) =	sbr.abs _section_cstart, $3  }
0xc1: {  	[dreg:$0x1] =	wrdreg $0xFFFFFFFF  }
0xc2: {  	_ =	task.clear_ibuf [dreg:s8], $0x2FFFF;
	_ =	strace $0x9FFFFFFF  }
0xc3: {  	(tm) =	ssettm $0x7FFFFFFF  }
tec
execute0_lowered:
.L_overlay_start_1:
0x0: {  	(tag) =	ssettag $0x1  }
0x1: {  	s4 =	rddreg [dreg:$0x0]  }
0x2: {  	s3 =	rddreg [dreg:$0x1]  }
0x3: {  	s0 =	rddreg [dreg:$0x2]  }
0x4: {  	s5 =	srdreg.scid;
	s1 =	stileid.u32  }
0x5: {  	s2 =	simm.s32 $0x0;
	s9 =	simm.s32 $0x1;
	s10 =	simm.s32 $0x10000  }
0x6: {  	s11 =	simm.s32 $0x4000;
	s12 =	simm.s32 $0x0;
	s5 =	sand.u32 $0x1, s5  }
0x7: {  	s6 =	sshll.u32 s1, $0x5;
	s7 =	sshll.u32 s1, $0xD;
	[smem:$0x7FF] =	sst s2  }
0x8: {  	s8 =	sshll.u32 s5, $0x4;
	s6 =	sand.u32 $0x60, s6;
	s5 =	ssub.s32 $0x2, s5  }
0x9: {  	s7 =	sand.u32 $0x18000, s7;
	_ =	strace $0x80000047;
	s6 =	sor.u32 s8, s6  }
0xa: {  	s30 =	sshrl.u32 s5, $0x1;
	s8 =	simm.s32 $0x400;
	s6 =	sor.u32 s7, s6  }
0xb: {  	v1 =	vlaneseq.u32;
	s31 =	ssub.s32 s5, s30;
	s7 =	simm.s32 $0x80;
	s3 =	sadd.s32 s3, s6  }
0xc: {  	v0 =	vimm.s32 $0x0;
	v2 =	vimm.s32 $0x1;
	v1 =	vmul.u32 $0x401, v1;
	s4 =	sadd.s32 s4, s6;
	s6 =	smax.u32 s31, $0x1;
	s5 =	sadd.s32 $0x4000, s3  }
.LBB2_1:
0xd: {  	[tilespmem:s2], [sflag:$0x1] =	stream.strided.gather [hbm4b:s4+s7], $0x8000, s8, s7, $0x38;
	[tilespmem:$0x14080] =	vst v63  }
0xe: {  	s13 =	simm.s32 $0x0;
	s14 =	simm.s32 $0x200  }
.LBB2_2:
0xf: {  	p0 =	sne.s32 s14, $0x10000;
	[tilespmem:s13+$0x10070] =	vst v0  }
0x10: {  	[tilespmem:s13+$0x10000] =	vst v0  }
0x11: {  	[tilespmem:s13+$0x10010] =	vst v0  }
.Ltmp0:
0x12: {  	[tilespmem:s13+$0x10020] =	vst v0;
	(pc) =	sbr.rel @p0 .LBB2_2-.Ltmp0, $4  }
0x13: {  	[tilespmem:s13+$0x10030] =	vst v0  }
0x14: {  	[tilespmem:s13+$0x10040] =	vst v0  }
0x15: {  	[tilespmem:s13+$0x10050] =	vst v0  }
0x16: {  	[tilespmem:s13+$0x10060] =	vst v0;
	s13 =	sshra.s32 s14, $0x2;
	s14 =	sadd.s32 $0x200, s14  }
0x17: {  	[tilespmem:s13+$0x10070] =	vst v0  }
0x18: {  	[tilespmem:s13+$0x10000] =	vst v0  }
0x19: {  	[tilespmem:s13+$0x10010] =	vst v0  }
0x1a: {  	[tilespmem:s13+$0x10020] =	vst v0  }
0x1b: {  	[tilespmem:s13+$0x10030] =	vst v0  }
0x1c: {  	[tilespmem:s13+$0x10040] =	vst v0  }
0x1d: {  	[tilespmem:s13+$0x10050] =	vst v0  }
0x1e: {  	[tilespmem:s13+$0x10060] =	vst v0  }
0x1f: {  	_ =	swait.ge [sflag:s9], $0x8000  }
0x20: {  	[sflag:s9] =	ssyncset.done $0x0  }
0x21: {  	s14 =	simm.s32 $0x0;
	[sflag:s9] =	ssyncadd.s32 $0xFFFF8000  }
0x22: {  	v3 =	vld [tilespmem:s14+$0x30]  }
0x23: {  	v4 =	vld [tilespmem:s14+$0x10]  }
0x24: {  	v5 =	vld [tilespmem:s14+$0x20]  }
0x25: {  	v6 =	vld [tilespmem:s14+$0x0]  }
0x26: {  	v7 =	vld [tilespmem:s14+$0x40]  }
0x27: {  	v8 =	vld [tilespmem:s14+$0x70]  }
0x28: {  	v10 =	vld [tilespmem:s14+$0x50];
	v4 =	vmul.f32 $-3.000000000e+04, v4  }
0x29: {  	v13 =	vld [tilespmem:s14+$0x80];
	v5 =	vmul.f32 $-3.000000000e+04, v5  }
0x2a: {  	v9 =	vld [tilespmem:s14+$0x60];
	v6 =	vmul.f32 $-3.000000000e+04, v6;
	v4 =	vmul.f32 $1.442695020e+00, v4  }
0x2b: {  	v11 =	vld [tilespmem:s14+$0xA0];
	v3 =	vmul.f32 $-3.000000000e+04, v3;
	v5 =	vmul.f32 $1.442695020e+00, v5  }
0x2c: {  	v6 =	vmul.f32 $1.442695020e+00, v6;
	(erf) = vpow2.f32 v4  }
0x2d: {  	v12 =	vld [tilespmem:s14+$0x90];
	v4 =	vmul.f32 $-3.000000000e+04, v7;
	(erf) = vpow2.f32 v5  }
0x2e: {  	v7 =	vmul.f32 $-3.000000000e+04, v10;
	v10 =	vmul.f32 $-3.000000000e+04, v13  }
0x2f: {  	v5 =	vmul.f32 $-3.000000000e+04, v8;
	v8 =	vmul.f32 $-3.000000000e+04, v9  }
0x30: {  	v9 =	vmul.f32 $-3.000000000e+04, v11;
	v4 =	vmul.f32 $1.442695020e+00, v4  }
0x31: {  	(erf) = vpow2.f32 v6;
	v5 =	vmul.f32 $1.442695020e+00, v5  }
0x32: {  	v11 =	vmul.f32 $-3.000000000e+04, v12;
	v12 =	vld [tilespmem:s14+$0xC0];
	(erf) = vpow2.f32 v4  }
0x33: {  	(erf) = vpow2.f32 v5;
	v5 =	vld [tilespmem:s14+$0xE0]  }
0x34: {  	v3 =	vmul.f32 $1.442695020e+00, v3;
	v4 =	vmul.f32 $1.442695020e+00, v7  }
0x35: {  	v6 =	vmul.f32 $1.442695020e+00, v8;
	v7 =	vmul.f32 $1.442695020e+00, v9;
	v8 =	vpop (erf)  }
0x36: {  	v9 =	vmul.f32 $1.442695020e+00, v10;
	(erf) = vpow2.f32 v4;
	v4 =	vld [tilespmem:s14+$0xD0];
	v8 =	vadd.f32 $1.000000000e+00, v8;
	v10 =	vpop (erf)  }
0x37: {  	(erf) = vpow2.f32 v6;
	v6 =	vadd.f32 $1.000000000e+00, v10;
	v10 =	vmul.f32 $-3.000000000e+04, v12  }
0x38: {  	v5 =	vmul.f32 $-3.000000000e+04, v5;
	(erf) = vpow2.f32 v3  }
0x39: {  	(erf) = vrcp.f32 v8;
	v8 =	vmul.f32 $1.442695020e+00, v10;
	v10 =	vld [tilespmem:s14+$0xF0]  }
0x3a: {  	v3 =	vmul.f32 $1.442695020e+00, v11;
	(erf) = vrcp.f32 v6;
	v6 =	vld [tilespmem:s14+$0xB0]  }
0x3b: {  	v4 =	vmul.f32 $-3.000000000e+04, v4;
	(erf) = vpow2.f32 v7  }
0x3c: {  	v5 =	vmul.f32 $1.442695020e+00, v5;
	v7 =	vpop (erf);
	(erf) = vpow2.f32 v8  }
0x3d: {  	v8 =	vpop (erf);
	(erf) = vpow2.f32 v3;
	v3 =	vmul.f32 $1.442695020e+00, v4;
	v4 =	vadd.f32 $1.000000000e+00, v7  }
0x3e: {  	v7 =	vpop (erf);
	(erf) = vpow2.f32 v9;
	v9 =	vmul.f32 $-3.000000000e+04, v10  }
0x3f: {  	(erf) = vpow2.f32 v5;
	v5 =	vmul.f32 $-3.000000000e+04, v6  }
0x40: {  	v10 =	vpop (erf);
	v6 =	vadd.f32 $1.000000000e+00, v7  }
0x41: {  	(erf) = vrcp.f32 v4;
	v4 =	vpop (erf)  }
0x42: {  	v7 =	vmul.f32 $1.442695020e+00, v9;
	(erf) = vpow2.f32 v3;
	v9 =	vpop (erf);
	v4 =	vadd.f32 $1.000000000e+00, v4  }
0x43: {  	v3 =	vmul.f32 $1.442695020e+00, v5;
	(erf) = vrcp.f32 v6;
	v5 =	vpop (erf)  }
0x44: {  	(erf) = vpow2.f32 v7;
	v6 =	vpop (erf)  }
0x45: {  	v7 =	vadd.f32 $1.000000000e+00, v8;
	(erf) = vpow2.f32 v3;
	v8 =	vpop (erf)  }
0x46: {  	(erf) = vrcp.f32 v4;
	v4 =	vpop (erf)  }
0x47: {  	v4 =	vadd.f32 $1.000000000e+00, v4  }
0x48: {  	v3 =	vadd.f32 $1.000000000e+00, v8  }
0x49: {  	(erf) = vrcp.f32 v7;
	v8 =	vadd.f32 $1.000000000e+00, v9;
	v7 =	vpop (erf)  }
0x4a: {  	v9 =	vpop (erf);
	(erf) = vrcp.f32 v3  }
0x4b: {  	(erf) = vrcp.f32 v4;
	v4 =	vpop (erf)  }
0x4c: {  	v3 =	vadd.f32 $1.000000000e+00, v9;
	v9 =	vpop (erf)  }
0x4d: {  	v4 =	vadd.f32 $1.000000000e+00, v4;
	(erf) = vrcp.f32 v8;
	v8 =	vpop (erf)  }
0x4e: {  	v10 =	vadd.f32 $1.000000000e+00, v10;
	(erf) = vrcp.f32 v3;
	v11 =	vpop (erf)  }
0x4f: {  	[tilespmem:s14+$0x8010] =	vst v5;
	v3 =	vshrl.u32 v5, $0x14;
	v5 =	vadd.f32 $1.000000000e+00, v7;
	(erf) = vrcp.f32 v4;
	v12 =	vpop (erf)  }
0x50: {  	[tilespmem:s14+$0x8020] =	vst v6;
	v4 =	vshrl.u32 v6, $0x14;
	v6 =	vadd.f32 $1.000000000e+00, v8;
	(erf) = vrcp.f32 v10;
	v13 =	vpop (erf)  }
0x51: {  	[tilespmem:s14+$0x8000] =	vst v9;
	v9 =	vshrl.u32 v9, $0x14;
	v12 =	vadd.f32 $1.000000000e+00, v12;
	(erf) = vrcp.f32 v5;
	v7 =	vpop (erf)  }
0x52: {  	[tilespmem:s14+$0x8070] =	vst v11;
	v5 =	vadd.s32 v1, v9;
	v9 =	vadd.f32 $1.000000000e+00, v13;
	v8 =	vpop (erf);
	(erf) = vrcp.f32 v6  }
0x53: {  	[tilespmem:s14+$0x8060] =	vst v7;
	v14 =	vpop (erf);
	(erf) = vrcp.f32 v12  }
0x54: {  	[tilespmem:s14+$0x8040] =	vst v8;
	v13 =	vpop (erf);
	(erf) = vrcp.f32 v9  }
0x55: {  	[tilespmem:s14+$0x80A0] =	vst v14  }
0x56: {  	v6 =	vshrl.u32 v11, $0x14;
	[tilespmem:s14+$0x80C0] =	vst v13;
	v12 =	vpop (erf)  }
0x57: {  	v10 =	vshrl.u32 v7, $0x14;
	v11 =	vshrl.u32 v8, $0x14;
	v8 =	vshrl.u32 v14, $0x14;
	[tilespmem:s14+$0x8030] =	vst v12;
	v9 =	vpop (erf)  }
0x58: {  	s13 =	simm.s32 $0x0;
	s15 =	simm.s32 $0x400;
	v7 =	vshrl.u32 v13, $0x14;
	v13 =	vshrl.u32 v12, $0x14;
	[tilespmem:s14+$0x8080] =	vst v9;
	v12 =	vshrl.u32 v9, $0x14;
	v9 =	vpop (erf)  }
.LBB2_4:
0x59: {  	p0 =	sne.s32 s15, $0x1FC00;
	[tilespmem:s14+$0x80E0] =	vst v9;
	v14 =	vpop (erf);
	s16 =	smov.u32 s15;
	s15 =	sadd.s32 $0x400, s15  }
0x5a: {  	v3 =	vadd.s32 v1, v3;
	[tilespmem:s14+$0x8050] =	vst v14;
	v14 =	vshrl.u32 v14, $0x14;
	v15 =	vpop (erf)  }
0x5b: {  	v4 =	vadd.s32 v1, v4;
	[tilespmem:s14+$0x8090] =	vst v15;
	v15 =	vshrl.u32 v15, $0x14;
	v16 =	vpop (erf)  }
0x5c: {  	[tilespmem:s14+$0x80D0] =	vst v16;
	v16 =	vshrl.u32 v16, $0x14;
	v17 =	vpop (erf)  }
0x5d: {  	v13 =	vadd.s32 v1, v13;
	v11 =	vadd.s32 v1, v11;
	[tilespmem:s14+$0x80F0] =	vst v17;
	v17 =	vshrl.u32 v17, $0x14;
	v18 =	vpop (erf)  }
0x5e: {  	v14 =	vadd.s32 v1, v14;
	[tilespmem:s14+$0x80B0] =	vst v18;
	v18 =	vshrl.u32 v18, $0x14  }
0x5f: {  	v10 =	vadd.s32 v1, v10;
	[tilespmem:v5+s10+$0x0] =	vst.idx.add.s32.msk $0xffff, v2  }
0x60: {  	v5 =	vadd.s32 v1, v6;
	[tilespmem:v3+s10+$0x0] =	vst.idx.add.s32.msk $0xffff, v2  }
0x61: {  	v3 =	vadd.s32 v1, v12;
	[tilespmem:v4+s10+$0x0] =	vst.idx.add.s32.msk $0xffff, v2  }
0x62: {  	v4 =	vadd.s32 v1, v15;
	[tilespmem:v13+s10+$0x0] =	vst.idx.add.s32.msk $0xffff, v2  }
0x63: {  	v6 =	vadd.s32 v1, v8;
	[tilespmem:v11+s10+$0x0] =	vst.idx.add.s32.msk $0xffff, v2  }
0x64: {  	[tilespmem:v14+s10+$0x0] =	vst.idx.add.s32.msk $0xffff, v2  }
0x65: {  	v7 =	vadd.s32 v1, v7;
	v8 =	vadd.s32 v1, v18;
	[tilespmem:v10+s10+$0x0] =	vst.idx.add.s32.msk $0xffff, v2  }
0x66: {  	v9 =	vshrl.u32 v9, $0x14;
	v10 =	vadd.s32 v1, v16;
	[tilespmem:v5+s10+$0x0] =	vst.idx.add.s32.msk $0xffff, v2  }
0x67: {  	v5 =	vadd.s32 v1, v9;
	[tilespmem:v3+s10+$0x0] =	vst.idx.add.s32.msk $0xffff, v2  }
0x68: {  	[tilespmem:v4+s10+$0x0] =	vst.idx.add.s32.msk $0xffff, v2  }
0x69: {  	v3 =	vadd.s32 v1, v17;
	[tilespmem:v6+s10+$0x0] =	vst.idx.add.s32.msk $0xffff, v2  }
0x6a: {  	[tilespmem:v8+s10+$0x0] =	vst.idx.add.s32.msk $0xffff, v2  }
0x6b: {  	[tilespmem:v7+s10+$0x0] =	vst.idx.add.s32.msk $0xffff, v2  }
0x6c: {  	[tilespmem:v10+s10+$0x0] =	vst.idx.add.s32.msk $0xffff, v2  }
0x6d: {  	[tilespmem:v5+s10+$0x0] =	vst.idx.add.s32.msk $0xffff, v2  }
0x6e: {  	s14 =	sshra.s32 s16, $0x2;
	[tilespmem:v3+s10+$0x0] =	vst.idx.add.s32.msk $0xffff, v2  }
0x6f: {  	v3 =	vld [tilespmem:s14+$0x30]  }
0x70: {  	v4 =	vld [tilespmem:s14+$0x20]  }
0x71: {  	v5 =	vld [tilespmem:s14+$0x10]  }
0x72: {  	v6 =	vld [tilespmem:s14+$0x0]  }
0x73: {  	v7 =	vld [tilespmem:s14+$0x40]  }
0x74: {  	v8 =	vld [tilespmem:s14+$0x70]  }
0x75: {  	v9 =	vld [tilespmem:s14+$0x60]  }
0x76: {  	v4 =	vmul.f32 $-3.000000000e+04, v4;
	v10 =	vld [tilespmem:s14+$0x50];
	v5 =	vmul.f32 $-3.000000000e+04, v5  }
0x77: {  	v3 =	vmul.f32 $-3.000000000e+04, v3;
	v11 =	vld [tilespmem:s14+$0xA0];
	v6 =	vmul.f32 $-3.000000000e+04, v6  }
0x78: {  	v4 =	vmul.f32 $1.442695020e+00, v4;
	v12 =	vld [tilespmem:s14+$0x90];
	v5 =	vmul.f32 $1.442695020e+00, v5  }
0x79: {  	v13 =	vld [tilespmem:s14+$0x80];
	v6 =	vmul.f32 $1.442695020e+00, v6;
	v8 =	vmul.f32 $-3.000000000e+04, v8  }
0x7a: {  	v7 =	vmul.f32 $-3.000000000e+04, v7;
	(erf) = vpow2.f32 v5  }
0x7b: {  	v3 =	vmul.f32 $1.442695020e+00, v3;
	(erf) = vpow2.f32 v4  }
0x7c: {  	v4 =	vmul.f32 $1.442695020e+00, v7;
	v5 =	vmul.f32 $-3.000000000e+04, v10  }
0x7d: {  	v7 =	vmul.f32 $-3.000000000e+04, v9;
	v9 =	vmul.f32 $-3.000000000e+04, v11  }
0x7e: {  	v12 =	vmul.f32 $-3.000000000e+04, v12;
	v10 =	vld [tilespmem:s14+$0xE0];
	v11 =	vmul.f32 $-3.000000000e+04, v13  }
0x7f: {  	v8 =	vmul.f32 $1.442695020e+00, v8;
	v9 =	vmul.f32 $1.442695020e+00, v9;
	v13 =	vld [tilespmem:s14+$0xD0]  }
0x80: {  	v7 =	vmul.f32 $1.442695020e+00, v7;
	v14 =	vld [tilespmem:s14+$0xC0];
	(erf) = vpow2.f32 v6  }
0x81: {  	v11 =	vmul.f32 $1.442695020e+00, v11;
	v6 =	vld [tilespmem:s14+$0xB0];
	(erf) = vpow2.f32 v4  }
0x82: {  	v4 =	vmul.f32 $1.442695020e+00, v5;
	v5 =	vmul.f32 $1.442695020e+00, v12  }
0x83: {  	v10 =	vmul.f32 $-3.000000000e+04, v10;
	v12 =	vpop (erf);
	(erf) = vpow2.f32 v8  }
0x84: {  	v8 =	vadd.f32 $1.000000000e+00, v12;
	v12 =	vmul.f32 $-3.000000000e+04, v13;
	v13 =	vpop (erf);
	(erf) = vpow2.f32 v4  }
0x85: {  	v4 =	vadd.f32 $1.000000000e+00, v13;
	v13 =	vmul.f32 $-3.000000000e+04, v14;
	(erf) = vpow2.f32 v7  }
0x86: {  	v6 =	vmul.f32 $-3.000000000e+04, v6;
	(erf) = vpow2.f32 v3  }
0x87: {  	v3 =	vmul.f32 $1.442695020e+00, v13;
	(erf) = vrcp.f32 v8  }
0x88: {  	v7 =	vld [tilespmem:s14+$0xF0];
	v6 =	vmul.f32 $1.442695020e+00, v6;
	(erf) = vrcp.f32 v4  }
0x89: {  	v4 =	vmul.f32 $1.442695020e+00, v12;
	v8 =	vpop (erf);
	(erf) = vpow2.f32 v9  }
0x8a: {  	v9 =	vmul.f32 $1.442695020e+00, v10;
	v8 =	vadd.f32 $1.000000000e+00, v8;
	v10 =	vpop (erf);
	(erf) = vpow2.f32 v3  }
0x8b: {  	v10 =	vadd.f32 $1.000000000e+00, v10;
	(erf) = vpow2.f32 v5  }
0x8c: {  	v3 =	vpop (erf);
	(erf) = vpow2.f32 v11  }
0x8d: {  	v3 =	vadd.f32 $1.000000000e+00, v3;
	v5 =	vmul.f32 $-3.000000000e+04, v7;
	v7 =	vpop (erf);
	(erf) = vpow2.f32 v9  }
0x8e: {  	v7 =	vadd.f32 $1.000000000e+00, v7;
	(erf) = vrcp.f32 v8;
	v8 =	vpop (erf)  }
0x8f: {  	v8 =	vadd.f32 $1.000000000e+00, v8;
	v13 =	vmul.f32 $1.442695020e+00, v5;
	v9 =	vpop (erf);
	(erf) = vpow2.f32 v4  }
0x90: {  	v9 =	vadd.f32 $1.000000000e+00, v9;
	v11 =	vpop (erf);
	(erf) = vrcp.f32 v3  }
0x91: {  	v3 =	vshrl.u32 v11, $0x14;
	v12 =	vpop (erf);
	(erf) = vpow2.f32 v13  }
0x92: {  	v4 =	vshrl.u32 v12, $0x14;
	v5 =	vpop (erf);
	(erf) = vpow2.f32 v6  }
0x93: {  	v5 =	vadd.f32 $1.000000000e+00, v5;
	(erf) = vrcp.f32 v8;
	v6 =	vpop (erf)  }
0x94: {  	v13 =	vadd.f32 $1.000000000e+00, v6;
	(erf) = vrcp.f32 v10;
	v8 =	vpop (erf)  }
0x95: {  	v8 =	vadd.f32 $1.000000000e+00, v8;
	v10 =	vpop (erf);
	(erf) = vrcp.f32 v5  }
0x96: {  	v14 =	vadd.f32 $1.000000000e+00, v10;
	(erf) = vrcp.f32 v13;
	v6 =	vpop (erf)  }
0x97: {  	v6 =	vadd.f32 $1.000000000e+00, v6;
	v10 =	vpop (erf);
	(erf) = vrcp.f32 v9  }
0x98: {  	(erf) = vrcp.f32 v14;
	v5 =	vpop (erf)  }
0x99: {  	v9 =	vadd.f32 $1.000000000e+00, v5;
	[tilespmem:s14+$0x8010] =	vst v11;
	v5 =	vshrl.u32 v10, $0x14;
	v11 =	vpop (erf);
	(erf) = vrcp.f32 v6  }
0x9a: {  	[tilespmem:s14+$0x8020] =	vst v12;
	v5 =	vadd.s32 v1, v5;
	v6 =	vshrl.u32 v11, $0x14;
	(erf) = vrcp.f32 v7;
	v7 =	vpop (erf)  }
0x9b: {  	v12 =	vadd.f32 $1.000000000e+00, v7;
	[tilespmem:s14+$0x8070] =	vst v11;
	(erf) = vrcp.f32 v8;
	v8 =	vpop (erf)  }
0x9c: {  	v8 =	vadd.f32 $1.000000000e+00, v8;
	[tilespmem:s14+$0x8000] =	vst v10;
	v10 =	vpop (erf);
	(erf) = vrcp.f32 v9  }
0x9d: {  	[tilespmem:s14+$0x8060] =	vst v10;
	v10 =	vshrl.u32 v10, $0x14;
	v9 =	vpop (erf);
	(erf) = vrcp.f32 v12  }
.Ltmp1:
0x9e: {  	[tilespmem:s14+$0x8040] =	vst v9;
	v11 =	vshrl.u32 v9, $0x14;
	v7 =	vpop (erf);
	(erf) = vrcp.f32 v8;
	(pc) =	sbr.rel @p0 .LBB2_4-.Ltmp1, $4  }
0x9f: {  	[tilespmem:s14+$0x80A0] =	vst v7;
	v8 =	vshrl.u32 v7, $0x14;
	v7 =	vpop (erf)  }
0xa0: {  	[tilespmem:s14+$0x80C0] =	vst v7;
	v7 =	vshrl.u32 v7, $0x14;
	v9 =	vpop (erf)  }
0xa1: {  	[tilespmem:s14+$0x8030] =	vst v9;
	v13 =	vshrl.u32 v9, $0x14;
	v9 =	vpop (erf)  }
0xa2: {  	[tilespmem:s14+$0x8080] =	vst v9;
	v12 =	vshrl.u32 v9, $0x14;
	v9 =	vpop (erf)  }
0xa3: {  	[tilespmem:s14+$0x80E0] =	vst v9;
	v14 =	vpop (erf)  }
0xa4: {  	[tilespmem:s14+$0x8050] =	vst v14;
	v15 =	vpop (erf)  }
0xa5: {  	v3 =	vadd.s32 v1, v3;
	[tilespmem:s14+$0x8090] =	vst v15;
	v16 =	vpop (erf)  }
0xa6: {  	v4 =	vadd.s32 v1, v4;
	[tilespmem:s14+$0x80D0] =	vst v16;
	v17 =	vpop (erf)  }
0xa7: {  	v13 =	vadd.s32 v1, v13;
	[tilespmem:s14+$0x80F0] =	vst v17;
	v18 =	vpop (erf)  }
0xa8: {  	v11 =	vadd.s32 v1, v11;
	v14 =	vshrl.u32 v14, $0x14;
	[tilespmem:s14+$0x80B0] =	vst v18  }
0xa9: {  	v14 =	vadd.s32 v1, v14;
	[tilespmem:v5+s10+$0x0] =	vst.idx.add.s32.msk $0xffff, v2  }
0xaa: {  	v5 =	vadd.s32 v1, v10;
	[tilespmem:v3+s10+$0x0] =	vst.idx.add.s32.msk $0xffff, v2  }
0xab: {  	v3 =	vadd.s32 v1, v6;
	[tilespmem:v4+s10+$0x0] =	vst.idx.add.s32.msk $0xffff, v2  }
0xac: {  	v6 =	vadd.s32 v1, v12;
	v4 =	vshrl.u32 v15, $0x14;
	[tilespmem:v13+s10+$0x0] =	vst.idx.add.s32.msk $0xffff, v2  }
0xad: {  	v4 =	vadd.s32 v1, v4;
	[tilespmem:v11+s10+$0x0] =	vst.idx.add.s32.msk $0xffff, v2  }
0xae: {  	v8 =	vadd.s32 v1, v8;
	v10 =	vshrl.u32 v18, $0x14;
	[tilespmem:v14+s10+$0x0] =	vst.idx.add.s32.msk $0xffff, v2  }
0xaf: {  	v10 =	vadd.s32 v1, v10;
	[tilespmem:v5+s10+$0x0] =	vst.idx.add.s32.msk $0xffff, v2  }
0xb0: {  	v7 =	vadd.s32 v1, v7;
	v5 =	vshrl.u32 v16, $0x14;
	[tilespmem:v3+s10+$0x0] =	vst.idx.add.s32.msk $0xffff, v2  }
0xb1: {  	v3 =	vadd.s32 v1, v5;
	v5 =	vshrl.u32 v9, $0x14;
	[tilespmem:v6+s10+$0x0] =	vst.idx.add.s32.msk $0xffff, v2  }
0xb2: {  	v6 =	vshrl.u32 v17, $0x14;
	v5 =	vadd.s32 v1, v5;
	[tilespmem:v4+s10+$0x0] =	vst.idx.add.s32.msk $0xffff, v2  }
0xb3: {  	v4 =	vadd.s32 v1, v6;
	[tilespmem:v8+s10+$0x0] =	vst.idx.add.s32.msk $0xffff, v2  }
0xb4: {  	[tilespmem:v10+s10+$0x0] =	vst.idx.add.s32.msk $0xffff, v2  }
0xb5: {  	[tilespmem:v7+s10+$0x0] =	vst.idx.add.s32.msk $0xffff, v2  }
0xb6: {  	[tilespmem:v3+s10+$0x0] =	vst.idx.add.s32.msk $0xffff, v2  }
0xb7: {  	[tilespmem:v5+s10+$0x0] =	vst.idx.add.s32.msk $0xffff, v2  }
0xb8: {  	s31 =	simm.s32 $0x0;
	[tilespmem:v4+s10+$0x0] =	vst.idx.add.s32.msk $0xffff, v2  }
0xb9: {  	v3 =	vld [tilespmem:s31+$0x10000];
	[tilespmem:s31+$0x10000] =	vst v0  }
0xba: {  	v4 =	vld [tilespmem:s31+$0x10401];
	[tilespmem:s31+$0x10401] =	vst v0  }
0xbb: {  	v5 =	vld [tilespmem:s31+$0x10802];
	[tilespmem:s31+$0x10802] =	vst v0  }
0xbc: {  	v6 =	vld [tilespmem:s31+$0x10C03];
	[tilespmem:s31+$0x10C03] =	vst v0  }
0xbd: {  	v7 =	vld [tilespmem:s31+$0x11004];
	[tilespmem:s31+$0x11004] =	vst v0  }
0xbe: {  	v8 =	vld [tilespmem:s31+$0x11405];
	[tilespmem:s31+$0x11405] =	vst v0  }
0xbf: {  	v9 =	vld [tilespmem:s31+$0x11806];
	[tilespmem:s31+$0x11806] =	vst v0  }
0xc0: {  	v10 =	vld [tilespmem:s31+$0x11C07];
	[tilespmem:s31+$0x11C07] =	vst v0  }
0xc1: {  	v11 =	vld [tilespmem:s31+$0x12008];
	[tilespmem:s31+$0x12008] =	vst v0  }
0xc2: {  	v51 =	vld [tilespmem:s31+$0x12409];
	[tilespmem:s31+$0x12409] =	vst v0  }
0xc3: {  	v13 =	vld [tilespmem:s31+$0x1280A];
	[tilespmem:s31+$0x1280A] =	vst v0  }
0xc4: {  	v14 =	vld [tilespmem:s31+$0x12C0B];
	[tilespmem:s31+$0x12C0B] =	vst v0  }
0xc5: {  	v52 =	vld [tilespmem:s31+$0x1300C];
	[tilespmem:s31+$0x1300C] =	vst v0;
	v3 =	vadd.s32 v3, v4  }
0xc6: {  	v53 =	vld [tilespmem:s31+$0x1340D];
	[tilespmem:s31+$0x1340D] =	vst v0;
	v3 =	vadd.s32 v5, v3  }
0xc7: {  	v54 =	vld [tilespmem:s31+$0x1380E];
	[tilespmem:s31+$0x1380E] =	vst v0;
	v3 =	vadd.s32 v6, v3  }
0xc8: {  	s16 =	simm.s32 $0x10;
	v55 =	vld [tilespmem:s31+$0x13C0F];
	[tilespmem:s31+$0x13C0F] =	vst v0;
	v3 =	vadd.s32 v7, v3  }
0xc9: {  	v56 =	vld [tilespmem:s16+$0x12008];
	v3 =	vadd.s32 v8, v3  }
0xca: {  	v57 =	vld [tilespmem:s16+$0x12409];
	v3 =	vadd.s32 v9, v3  }
0xcb: {  	v58 =	vld [tilespmem:s16+$0x1280A];
	v3 =	vadd.s32 v10, v3  }
0xcc: {  	v59 =	vld [tilespmem:s16+$0x12C0B];
	v3 =	vadd.s32 v11, v3  }
0xcd: {  	v60 =	vld [tilespmem:s16+$0x1340D];
	v3 =	vadd.s32 v51, v3  }
0xce: {  	v61 =	vld [tilespmem:s16+$0x1380E];
	v3 =	vadd.s32 v13, v3  }
0xcf: {  	[tilespmem:s16+$0x12008] =	vst v0;
	v4 =	vld [tilespmem:s16+$0x10000];
	v3 =	vadd.s32 v14, v3  }
0xd0: {  	[tilespmem:s16+$0x12409] =	vst v0;
	v5 =	vld [tilespmem:s16+$0x10401];
	v3 =	vadd.s32 v52, v3  }
0xd1: {  	[tilespmem:s16+$0x1280A] =	vst v0;
	v6 =	vld [tilespmem:s16+$0x10802];
	v3 =	vadd.s32 v53, v3  }
0xd2: {  	[tilespmem:s16+$0x12C0B] =	vst v0;
	v7 =	vld [tilespmem:s16+$0x10C03];
	v3 =	vadd.s32 v54, v3  }
0xd3: {  	[tilespmem:s16+$0x1340D] =	vst v0;
	v8 =	vld [tilespmem:s16+$0x11004];
	v3 =	vadd.s32 v55, v3  }
0xd4: {  	[tilespmem:s16+$0x1380E] =	vst v0;
	v9 =	vld [tilespmem:s16+$0x11405];
	(xrf0) =	vadd.scan.msk.s32 $0xffff, v3  }
0xd5: {  	[tilespmem:s16+$0x10000] =	vst v0;
	v10 =	vld [tilespmem:s16+$0x11806];
	v4 =	vadd.s32 v4, v5  }
0xd6: {  	[tilespmem:s16+$0x10401] =	vst v0;
	v11 =	vld [tilespmem:s16+$0x11C07];
	v4 =	vadd.s32 v6, v4  }
0xd7: {  	[tilespmem:s16+$0x10802] =	vst v0;
	v4 =	vadd.s32 v7, v4  }
0xd8: {  	[tilespmem:s16+$0x10C03] =	vst v0;
	v4 =	vadd.s32 v8, v4  }
0xd9: {  	[tilespmem:s16+$0x11004] =	vst v0;
	v4 =	vadd.s32 v9, v4  }
0xda: {  	[tilespmem:s16+$0x11405] =	vst v0;
	v4 =	vadd.s32 v10, v4;
	v10, _, _ =	vpop (xrf0)  }
0xdb: {  	[tilespmem:s16+$0x11806] =	vst v0;
	v6 =	vld [tilespmem:s16+$0x1300C];
	v4 =	vadd.s32 v11, v4;
	(v2sf) =	vpush v10, $0xF  }
0xdc: {  	v5 =	vld [tilespmem:s16+$0x13C0F];
	[tilespmem:s16+$0x13C0F] =	vst v0;
	v4 =	vadd.s32 v56, v4  }
0xdd: {  	[tilespmem:s16+$0x11C07] =	vst v0;
	v4 =	vadd.s32 v57, v4  }
0xde: {  	s15 =	simm.s32 $0x20;
	[tilespmem:s16+$0x1300C] =	vst v0;
	v4 =	vadd.s32 v58, v4  }
0xdf: {  	v7 =	vld [tilespmem:s15+$0x10000];
	[tilespmem:s15+$0x10000] =	vst v0;
	v4 =	vadd.s32 v59, v4;
	v62 =	vadd.s32 s13, v10  }
0xe0: {  	v8 =	vld [tilespmem:s15+$0x10401];
	[tilespmem:s15+$0x10401] =	vst v0;
	v11 =	vimm.s32 $0x0;
	v4 =	vadd.s32 v6, v4;
	vm0 =	vlt.s32 v62, $0x4000  }
0xe1: {  	v9 =	vld [tilespmem:s15+$0x10802];
	[tilespmem:s15+$0x10802] =	vst v0;
	v63 =	vadd.s32 v60, v4;
	v6 =	vsel vm0, $0x1, v0;
	v3 =	vnsel vm0, $0x0, v3  }
0xe2: {  	s17 =	simm.s32 $0x140;
	s14 =	simm.s32 $0x100;
	s16 =	simm.s32 $0xC0;
	v10 =	vld [tilespmem:s15+$0x10C03];
	[tilespmem:s15+$0x10C03] =	vst v0;
	v4 =	vadd.s32 v6, v11;
	v3 =	vadd.s32 v11, v3;
	v6 =	vadd.s32 v61, v63  }
.LBB2_6:
0xe3: {  	p0 =	sne.s32 s17, $0xFC0;
	v11 =	vld [tilespmem:s15+$0x11004];
	[tilespmem:s15+$0x11004] =	vst v0;
	v6 =	vadd.s32 v5, v6  }
0xe4: {  	v5 =	vld [tilespmem:s15+$0x11405];
	[tilespmem:s15+$0x11405] =	vst v0;
	(xrf0) =	vadd.scan.msk.s32 $0xffff, v6  }
0xe5: {  	v7 =	vadd.s32 v7, v8;
	v8 =	vld [tilespmem:s15+$0x11806];
	[tilespmem:s15+$0x11806] =	vst v0  }
0xe6: {  	v7 =	vadd.s32 v9, v7;
	v9 =	vld [tilespmem:s15+$0x11C07];
	[tilespmem:s15+$0x11C07] =	vst v0  }
0xe7: {  	v7 =	vadd.s32 v10, v7;
	v10 =	vld [tilespmem:s15+$0x12008];
	[tilespmem:s15+$0x12008] =	vst v0  }
0xe8: {  	v7 =	vadd.s32 v11, v7;
	v11 =	vld [tilespmem:s15+$0x12409];
	[tilespmem:s15+$0x12409] =	vst v0  }
0xe9: {  	v5 =	vadd.s32 v5, v7;
	v7 =	vld [tilespmem:s15+$0x1280A];
	[tilespmem:s15+$0x1280A] =	vst v0  }
0xea: {  	v5 =	vadd.s32 v8, v5;
	v8 =	vld [tilespmem:s15+$0x12C0B];
	[tilespmem:s15+$0x12C0B] =	vst v0;
	v12, _, _ =	vpop (xrf0);
	s18 =	spop (v2sf)  }
0xeb: {  	v5 =	vadd.s32 v9, v5;
	v9 =	vld [tilespmem:s15+$0x1300C];
	[tilespmem:s15+$0x1300C] =	vst v0;
	(v2sf) =	vpush v12, $0xF;
	s13 =	sadd.s32 s13, s18  }
0xec: {  	v5 =	vadd.s32 v10, v5;
	v10 =	vld [tilespmem:s15+$0x1340D];
	[tilespmem:s15+$0x1340D] =	vst v0;
	v12 =	vadd.s32 s13, v12  }
0xed: {  	v5 =	vadd.s32 v11, v5;
	v11 =	vld [tilespmem:s15+$0x1380E];
	[tilespmem:s15+$0x1380E] =	vst v0;
	vm0 =	vlt.s32 v12, $0x4000  }
.Ltmp2:
0xee: {  	v12 =	vadd.s32 v7, v5;
	v5 =	vld [tilespmem:s15+$0x13C0F];
	[tilespmem:s15+$0x13C0F] =	vst v0;
	s15 =	sshra.s32 s16, $0x2;
	v13 =	vsel vm0, $0x1, v0;
	v6 =	vnsel vm0, $0x0, v6;
	s16 =	smov.u32 s14;
	(pc) =	sbr.rel @p0 .LBB2_6-.Ltmp2, $4  }
0xef: {  	s14 =	smov.u32 s17;
	v7 =	vld [tilespmem:s15+$0x10000];
	[tilespmem:s15+$0x10000] =	vst v0;
	v12 =	vadd.s32 v8, v12;
	v4 =	vadd.s32 v13, v4;
	v3 =	vadd.s32 v3, v6  }
0xf0: {  	v8 =	vld [tilespmem:s15+$0x10401];
	[tilespmem:s15+$0x10401] =	vst v0;
	v6 =	vadd.s32 v9, v12  }
0xf1: {  	v9 =	vld [tilespmem:s15+$0x10802];
	[tilespmem:s15+$0x10802] =	vst v0;
	v6 =	vadd.s32 v10, v6  }
0xf2: {  	s17 =	sadd.s32 $0x40, s17;
	v10 =	vld [tilespmem:s15+$0x10C03];
	[tilespmem:s15+$0x10C03] =	vst v0;
	v6 =	vadd.s32 v11, v6  }
0xf3: {  	v11 =	vld [tilespmem:s15+$0x11004];
	[tilespmem:s15+$0x11004] =	vst v0  }
0xf4: {  	v12 =	vld [tilespmem:s15+$0x11405];
	[tilespmem:s15+$0x11405] =	vst v0  }
0xf5: {  	v13 =	vld [tilespmem:s15+$0x11806];
	[tilespmem:s15+$0x11806] =	vst v0  }
0xf6: {  	v14 =	vld [tilespmem:s15+$0x11C07];
	[tilespmem:s15+$0x11C07] =	vst v0  }
0xf7: {  	v15 =	vld [tilespmem:s15+$0x12008];
	[tilespmem:s15+$0x12008] =	vst v0  }
0xf8: {  	v16 =	vld [tilespmem:s15+$0x12409];
	[tilespmem:s15+$0x12409] =	vst v0  }
0xf9: {  	v17 =	vld [tilespmem:s15+$0x1280A];
	[tilespmem:s15+$0x1280A] =	vst v0  }
0xfa: {  	v18 =	vld [tilespmem:s15+$0x12C0B];
	[tilespmem:s15+$0x12C0B] =	vst v0  }
0xfb: {  	v19 =	vld [tilespmem:s15+$0x1300C];
	[tilespmem:s15+$0x1300C] =	vst v0  }
0xfc: {  	v20 =	vld [tilespmem:s15+$0x1340D];
	[tilespmem:s15+$0x1340D] =	vst v0  }
0xfd: {  	v21 =	vld [tilespmem:s15+$0x1380E];
	[tilespmem:s15+$0x1380E] =	vst v0  }
0xfe: {  	v22 =	vld [tilespmem:s15+$0x13C0F];
	s16 =	sshra.s32 s16, $0x2;
	[tilespmem:s15+$0x13C0F] =	vst v0  }
0xff: {  	v23 =	vld [tilespmem:s16+$0x10000]  }
0x100: {  	v24 =	vld [tilespmem:s16+$0x10401]  }
0x101: {  	v25 =	vld [tilespmem:s16+$0x10802]  }
0x102: {  	[tilespmem:s16+$0x10000] =	vst v0;
	v26 =	vld [tilespmem:s16+$0x10C03]  }
0x103: {  	[tilespmem:s16+$0x10401] =	vst v0;
	v27 =	vld [tilespmem:s16+$0x11004]  }
0x104: {  	[tilespmem:s16+$0x10802] =	vst v0;
	v39 =	vld [tilespmem:s16+$0x11806]  }
0x105: {  	[tilespmem:s16+$0x10C03] =	vst v0;
	v40 =	vld [tilespmem:s16+$0x12409]  }
0x106: {  	[tilespmem:s16+$0x11004] =	vst v0;
	v7 =	vadd.s32 v7, v8;
	v8 =	vld [tilespmem:s16+$0x11405]  }
0x107: {  	[tilespmem:s16+$0x11806] =	vst v0;
	v41 =	vld [tilespmem:s16+$0x12C0B];
	v7 =	vadd.s32 v9, v7;
	v9 =	vadd.s32 v23, v24  }
0x108: {  	[tilespmem:s16+$0x12409] =	vst v0;
	v7 =	vadd.s32 v10, v7;
	v10 =	vld [tilespmem:s16+$0x11C07];
	v9 =	vadd.s32 v25, v9  }
0x109: {  	[tilespmem:s16+$0x12C0B] =	vst v0;
	v7 =	vadd.s32 v11, v7;
	v11 =	vld [tilespmem:s16+$0x12008];
	v9 =	vadd.s32 v26, v9  }
0x10a: {  	v42 =	vld [tilespmem:s16+$0x1380E];
	[tilespmem:s16+$0x1380E] =	vst v0;
	v7 =	vadd.s32 v12, v7;
	v9 =	vadd.s32 v27, v9  }
0x10b: {  	[tilespmem:s16+$0x11405] =	vst v0;
	v7 =	vadd.s32 v13, v7;
	v8 =	vadd.s32 v8, v9;
	v9 =	vld [tilespmem:s16+$0x1280A]  }
0x10c: {  	[tilespmem:s16+$0x11C07] =	vst v0;
	v7 =	vadd.s32 v14, v7;
	v8 =	vadd.s32 v39, v8  }
0x10d: {  	[tilespmem:s16+$0x12008] =	vst v0;
	v7 =	vadd.s32 v15, v7;
	v8 =	vadd.s32 v10, v8;
	v10 =	vld [tilespmem:s16+$0x1300C]  }
0x10e: {  	[tilespmem:s16+$0x1280A] =	vst v0;
	v7 =	vadd.s32 v16, v7;
	v8 =	vadd.s32 v11, v8;
	v11 =	vld [tilespmem:s16+$0x1340D]  }
0x10f: {  	v7 =	vadd.s32 v17, v7;
	[tilespmem:s16+$0x1300C] =	vst v0;
	v8 =	vadd.s32 v40, v8  }
0x110: {  	v7 =	vadd.s32 v18, v7;
	[tilespmem:s16+$0x1340D] =	vst v0;
	v8 =	vadd.s32 v9, v8;
	v9 =	vld [tilespmem:s16+$0x13C0F]  }
0x111: {  	s14 =	sshra.s32 s14, $0x2;
	v5 =	vadd.s32 v5, v6;
	v7 =	vadd.s32 v19, v7;
	[tilespmem:s16+$0x13C0F] =	vst v0;
	v8 =	vadd.s32 v41, v8  }
0x112: {  	(xrf0) =	vadd.scan.msk.s32 $0xffff, v5;
	v7 =	vadd.s32 v20, v7;
	v43 =	vld [tilespmem:s14+$0x10000];
	v8 =	vadd.s32 v10, v8  }
0x113: {  	v6 =	vadd.s32 v21, v7;
	v7 =	vld [tilespmem:s14+$0x10401];
	v8 =	vadd.s32 v11, v8  }
0x114: {  	v6 =	vadd.s32 v22, v6;
	v10 =	vld [tilespmem:s14+$0x10802];
	v8 =	vadd.s32 v42, v8  }
0x115: {  	(xrf0) =	vadd.scan.msk.s32 $0xffff, v6;
	v11 =	vld [tilespmem:s14+$0x10C03];
	v8 =	vadd.s32 v9, v8  }
0x116: {  	v9 =	vld [tilespmem:s14+$0x11004];
	(xrf0) =	vadd.scan.msk.s32 $0xffff, v8  }
0x117: {  	v44 =	vld [tilespmem:s14+$0x11405]  }
0x118: {  	v46, _, _ =	vpop (xrf0);
	v45 =	vld [tilespmem:s14+$0x11806];
	v7 =	vadd.s32 v43, v7  }
0x119: {  	(v2sf) =	vpush v46, $0xF;
	v7 =	vadd.s32 v10, v7;
	v10 =	vld [tilespmem:s14+$0x11C07]  }
0x11a: {  	v7 =	vadd.s32 v11, v7;
	v11 =	vld [tilespmem:s14+$0x12008]  }
0x11b: {  	v47, _, _ =	vpop (xrf0);
	v7 =	vadd.s32 v9, v7;
	v9 =	vld [tilespmem:s14+$0x12409]  }
0x11c: {  	v48 =	vld [tilespmem:s14+$0x1280A];
	(v2sf) =	vpush v47, $0xF;
	v7 =	vadd.s32 v44, v7;
	v49, _, _ =	vpop (xrf0)  }
0x11d: {  	v50 =	vld [tilespmem:s14+$0x12C0B];
	v7 =	vadd.s32 v45, v7;
	(v2sf) =	vpush v49, $0xF  }
0x11e: {  	v7 =	vadd.s32 v10, v7;
	v10 =	vld [tilespmem:s14+$0x1300C]  }
0x11f: {  	v7 =	vadd.s32 v11, v7;
	v11 =	vld [tilespmem:s14+$0x1340D]  }
0x120: {  	v7 =	vadd.s32 v9, v7;
	v9 =	vld [tilespmem:s14+$0x1380E]  }
0x121: {  	v51 =	vld [tilespmem:s14+$0x13C0F];
	v7 =	vadd.s32 v48, v7  }
0x122: {  	v7 =	vadd.s32 v50, v7  }
0x123: {  	v7 =	vadd.s32 v10, v7  }
0x124: {  	v7 =	vadd.s32 v11, v7  }
0x125: {  	v7 =	vadd.s32 v9, v7  }
0x126: {  	v7 =	vadd.s32 v51, v7  }
0x127: {  	s25 =	spop (v2sf);
	(xrf0) =	vadd.scan.msk.s32 $0xffff, v7  }
0x128: {  	s13 =	sadd.s32 s13, s25;
	s26 =	spop (v2sf)  }
0x129: {  	v9 =	vadd.s32 s13, v46;
	s13 =	sadd.s32 s13, s26  }
0x12a: {  	v10 =	vadd.s32 s13, v47  }
0x12b: {  	vm0 =	vlt.s32 v9, $0x4000;
	s28 =	spop (v2sf)  }
0x12c: {  	v9 =	vsel vm0, $0x1, v0;
	s13 =	sadd.s32 s13, s28;
	s29 =	spop (v2sf)  }
0x12d: {  	vm1 =	vlt.s32 v10, $0x4000;
	v4 =	vadd.s32 v9, v4;
	v9 =	vadd.s32 s13, v49;
	v10, _, _ =	vpop (xrf0);
	s13 =	sadd.s32 s13, s29  }
0x12e: {  	[tilespmem:s14+$0x10000] =	vst v0;
	v11 =	vsel vm1, $0x1, v0;
	vm2 =	vlt.s32 v9, $0x4000;
	v9 =	vadd.s32 s13, v10  }
0x12f: {  	[tilespmem:s14+$0x10401] =	vst v0;
	v4 =	vadd.s32 v11, v4;
	v11 =	vsel vm2, $0x1, v0;
	vm3 =	vlt.s32 v9, $0x4000  }
0x130: {  	[tilespmem:s14+$0x11405] =	vst v0;
	v4 =	vadd.s32 v11, v4;
	v9 =	vsel vm3, $0x1, v0  }
0x131: {  	[tilespmem:s14+$0x11806] =	vst v0;
	v4 =	vadd.s32 v9, v4  }
0x132: {  	[tilespmem:s14+$0x1280A] =	vst v0;
	(xrf0) =	vadd.scan.msk.s32 $0xffff, v4  }
0x133: {  	[tilespmem:s14+$0x12C0B] =	vst v0  }
0x134: {  	[tilespmem:s14+$0x13C0F] =	vst v0  }
0x135: {  	[tilespmem:s14+$0x10802] =	vst v0  }
0x136: {  	[tilespmem:s14+$0x10C03] =	vst v0  }
0x137: {  	[tilespmem:s14+$0x11004] =	vst v0  }
0x138: {  	[tilespmem:s14+$0x11C07] =	vst v0;
	(v2sf) =	vpush v10, $0xF;
	v4, _, _ =	vpop (xrf0)  }
0x139: {  	[tilespmem:s14+$0x12008] =	vst v0;
	(v2sf) =	vpush v4, $0xF  }
0x13a: {  	[tilespmem:s14+$0x12409] =	vst v0  }
0x13b: {  	[tilespmem:s14+$0x1300C] =	vst v0  }
0x13c: {  	[tilespmem:s14+$0x1340D] =	vst v0  }
0x13d: {  	s31 =	simm.s32 $0x0;
	[tilespmem:s14+$0x1380E] =	vst v0  }
0x13e: {  	v52 =	vld [tilespmem:s31+$0x8090]  }
0x13f: {  	v53 =	vld [tilespmem:s31+$0x80A0]  }
0x140: {  	v54 =	vld [tilespmem:s31+$0x8060]  }
0x141: {  	v55 =	vld [tilespmem:s31+$0x8070]  }
0x142: {  	v11 =	vld [tilespmem:s31+$0x8080]  }
0x143: {  	v10 =	vld [tilespmem:s31+$0x8000]  }
0x144: {  	v4 =	vnsel vm0, $0x0, v5;
	v5 =	vnsel vm1, $0x0, v6;
	v6 =	vld [tilespmem:s31+$0x8040]  }
0x145: {  	v3 =	vadd.s32 v3, v4;
	v4 =	vnsel vm2, $0x0, v8;
	v8 =	vld [tilespmem:s31+$0x8030]  }
0x146: {  	v3 =	vadd.s32 v3, v5;
	v5 =	vld [tilespmem:s31+$0x8050]  }
0x147: {  	s30 =	spop (v2sf);
	v3 =	vadd.s32 v3, v4;
	v4 =	vnsel vm3, $0x0, v7;
	v7 =	vld [tilespmem:s31+$0x8020]  }
0x148: {  	v9 =	vld [tilespmem:s31+$0x8010];
	s13 =	spop (v2sf)  }
0x149: {  	v57 =	vld [tilespmem:s31+$0x80D0];
	s13 =	sshll.u32 s13, $0x14  }
0x14a: {  	v58 =	vld [tilespmem:s31+$0x80F0];
	v3 =	vadd.s32 v3, v4;
	v4 =	vmov s13  }
0x14b: {  	v5 =	vsub.s32 v5, v4  }
0x14c: {  	v6 =	vsub.s32 v6, v4;
	v7 =	vsub.s32 v7, v4;
	v8 =	vsub.s32 v8, v4  }
0x14d: {  	v9 =	vsub.s32 v9, v4;
	v10 =	vsub.s32 v10, v4;
	v11 =	vsub.s32 v11, v4  }
0x14e: {  	v12 =	vsub.s32 v52, v4;
	v14 =	vsub.s32 v54, v4;
	v13 =	vsub.s32 v53, v4  }
0x14f: {  	v15 =	vsub.s32 v55, v4;
	v61 =	vsub.s32 v57, v4;
	v62 =	vsub.s32 v58, v4  }
0x150: {  	v5 =	vshrl.u32 v5, $0xA;
	v6 =	vshrl.u32 v6, $0xA;
	v10 =	vshrl.u32 v10, $0xA  }
0x151: {  	v7 =	vshrl.u32 v7, $0xA;
	v9 =	vshrl.u32 v9, $0xA;
	v10 =	vmin.u32 v10, $0x400  }
0x152: {  	v8 =	vshrl.u32 v8, $0xA;
	v9 =	vmin.u32 v9, $0x400;
	v10 =	vadd.s32 v1, v10  }
0x153: {  	v11 =	vshrl.u32 v11, $0xA;
	v7 =	vmin.u32 v7, $0x400;
	v9 =	vadd.s32 v1, v9  }
0x154: {  	v56 =	vld [tilespmem:s31+$0x80B0];
	v12 =	vshrl.u32 v12, $0xA;
	v8 =	vmin.u32 v8, $0x400;
	v7 =	vadd.s32 v1, v7  }
0x155: {  	v59 =	vld [tilespmem:s31+$0x80E0];
	v14 =	vshrl.u32 v14, $0xA;
	v6 =	vmin.u32 v6, $0x400;
	v8 =	vadd.s32 v1, v8  }
0x156: {  	v60 =	vld [tilespmem:s31+$0x80C0];
	v15 =	vshrl.u32 v15, $0xA;
	v5 =	vmin.u32 v5, $0x400;
	v6 =	vadd.s32 v1, v6  }
0x157: {  	v14 =	vmin.u32 v14, $0x400;
	v12 =	vmin.u32 v12, $0x400;
	v5 =	vadd.s32 v1, v5;
	[tilespmem:v10+s10+$0x0] =	vst.idx.add.s32.msk $0xffff, v2  }
0x158: {  	v14 =	vadd.s32 v1, v14;
	v10 =	vmin.u32 v11, $0x400;
	v11 =	vmin.u32 v15, $0x400;
	[tilespmem:v9+s10+$0x0] =	vst.idx.add.s32.msk $0xffff, v2  }
0x159: {  	v13 =	vshrl.u32 v13, $0xA;
	v12 =	vadd.s32 v1, v12;
	v11 =	vadd.s32 v1, v11;
	[tilespmem:v7+s10+$0x0] =	vst.idx.add.s32.msk $0xffff, v2  }
0x15a: {  	v9 =	vmin.u32 v13, $0x400;
	v10 =	vadd.s32 v1, v10;
	v7 =	vsub.s32 v56, v4;
	[tilespmem:v8+s10+$0x0] =	vst.idx.add.s32.msk $0xffff, v2  }
0x15b: {  	v63 =	vadd.s32 v1, v9;
	[tilespmem:v6+s10+$0x0] =	vst.idx.add.s32.msk $0xffff, v2;
	v6 =	vshrl.u32 v7, $0xA;
	v7 =	vsub.s32 v60, v4  }
0x15c: {  	v8 =	vshrl.u32 v61, $0xA;
	[tilespmem:v5+s10+$0x0] =	vst.idx.add.s32.msk $0xffff, v2;
	v5 =	vmin.u32 v6, $0x400;
	v6 =	vshrl.u32 v7, $0xA  }
0x15d: {  	v7 =	vsub.s32 v59, v4;
	[tilespmem:v14+s10+$0x0] =	vst.idx.add.s32.msk $0xffff, v2;
	v6 =	vmin.u32 v6, $0x400;
	v5 =	vadd.s32 v1, v5  }
0x15e: {  	v8 =	vmin.u32 v8, $0x400;
	[tilespmem:v11+s10+$0x0] =	vst.idx.add.s32.msk $0xffff, v2;
	v11 =	vshrl.u32 v7, $0xA;
	v6 =	vadd.s32 v1, v6  }
0x15f: {  	v9 =	vshrl.u32 v62, $0xA;
	v7 =	vadd.s32 v1, v8;
	[tilespmem:v10+s10+$0x0] =	vst.idx.add.s32.msk $0xffff, v2;
	v8 =	vmin.u32 v11, $0x400  }
0x160: {  	v9 =	vmin.u32 v9, $0x400;
	[tilespmem:v12+s10+$0x0] =	vst.idx.add.s32.msk $0xffff, v2;
	v8 =	vadd.s32 v1, v8  }
0x161: {  	s14 =	simm.s32 $0x400;
	v9 =	vadd.s32 v1, v9;
	[tilespmem:v63+s10+$0x0] =	vst.idx.add.s32.msk $0xffff, v2  }
.LBB2_8:
0x162: {  	s15 =	sshra.s32 s14, $0x2;
	p0 =	seq.s32 s14, $0x1FC00;
	s14 =	sadd.s32 $0x400, s14;
	[tilespmem:v5+s10+$0x0] =	vst.idx.add.s32.msk $0xffff, v2  }
0x163: {  	[tilespmem:v6+s10+$0x0] =	vst.idx.add.s32.msk $0xffff, v2  }
0x164: {  	[tilespmem:v7+s10+$0x0] =	vst.idx.add.s32.msk $0xffff, v2  }
0x165: {  	[tilespmem:v8+s10+$0x0] =	vst.idx.add.s32.msk $0xffff, v2  }
0x166: {  	[tilespmem:v9+s10+$0x0] =	vst.idx.add.s32.msk $0xffff, v2  }
0x167: {  	v5 =	vld [tilespmem:s15+$0x8050]  }
0x168: {  	v6 =	vld [tilespmem:s15+$0x8040]  }
0x169: {  	v7 =	vld [tilespmem:s15+$0x8020]  }
0x16a: {  	v8 =	vld [tilespmem:s15+$0x8030]  }
0x16b: {  	v9 =	vld [tilespmem:s15+$0x8010]  }
0x16c: {  	v10 =	vld [tilespmem:s15+$0x8000];
	v5 =	vsub.s32 v5, v4  }
0x16d: {  	v11 =	vld [tilespmem:s15+$0x80B0];
	v6 =	vsub.s32 v6, v4;
	v5 =	vshrl.u32 v5, $0xA  }
0x16e: {  	v12 =	vld [tilespmem:s15+$0x8080];
	v7 =	vsub.s32 v7, v4;
	v6 =	vshrl.u32 v6, $0xA;
	v5 =	vmin.u32 v5, $0x400  }
0x16f: {  	v13 =	vld [tilespmem:s15+$0x8090];
	v7 =	vshrl.u32 v7, $0xA;
	v8 =	vsub.s32 v8, v4;
	v6 =	vmin.u32 v6, $0x400  }
0x170: {  	v14 =	vld [tilespmem:s15+$0x80A0];
	v9 =	vsub.s32 v9, v4;
	v8 =	vshrl.u32 v8, $0xA;
	v7 =	vmin.u32 v7, $0x400  }
0x171: {  	v15 =	vld [tilespmem:s15+$0x8070];
	v10 =	vsub.s32 v10, v4;
	v9 =	vshrl.u32 v9, $0xA;
	v8 =	vmin.u32 v8, $0x400  }
0x172: {  	v5 =	vadd.s32 v1, v5;
	v16 =	vld [tilespmem:s15+$0x8060];
	v10 =	vshrl.u32 v10, $0xA;
	v9 =	vmin.u32 v9, $0x400  }
0x173: {  	v6 =	vadd.s32 v1, v6;
	v17 =	vld [tilespmem:s15+$0x80D0];
	v12 =	vsub.s32 v12, v4;
	v10 =	vmin.u32 v10, $0x400  }
0x174: {  	v12 =	vshrl.u32 v12, $0xA;
	v13 =	vsub.s32 v13, v4;
	v10 =	vadd.s32 v1, v10  }
0x175: {  	v9 =	vadd.s32 v1, v9;
	v13 =	vshrl.u32 v13, $0xA;
	v14 =	vsub.s32 v14, v4  }
0x176: {  	v7 =	vadd.s32 v1, v7;
	v12 =	vmin.u32 v12, $0x400;
	v18 =	vld [tilespmem:s15+$0x80F0];
	v14 =	vshrl.u32 v14, $0xA  }
0x177: {  	v8 =	vadd.s32 v1, v8;
	v15 =	vsub.s32 v15, v4;
	v19 =	vld [tilespmem:s15+$0x80E0];
	v16 =	vsub.s32 v16, v4  }
0x178: {  	v15 =	vshrl.u32 v15, $0xA;
	v14 =	vmin.u32 v14, $0x400;
	v20 =	vld [tilespmem:s15+$0x80C0];
	v16 =	vshrl.u32 v16, $0xA  }
0x179: {  	v17 =	vsub.s32 v17, v4;
	v15 =	vmin.u32 v15, $0x400;
	v16 =	vmin.u32 v16, $0x400;
	[tilespmem:v10+s10+$0x0] =	vst.idx.add.s32.msk $0xffff, v2  }
0x17a: {  	v10 =	vsub.s32 v11, v4;
	v11 =	vshrl.u32 v17, $0xA;
	v16 =	vadd.s32 v1, v16;
	[tilespmem:v9+s10+$0x0] =	vst.idx.add.s32.msk $0xffff, v2  }
0x17b: {  	v15 =	vadd.s32 v1, v15;
	v11 =	vmin.u32 v11, $0x400;
	v9 =	vsub.s32 v18, v4;
	[tilespmem:v7+s10+$0x0] =	vst.idx.add.s32.msk $0xffff, v2  }
0x17c: {  	v7 =	vshrl.u32 v10, $0xA;
	v10 =	vadd.s32 v1, v12;
	v12 =	vmin.u32 v13, $0x400;
	[tilespmem:v8+s10+$0x0] =	vst.idx.add.s32.msk $0xffff, v2  }
0x17d: {  	v12 =	vadd.s32 v1, v12;
	v7 =	vmin.u32 v7, $0x400;
	v8 =	vsub.s32 v20, v4;
	[tilespmem:v6+s10+$0x0] =	vst.idx.add.s32.msk $0xffff, v2  }
0x17e: {  	v13 =	vadd.s32 v1, v14;
	v6 =	vshrl.u32 v8, $0xA;
	v8 =	vsub.s32 v19, v4;
	[tilespmem:v5+s10+$0x0] =	vst.idx.add.s32.msk $0xffff, v2  }
.Ltmp3:
0x17f: {  	v9 =	vshrl.u32 v9, $0xA;
	v5 =	vadd.s32 v1, v7;
	v6 =	vmin.u32 v6, $0x400;
	[tilespmem:v16+s10+$0x0] =	vst.idx.add.s32.msk $0xffff, v2;
	(pc) =	sbr.rel @!p0 .LBB2_8-.Ltmp3, $4  }
0x180: {  	v9 =	vmin.u32 v9, $0x400;
	v8 =	vshrl.u32 v8, $0xA;
	v6 =	vadd.s32 v1, v6;
	[tilespmem:v15+s10+$0x0] =	vst.idx.add.s32.msk $0xffff, v2  }
0x181: {  	v7 =	vadd.s32 v1, v11;
	v8 =	vmin.u32 v8, $0x400;
	[tilespmem:v10+s10+$0x0] =	vst.idx.add.s32.msk $0xffff, v2  }
0x182: {  	v8 =	vadd.s32 v1, v8;
	[tilespmem:v12+s10+$0x0] =	vst.idx.add.s32.msk $0xffff, v2  }
0x183: {  	v9 =	vadd.s32 v1, v9;
	[tilespmem:v13+s10+$0x0] =	vst.idx.add.s32.msk $0xffff, v2  }
0x184: {  	_ =	sdelay $0x3  }
0x185: {  	[tilespmem:v5+s10+$0x0] =	vst.idx.add.s32.msk $0xffff, v2  }
0x186: {  	[tilespmem:v6+s10+$0x0] =	vst.idx.add.s32.msk $0xffff, v2  }
0x187: {  	[tilespmem:v7+s10+$0x0] =	vst.idx.add.s32.msk $0xffff, v2  }
0x188: {  	[tilespmem:v8+s10+$0x0] =	vst.idx.add.s32.msk $0xffff, v2  }
0x189: {  	s16 =	simm.s32 $0x0;
	[tilespmem:v9+s10+$0x0] =	vst.idx.add.s32.msk $0xffff, v2  }
0x18a: {  	v5 =	vld [tilespmem:s16+$0x10000];
	[tilespmem:s16+$0x10000] =	vst v0  }
0x18b: {  	v6 =	vld [tilespmem:s16+$0x10401];
	[tilespmem:s16+$0x10401] =	vst v0  }
0x18c: {  	v7 =	vld [tilespmem:s16+$0x10802];
	[tilespmem:s16+$0x10802] =	vst v0  }
0x18d: {  	v8 =	vld [tilespmem:s16+$0x10C03];
	[tilespmem:s16+$0x10C03] =	vst v0  }
0x18e: {  	v9 =	vld [tilespmem:s16+$0x11004];
	[tilespmem:s16+$0x11004] =	vst v0  }
0x18f: {  	v10 =	vld [tilespmem:s16+$0x11405];
	[tilespmem:s16+$0x11405] =	vst v0  }
0x190: {  	v11 =	vld [tilespmem:s16+$0x11806];
	[tilespmem:s16+$0x11806] =	vst v0  }
0x191: {  	v12 =	vld [tilespmem:s16+$0x11C07];
	[tilespmem:s16+$0x11C07] =	vst v0  }
0x192: {  	v13 =	vld [tilespmem:s16+$0x12008];
	[tilespmem:s16+$0x12008] =	vst v0  }
0x193: {  	v14 =	vld [tilespmem:s16+$0x12409];
	[tilespmem:s16+$0x12409] =	vst v0  }
0x194: {  	v15 =	vld [tilespmem:s16+$0x1280A];
	[tilespmem:s16+$0x1280A] =	vst v0  }
0x195: {  	v16 =	vld [tilespmem:s16+$0x12C0B];
	[tilespmem:s16+$0x12C0B] =	vst v0  }
0x196: {  	(xrf0) =	vadd.scan.msk.s32 $0xffff, v3;
	v17 =	vld [tilespmem:s16+$0x1300C];
	[tilespmem:s16+$0x1300C] =	vst v0;
	v5 =	vadd.s32 v5, v6  }
0x197: {  	v18 =	vld [tilespmem:s16+$0x1340D];
	[tilespmem:s16+$0x1340D] =	vst v0;
	v5 =	vadd.s32 v7, v5  }
0x198: {  	v19 =	vld [tilespmem:s16+$0x1380E];
	[tilespmem:s16+$0x1380E] =	vst v0;
	v5 =	vadd.s32 v8, v5  }
0x199: {  	s18 =	simm.s32 $0x10;
	v20 =	vld [tilespmem:s16+$0x13C0F];
	[tilespmem:s16+$0x13C0F] =	vst v0;
	v5 =	vadd.s32 v9, v5  }
0x19a: {  	v55 =	vld [tilespmem:s18+$0x11806];
	v5 =	vadd.s32 v10, v5  }
0x19b: {  	v56 =	vld [tilespmem:s18+$0x11C07];
	v5 =	vadd.s32 v11, v5  }
0x19c: {  	v3, _, _ =	vpop (xrf0);
	v57 =	vld [tilespmem:s18+$0x12008];
	v5 =	vadd.s32 v12, v5  }
0x19d: {  	v58 =	vld [tilespmem:s18+$0x12409];
	(v2sf) =	vpush v3, $0xF;
	v5 =	vadd.s32 v13, v5  }
0x19e: {  	v59 =	vld [tilespmem:s18+$0x1280A];
	v5 =	vadd.s32 v14, v5  }
0x19f: {  	v60 =	vld [tilespmem:s18+$0x1300C];
	v5 =	vadd.s32 v15, v5  }
0x1a0: {  	[tilespmem:s18+$0x11806] =	vst v0;
	v6 =	vld [tilespmem:s18+$0x10000];
	v5 =	vadd.s32 v16, v5  }
0x1a1: {  	[tilespmem:s18+$0x11C07] =	vst v0;
	v7 =	vld [tilespmem:s18+$0x10401];
	v5 =	vadd.s32 v17, v5  }
0x1a2: {  	[tilespmem:s18+$0x12008] =	vst v0;
	v8 =	vld [tilespmem:s18+$0x10802];
	v5 =	vadd.s32 v18, v5  }
0x1a3: {  	[tilespmem:s18+$0x12409] =	vst v0;
	v9 =	vld [tilespmem:s18+$0x10C03];
	v5 =	vadd.s32 v19, v5  }
0x1a4: {  	[tilespmem:s18+$0x1280A] =	vst v0;
	v10 =	vld [tilespmem:s18+$0x11004];
	v5 =	vadd.s32 v20, v5  }
0x1a5: {  	[tilespmem:s18+$0x1300C] =	vst v0;
	v11 =	vld [tilespmem:s18+$0x11405];
	(xrf0) =	vadd.scan.msk.s32 $0xffff, v5  }
0x1a6: {  	v61 =	vld [tilespmem:s18+$0x1340D];
	[tilespmem:s18+$0x1340D] =	vst v0;
	v6 =	vadd.s32 v6, v7  }
0x1a7: {  	v62 =	vld [tilespmem:s18+$0x1380E];
	[tilespmem:s18+$0x1380E] =	vst v0;
	v6 =	vadd.s32 v8, v6  }
0x1a8: {  	[tilespmem:s18+$0x10000] =	vst v0;
	v6 =	vadd.s32 v9, v6  }
0x1a9: {  	[tilespmem:s18+$0x10401] =	vst v0;
	v6 =	vadd.s32 v10, v6  }
0x1aa: {  	[tilespmem:s18+$0x10802] =	vst v0;
	v8 =	vadd.s32 v11, v6  }
0x1ab: {  	[tilespmem:s18+$0x10C03] =	vst v0;
	v7 =	vld [tilespmem:s18+$0x12C0B];
	v8 =	vadd.s32 v55, v8;
	v11, _, _ =	vpop (xrf0)  }
0x1ac: {  	[tilespmem:s18+$0x11004] =	vst v0;
	s14 =	spop (v2sf);
	v9 =	vadd.s32 v56, v8;
	(v2sf) =	vpush v11, $0xF  }
0x1ad: {  	[tilespmem:s18+$0x11405] =	vst v0;
	v9 =	vadd.s32 v57, v9  }
0x1ae: {  	[tilespmem:s18+$0x12C0B] =	vst v0;
	v10 =	vadd.s32 v58, v9  }
0x1af: {  	s15 =	simm.s32 $0x0;
	s17 =	simm.s32 $0x20;
	v6 =	vld [tilespmem:s18+$0x13C0F];
	[tilespmem:s18+$0x13C0F] =	vst v0;
	s14 =	ssub.s32 $0x4000, s14;
	v10 =	vadd.s32 v59, v10  }
0x1b0: {  	v8 =	vld [tilespmem:s17+$0x10000];
	[tilespmem:s17+$0x10000] =	vst v0;
	v3 =	vmov s14;
	v7 =	vadd.s32 v7, v10;
	v63 =	vadd.s32 s15, v11  }
0x1b1: {  	v4 =	vimm.s32 $0x0;
	v9 =	vld [tilespmem:s17+$0x10401];
	[tilespmem:s17+$0x10401] =	vst v0;
	v7 =	vadd.s32 v60, v7;
	vm0 =	vlt.s32 v63, v3  }
0x1b2: {  	v10 =	vld [tilespmem:s17+$0x10802];
	[tilespmem:s17+$0x10802] =	vst v0;
	v7 =	vadd.s32 v61, v7;
	v12 =	vnsel vm0, $0x0, v5;
	v5 =	vsel vm0, $0x1, v0  }
0x1b3: {  	s19 =	simm.s32 $0x140;
	s16 =	simm.s32 $0x100;
	s18 =	simm.s32 $0xC0;
	v7 =	vadd.s32 v62, v7;
	v11 =	vld [tilespmem:s17+$0x10C03];
	[tilespmem:s17+$0x10C03] =	vst v0;
	v5 =	vadd.s32 v5, v4;
	v4 =	vadd.s32 v4, v12  }
.LBB2_10:
0x1b4: {  	p0 =	sne.s32 s19, $0xFC0;
	v12 =	vld [tilespmem:s17+$0x11004];
	[tilespmem:s17+$0x11004] =	vst v0;
	v7 =	vadd.s32 v6, v7  }
0x1b5: {  	v6 =	vld [tilespmem:s17+$0x11405];
	[tilespmem:s17+$0x11405] =	vst v0;
	(xrf0) =	vadd.scan.msk.s32 $0xffff, v7  }
0x1b6: {  	v8 =	vadd.s32 v8, v9;
	v9 =	vld [tilespmem:s17+$0x11806];
	[tilespmem:s17+$0x11806] =	vst v0  }
0x1b7: {  	v8 =	vadd.s32 v10, v8;
	v10 =	vld [tilespmem:s17+$0x11C07];
	[tilespmem:s17+$0x11C07] =	vst v0  }
0x1b8: {  	v8 =	vadd.s32 v11, v8;
	v11 =	vld [tilespmem:s17+$0x12008];
	[tilespmem:s17+$0x12008] =	vst v0  }
0x1b9: {  	v8 =	vadd.s32 v12, v8;
	v12 =	vld [tilespmem:s17+$0x12409];
	[tilespmem:s17+$0x12409] =	vst v0  }
0x1ba: {  	v6 =	vadd.s32 v6, v8;
	v8 =	vld [tilespmem:s17+$0x1280A];
	[tilespmem:s17+$0x1280A] =	vst v0  }
0x1bb: {  	v6 =	vadd.s32 v9, v6;
	v9 =	vld [tilespmem:s17+$0x12C0B];
	[tilespmem:s17+$0x12C0B] =	vst v0;
	v13, _, _ =	vpop (xrf0);
	s20 =	spop (v2sf)  }
0x1bc: {  	v6 =	vadd.s32 v10, v6;
	v10 =	vld [tilespmem:s17+$0x1300C];
	[tilespmem:s17+$0x1300C] =	vst v0;
	(v2sf) =	vpush v13, $0xF;
	s15 =	sadd.s32 s15, s20  }
0x1bd: {  	v6 =	vadd.s32 v11, v6;
	v11 =	vld [tilespmem:s17+$0x1340D];
	[tilespmem:s17+$0x1340D] =	vst v0;
	v13 =	vadd.s32 s15, v13  }
0x1be: {  	v6 =	vadd.s32 v12, v6;
	v12 =	vld [tilespmem:s17+$0x1380E];
	[tilespmem:s17+$0x1380E] =	vst v0;
	vm0 =	vlt.s32 v13, v3  }
.Ltmp4:
0x1bf: {  	v13 =	vadd.s32 v8, v6;
	v6 =	vld [tilespmem:s17+$0x13C0F];
	[tilespmem:s17+$0x13C0F] =	vst v0;
	s17 =	sshra.s32 s18, $0x2;
	v14 =	vsel vm0, $0x1, v0;
	v7 =	vnsel vm0, $0x0, v7;
	s18 =	smov.u32 s16;
	(pc) =	sbr.rel @p0 .LBB2_10-.Ltmp4, $4  }
0x1c0: {  	s16 =	smov.u32 s19;
	v8 =	vld [tilespmem:s17+$0x10000];
	[tilespmem:s17+$0x10000] =	vst v0;
	v13 =	vadd.s32 v9, v13;
	v5 =	vadd.s32 v14, v5;
	v4 =	vadd.s32 v4, v7  }
0x1c1: {  	v9 =	vld [tilespmem:s17+$0x10401];
	[tilespmem:s17+$0x10401] =	vst v0;
	v7 =	vadd.s32 v10, v13  }
0x1c2: {  	v10 =	vld [tilespmem:s17+$0x10802];
	[tilespmem:s17+$0x10802] =	vst v0;
	v7 =	vadd.s32 v11, v7  }
0x1c3: {  	s19 =	sadd.s32 $0x40, s19;
	v11 =	vld [tilespmem:s17+$0x10C03];
	[tilespmem:s17+$0x10C03] =	vst v0;
	v7 =	vadd.s32 v12, v7  }
0x1c4: {  	v12 =	vld [tilespmem:s17+$0x11004];
	[tilespmem:s17+$0x11004] =	vst v0  }
0x1c5: {  	v13 =	vld [tilespmem:s17+$0x11405];
	[tilespmem:s17+$0x11405] =	vst v0  }
0x1c6: {  	v14 =	vld [tilespmem:s17+$0x11806];
	[tilespmem:s17+$0x11806] =	vst v0  }
0x1c7: {  	v15 =	vld [tilespmem:s17+$0x11C07];
	[tilespmem:s17+$0x11C07] =	vst v0  }
0x1c8: {  	v16 =	vld [tilespmem:s17+$0x12008];
	[tilespmem:s17+$0x12008] =	vst v0  }
0x1c9: {  	v17 =	vld [tilespmem:s17+$0x12409];
	[tilespmem:s17+$0x12409] =	vst v0  }
0x1ca: {  	v18 =	vld [tilespmem:s17+$0x1280A];
	[tilespmem:s17+$0x1280A] =	vst v0  }
0x1cb: {  	v19 =	vld [tilespmem:s17+$0x12C0B];
	[tilespmem:s17+$0x12C0B] =	vst v0  }
0x1cc: {  	v20 =	vld [tilespmem:s17+$0x1300C];
	[tilespmem:s17+$0x1300C] =	vst v0  }
0x1cd: {  	v21 =	vld [tilespmem:s17+$0x1340D];
	[tilespmem:s17+$0x1340D] =	vst v0  }
0x1ce: {  	v22 =	vld [tilespmem:s17+$0x1380E];
	[tilespmem:s17+$0x1380E] =	vst v0  }
0x1cf: {  	v23 =	vld [tilespmem:s17+$0x13C0F];
	s18 =	sshra.s32 s18, $0x2;
	[tilespmem:s17+$0x13C0F] =	vst v0  }
0x1d0: {  	v24 =	vld [tilespmem:s18+$0x10000]  }
0x1d1: {  	[tilespmem:s18+$0x10000] =	vst v0;
	v25 =	vld [tilespmem:s18+$0x10401]  }
0x1d2: {  	[tilespmem:s18+$0x10401] =	vst v0;
	v26 =	vld [tilespmem:s18+$0x10802]  }
0x1d3: {  	[tilespmem:s18+$0x10802] =	vst v0;
	v27 =	vld [tilespmem:s18+$0x10C03]  }
0x1d4: {  	[tilespmem:s18+$0x10C03] =	vst v0;
	v28 =	vld [tilespmem:s18+$0x11004]  }
0x1d5: {  	[tilespmem:s18+$0x11004] =	vst v0;
	v56 =	vld [tilespmem:s18+$0x11405];
	v8 =	vadd.s32 v8, v9  }
0x1d6: {  	[tilespmem:s18+$0x11405] =	vst v0;
	v58 =	vld [tilespmem:s18+$0x11806];
	v8 =	vadd.s32 v10, v8;
	v57 =	vadd.s32 v24, v25  }
0x1d7: {  	[tilespmem:s18+$0x11806] =	vst v0;
	v59 =	vld [tilespmem:s18+$0x11C07];
	v8 =	vadd.s32 v11, v8;
	v10 =	vadd.s32 v26, v57  }
0x1d8: {  	[tilespmem:s18+$0x11C07] =	vst v0;
	v60 =	vld [tilespmem:s18+$0x12008];
	v8 =	vadd.s32 v12, v8;
	v10 =	vadd.s32 v27, v10  }
0x1d9: {  	[tilespmem:s18+$0x12008] =	vst v0;
	v61 =	vld [tilespmem:s18+$0x12409];
	v8 =	vadd.s32 v13, v8;
	v10 =	vadd.s32 v28, v10  }
0x1da: {  	[tilespmem:s18+$0x12409] =	vst v0;
	v62 =	vld [tilespmem:s18+$0x1280A];
	v8 =	vadd.s32 v14, v8;
	v9 =	vadd.s32 v56, v10  }
0x1db: {  	[tilespmem:s18+$0x1280A] =	vst v0;
	v63 =	vld [tilespmem:s18+$0x12C0B];
	v8 =	vadd.s32 v15, v8;
	v9 =	vadd.s32 v58, v9  }
0x1dc: {  	[tilespmem:s18+$0x12C0B] =	vst v0;
	v8 =	vadd.s32 v16, v8;
	v16 =	vld [tilespmem:s18+$0x1300C];
	v9 =	vadd.s32 v59, v9  }
0x1dd: {  	[tilespmem:s18+$0x1300C] =	vst v0;
	v8 =	vadd.s32 v17, v8;
	v17 =	vld [tilespmem:s18+$0x1340D];
	v9 =	vadd.s32 v60, v9  }
0x1de: {  	[tilespmem:s18+$0x1340D] =	vst v0;
	v8 =	vadd.s32 v18, v8;
	v18 =	vld [tilespmem:s18+$0x1380E];
	v9 =	vadd.s32 v61, v9  }
0x1df: {  	[tilespmem:s18+$0x1380E] =	vst v0;
	v8 =	vadd.s32 v19, v8;
	v19 =	vld [tilespmem:s18+$0x13C0F];
	v9 =	vadd.s32 v62, v9  }
0x1e0: {  	s16 =	sshra.s32 s16, $0x2;
	[tilespmem:s18+$0x13C0F] =	vst v0;
	v8 =	vadd.s32 v20, v8;
	v9 =	vadd.s32 v63, v9  }
0x1e1: {  	v8 =	vadd.s32 v21, v8;
	v21 =	vld [tilespmem:s16+$0x10000];
	v9 =	vadd.s32 v16, v9  }
0x1e2: {  	v6 =	vadd.s32 v6, v7;
	v7 =	vadd.s32 v22, v8;
	v22 =	vld [tilespmem:s16+$0x10401];
	v9 =	vadd.s32 v17, v9  }
0x1e3: {  	(xrf0) =	vadd.scan.msk.s32 $0xffff, v6;
	v7 =	vadd.s32 v23, v7;
	v23 =	vld [tilespmem:s16+$0x10802];
	v9 =	vadd.s32 v18, v9  }
0x1e4: {  	v24 =	vld [tilespmem:s16+$0x10C03];
	(xrf0) =	vadd.scan.msk.s32 $0xffff, v7;
	v9 =	vadd.s32 v19, v9  }
0x1e5: {  	v25 =	vld [tilespmem:s16+$0x11004];
	(xrf0) =	vadd.scan.msk.s32 $0xffff, v9  }
0x1e6: {  	v26 =	vld [tilespmem:s16+$0x11405]  }
0x1e7: {  	v27 =	vld [tilespmem:s16+$0x11806];
	v8 =	vadd.s32 v21, v22  }
0x1e8: {  	v28 =	vld [tilespmem:s16+$0x11C07];
	v8 =	vadd.s32 v23, v8  }
0x1e9: {  	v29, _, _ =	vpop (xrf0);
	v30 =	vld [tilespmem:s16+$0x12008];
	v8 =	vadd.s32 v24, v8  }
0x1ea: {  	(v2sf) =	vpush v29, $0xF;
	v32 =	vld [tilespmem:s16+$0x12409];
	v31, _, _ =	vpop (xrf0);
	v8 =	vadd.s32 v25, v8  }
0x1eb: {  	v33 =	vld [tilespmem:s16+$0x1280A];
	(v2sf) =	vpush v31, $0xF;
	v8 =	vadd.s32 v26, v8;
	v34, _, _ =	vpop (xrf0)  }
0x1ec: {  	v35 =	vld [tilespmem:s16+$0x12C0B];
	v8 =	vadd.s32 v27, v8;
	(v2sf) =	vpush v34, $0xF  }
0x1ed: {  	v36 =	vld [tilespmem:s16+$0x1300C];
	v8 =	vadd.s32 v28, v8  }
0x1ee: {  	v37 =	vld [tilespmem:s16+$0x1340D];
	v8 =	vadd.s32 v30, v8  }
0x1ef: {  	v38 =	vld [tilespmem:s16+$0x1380E];
	v8 =	vadd.s32 v32, v8  }
0x1f0: {  	v39 =	vld [tilespmem:s16+$0x13C0F];
	v8 =	vadd.s32 v33, v8  }
0x1f1: {  	v8 =	vadd.s32 v35, v8  }
0x1f2: {  	v8 =	vadd.s32 v36, v8  }
0x1f3: {  	v8 =	vadd.s32 v37, v8  }
0x1f4: {  	v8 =	vadd.s32 v38, v8  }
0x1f5: {  	v8 =	vadd.s32 v39, v8  }
0x1f6: {  	(xrf0) =	vadd.scan.msk.s32 $0xffff, v8  }
0x1f7: {  	s25 =	spop (v2sf)  }
0x1f8: {  	s15 =	sadd.s32 s15, s25  }
0x1f9: {  	v40 =	vadd.s32 s15, v29;
	s26 =	spop (v2sf)  }
0x1fa: {  	vm0 =	vlt.s32 v40, v3;
	s15 =	sadd.s32 s15, s26;
	s28 =	spop (v2sf)  }
0x1fb: {  	v10 =	vsel vm0, $0x1, v0;
	v41 =	vadd.s32 s15, v31;
	s15 =	sadd.s32 s15, s28;
	s29 =	spop (v2sf)  }
0x1fc: {  	v5 =	vadd.s32 v10, v5;
	vm2 =	vlt.s32 v41, v3;
	v42 =	vadd.s32 s15, v34;
	v43, _, _ =	vpop (xrf0);
	s15 =	sadd.s32 s15, s29  }
0x1fd: {  	v44 =	vsel vm2, $0x1, v0;
	vm3 =	vlt.s32 v42, v3;
	v45 =	vadd.s32 s15, v43  }
0x1fe: {  	v5 =	vadd.s32 v44, v5;
	vm1 =	vlt.s32 v45, v3;
	v3 =	vsel vm3, $0x1, v0  }
0x1ff: {  	v3 =	vadd.s32 v3, v5;
	v5 =	vsel vm1, $0x1, v0  }
0x200: {  	v3 =	vadd.s32 v5, v3  }
0x201: {  	(xrf0) =	vadd.scan.msk.s32 $0xffff, v3  }
0x202: {  	[tilespmem:s16+$0x10C03] =	vst v0  }
0x203: {  	[tilespmem:s16+$0x11004] =	vst v0  }
0x204: {  	[tilespmem:s16+$0x11405] =	vst v0  }
0x205: {  	[tilespmem:s16+$0x11806] =	vst v0  }
0x206: {  	[tilespmem:s16+$0x11C07] =	vst v0  }
0x207: {  	[tilespmem:s16+$0x12008] =	vst v0;
	(v2sf) =	vpush v43, $0xF;
	v3, _, _ =	vpop (xrf0)  }
0x208: {  	[tilespmem:s16+$0x12409] =	vst v0;
	(v2sf) =	vpush v3, $0xF  }
0x209: {  	[tilespmem:s16+$0x1280A] =	vst v0  }
0x20a: {  	[tilespmem:s16+$0x12C0B] =	vst v0  }
0x20b: {  	[tilespmem:s16+$0x1300C] =	vst v0  }
0x20c: {  	[tilespmem:s16+$0x1340D] =	vst v0  }
0x20d: {  	[tilespmem:s16+$0x1380E] =	vst v0  }
0x20e: {  	[tilespmem:s16+$0x13C0F] =	vst v0  }
0x20f: {  	[tilespmem:s16+$0x10000] =	vst v0  }
0x210: {  	[tilespmem:s16+$0x10401] =	vst v0  }
0x211: {  	s31 =	simm.s32 $0x0;
	[tilespmem:s16+$0x10802] =	vst v0  }
0x212: {  	v46 =	vld [tilespmem:s31+$0x8010]  }
0x213: {  	v47 =	vld [tilespmem:s31+$0x8000]  }
0x214: {  	v48 =	vld [tilespmem:s31+$0x8050]  }
0x215: {  	v49 =	vld [tilespmem:s31+$0x8060]  }
0x216: {  	v50 =	vld [tilespmem:s31+$0x8070];
	v3 =	vnsel vm0, $0x0, v6;
	s30 =	spop (v2sf)  }
0x217: {  	v51 =	vld [tilespmem:s31+$0x8080];
	v5 =	vnsel vm2, $0x0, v7;
	v3 =	vadd.s32 v4, v3;
	s15 =	spop (v2sf)  }
0x218: {  	v7 =	vld [tilespmem:s31+$0x8020];
	v4 =	vnsel vm3, $0x0, v9;
	v3 =	vadd.s32 v3, v5;
	s15 =	sshll.u32 s15, $0xA  }
0x219: {  	v6 =	vld [tilespmem:s31+$0x8030];
	v3 =	vadd.s32 v3, v4;
	v4 =	vnsel vm1, $0x0, v8;
	s13 =	sadd.s32 s15, s13  }
0x21a: {  	v5 =	vld [tilespmem:s31+$0x8040];
	v3 =	vadd.s32 v3, v4;
	v4 =	vmov s13  }
0x21b: {  	v52 =	vld [tilespmem:s31+$0x8090];
	v9 =	vsub.s32 v47, v4  }
0x21c: {  	v53 =	vld [tilespmem:s31+$0x80A0];
	v8 =	vsub.s32 v46, v4;
	v9 =	vmin.u32 v9, $0x400  }
0x21d: {  	v54 =	vld [tilespmem:s31+$0x80B0];
	v7 =	vsub.s32 v7, v4;
	v8 =	vmin.u32 v8, $0x400;
	v9 =	vadd.s32 v1, v9  }
0x21e: {  	v55 =	vld [tilespmem:s31+$0x80C0];
	v6 =	vsub.s32 v6, v4;
	v7 =	vmin.u32 v7, $0x400;
	v8 =	vadd.s32 v1, v8  }
0x21f: {  	v56 =	vld [tilespmem:s31+$0x80D0];
	v5 =	vsub.s32 v5, v4;
	v6 =	vmin.u32 v6, $0x400;
	v7 =	vadd.s32 v1, v7  }
0x220: {  	v57 =	vld [tilespmem:s31+$0x80E0];
	v10 =	vsub.s32 v48, v4;
	v5 =	vmin.u32 v5, $0x400;
	v6 =	vadd.s32 v1, v6  }
0x221: {  	v58 =	vld [tilespmem:s31+$0x80F0];
	v11 =	vsub.s32 v49, v4;
	v10 =	vmin.u32 v10, $0x400;
	v5 =	vadd.s32 v1, v5  }
0x222: {  	v12 =	vsub.s32 v50, v4;
	v11 =	vmin.u32 v11, $0x400;
	v10 =	vadd.s32 v1, v10;
	[tilespmem:v9+s10+$0x0] =	vst.idx.add.s32.msk $0xffff, v2  }
0x223: {  	v59 =	vsub.s32 v51, v4;
	v12 =	vmin.u32 v12, $0x400;
	v11 =	vadd.s32 v1, v11;
	[tilespmem:v8+s10+$0x0] =	vst.idx.add.s32.msk $0xffff, v2  }
0x224: {  	v60 =	vsub.s32 v52, v4;
	v12 =	vadd.s32 v1, v12;
	v9 =	vmin.u32 v59, $0x400;
	[tilespmem:v7+s10+$0x0] =	vst.idx.add.s32.msk $0xffff, v2  }
0x225: {  	v8 =	vmin.u32 v60, $0x400;
	v9 =	vadd.s32 v1, v9;
	v7 =	vsub.s32 v53, v4;
	[tilespmem:v6+s10+$0x0] =	vst.idx.add.s32.msk $0xffff, v2  }
0x226: {  	v8 =	vadd.s32 v1, v8;
	v6 =	vsub.s32 v54, v4;
	v7 =	vmin.u32 v7, $0x400;
	[tilespmem:v5+s10+$0x0] =	vst.idx.add.s32.msk $0xffff, v2  }
0x227: {  	v5 =	vsub.s32 v55, v4;
	v6 =	vmin.u32 v6, $0x400;
	v7 =	vadd.s32 v1, v7;
	[tilespmem:v10+s10+$0x0] =	vst.idx.add.s32.msk $0xffff, v2  }
0x228: {  	v5 =	vmin.u32 v5, $0x400;
	v6 =	vadd.s32 v1, v6;
	[tilespmem:v11+s10+$0x0] =	vst.idx.add.s32.msk $0xffff, v2  }
0x229: {  	v5 =	vadd.s32 v1, v5;
	[tilespmem:v12+s10+$0x0] =	vst.idx.add.s32.msk $0xffff, v2  }
0x22a: {  	[tilespmem:v9+s10+$0x0] =	vst.idx.add.s32.msk $0xffff, v2  }
0x22b: {  	v61 =	vsub.s32 v56, v4;
	[tilespmem:v8+s10+$0x0] =	vst.idx.add.s32.msk $0xffff, v2  }
0x22c: {  	v62 =	vsub.s32 v57, v4;
	v10 =	vmin.u32 v61, $0x400;
	[tilespmem:v7+s10+$0x0] =	vst.idx.add.s32.msk $0xffff, v2  }
0x22d: {  	v11 =	vmin.u32 v62, $0x400;
	v10 =	vadd.s32 v1, v10;
	[tilespmem:v6+s10+$0x0] =	vst.idx.add.s32.msk $0xffff, v2;
	v6 =	vsub.s32 v58, v4  }
0x22e: {  	v63 =	vadd.s32 v1, v11;
	[tilespmem:v5+s10+$0x0] =	vst.idx.add.s32.msk $0xffff, v2;
	v5 =	vmin.u32 v6, $0x400  }
0x22f: {  	v5 =	vadd.s32 v1, v5;
	_ =	sdelay $0x2  }
0x230: {  	[tilespmem:v10+s10+$0x0] =	vst.idx.add.s32.msk $0xffff, v2  }
0x231: {  	s15 =	simm.s32 $0x400;
	[tilespmem:v63+s10+$0x0] =	vst.idx.add.s32.msk $0xffff, v2  }
.LBB2_12:
0x232: {  	s16 =	sshra.s32 s15, $0x2;
	p0 =	seq.s32 s15, $0x1FC00;
	s15 =	sadd.s32 $0x400, s15;
	[tilespmem:v5+s10+$0x0] =	vst.idx.add.s32.msk $0xffff, v2  }
0x233: {  	v5 =	vld [tilespmem:s16+$0x8040]  }
0x234: {  	v6 =	vld [tilespmem:s16+$0x8030]  }
0x235: {  	v7 =	vld [tilespmem:s16+$0x8020]  }
0x236: {  	v8 =	vld [tilespmem:s16+$0x8010]  }
0x237: {  	v9 =	vld [tilespmem:s16+$0x8000]  }
0x238: {  	v10 =	vld [tilespmem:s16+$0x8050];
	v5 =	vsub.s32 v5, v4  }
0x239: {  	v11 =	vld [tilespmem:s16+$0x8060];
	v6 =	vsub.s32 v6, v4;
	v5 =	vmin.u32 v5, $0x400  }
0x23a: {  	v12 =	vld [tilespmem:s16+$0x8070];
	v7 =	vsub.s32 v7, v4;
	v6 =	vmin.u32 v6, $0x400  }
0x23b: {  	v13 =	vld [tilespmem:s16+$0x8080];
	v8 =	vsub.s32 v8, v4;
	v7 =	vmin.u32 v7, $0x400  }
0x23c: {  	v14 =	vld [tilespmem:s16+$0x8090];
	v9 =	vsub.s32 v9, v4;
	v8 =	vmin.u32 v8, $0x400  }
0x23d: {  	v15 =	vld [tilespmem:s16+$0x80A0];
	v10 =	vsub.s32 v10, v4;
	v9 =	vmin.u32 v9, $0x400  }
0x23e: {  	v16 =	vld [tilespmem:s16+$0x80B0];
	v11 =	vsub.s32 v11, v4;
	v9 =	vadd.s32 v1, v9;
	v10 =	vmin.u32 v10, $0x400  }
0x23f: {  	v8 =	vadd.s32 v1, v8;
	v17 =	vld [tilespmem:s16+$0x80C0];
	v12 =	vsub.s32 v12, v4;
	v11 =	vmin.u32 v11, $0x400  }
0x240: {  	v7 =	vadd.s32 v1, v7;
	v18 =	vld [tilespmem:s16+$0x80D0];
	v13 =	vsub.s32 v13, v4;
	v12 =	vmin.u32 v12, $0x400  }
0x241: {  	v6 =	vadd.s32 v1, v6;
	v19 =	vld [tilespmem:s16+$0x80E0];
	v14 =	vsub.s32 v14, v4;
	v13 =	vmin.u32 v13, $0x400  }
0x242: {  	v5 =	vadd.s32 v1, v5;
	v20 =	vld [tilespmem:s16+$0x80F0];
	v15 =	vsub.s32 v15, v4;
	v14 =	vmin.u32 v14, $0x400  }
0x243: {  	v10 =	vadd.s32 v1, v10;
	v16 =	vsub.s32 v16, v4;
	v15 =	vmin.u32 v15, $0x400;
	[tilespmem:v9+s10+$0x0] =	vst.idx.add.s32.msk $0xffff, v2  }
0x244: {  	v11 =	vadd.s32 v1, v11;
	v9 =	vsub.s32 v17, v4;
	v16 =	vmin.u32 v16, $0x400;
	[tilespmem:v8+s10+$0x0] =	vst.idx.add.s32.msk $0xffff, v2  }
0x245: {  	v12 =	vadd.s32 v1, v12;
	v8 =	vsub.s32 v18, v4;
	v9 =	vmin.u32 v9, $0x400;
	[tilespmem:v7+s10+$0x0] =	vst.idx.add.s32.msk $0xffff, v2  }
0x246: {  	v13 =	vadd.s32 v1, v13;
	v7 =	vsub.s32 v19, v4;
	v8 =	vmin.u32 v8, $0x400;
	[tilespmem:v6+s10+$0x0] =	vst.idx.add.s32.msk $0xffff, v2  }
0x247: {  	v14 =	vadd.s32 v1, v14;
	v6 =	vsub.s32 v20, v4;
	v7 =	vmin.u32 v7, $0x400;
	[tilespmem:v5+s10+$0x0] =	vst.idx.add.s32.msk $0xffff, v2  }
0x248: {  	v15 =	vadd.s32 v1, v15;
	v5 =	vmin.u32 v6, $0x400;
	[tilespmem:v10+s10+$0x0] =	vst.idx.add.s32.msk $0xffff, v2  }
0x249: {  	v6 =	vadd.s32 v1, v16;
	[tilespmem:v11+s10+$0x0] =	vst.idx.add.s32.msk $0xffff, v2  }
0x24a: {  	v9 =	vadd.s32 v1, v9;
	[tilespmem:v12+s10+$0x0] =	vst.idx.add.s32.msk $0xffff, v2  }
0x24b: {  	v8 =	vadd.s32 v1, v8;
	[tilespmem:v13+s10+$0x0] =	vst.idx.add.s32.msk $0xffff, v2  }
0x24c: {  	v7 =	vadd.s32 v1, v7;
	[tilespmem:v14+s10+$0x0] =	vst.idx.add.s32.msk $0xffff, v2  }
.Ltmp5:
0x24d: {  	v5 =	vadd.s32 v1, v5;
	[tilespmem:v15+s10+$0x0] =	vst.idx.add.s32.msk $0xffff, v2;
	(pc) =	sbr.rel @!p0 .LBB2_12-.Ltmp5, $4  }
0x24e: {  	[tilespmem:v6+s10+$0x0] =	vst.idx.add.s32.msk $0xffff, v2  }
0x24f: {  	[tilespmem:v9+s10+$0x0] =	vst.idx.add.s32.msk $0xffff, v2  }
0x250: {  	[tilespmem:v8+s10+$0x0] =	vst.idx.add.s32.msk $0xffff, v2  }
0x251: {  	[tilespmem:v7+s10+$0x0] =	vst.idx.add.s32.msk $0xffff, v2  }
0x252: {  	_ =	sdelay $0x3  }
0x253: {  	[tilespmem:v5+s10+$0x0] =	vst.idx.add.s32.msk $0xffff, v2;
	s16 =	simm.s32 $0x0  }
0x254: {  	v4 =	vld [tilespmem:s16+$0x10000];
	[tilespmem:s16+$0x10000] =	vst v0  }
0x255: {  	v6 =	vld [tilespmem:s16+$0x10401];
	[tilespmem:s16+$0x10401] =	vst v0  }
0x256: {  	v7 =	vld [tilespmem:s16+$0x10802];
	[tilespmem:s16+$0x10802] =	vst v0  }
0x257: {  	v8 =	vld [tilespmem:s16+$0x10C03];
	[tilespmem:s16+$0x10C03] =	vst v0  }
0x258: {  	v9 =	vld [tilespmem:s16+$0x11004];
	[tilespmem:s16+$0x11004] =	vst v0  }
0x259: {  	v10 =	vld [tilespmem:s16+$0x11405];
	[tilespmem:s16+$0x11405] =	vst v0  }
0x25a: {  	v11 =	vld [tilespmem:s16+$0x11806];
	[tilespmem:s16+$0x11806] =	vst v0  }
0x25b: {  	v12 =	vld [tilespmem:s16+$0x11C07];
	[tilespmem:s16+$0x11C07] =	vst v0  }
0x25c: {  	v13 =	vld [tilespmem:s16+$0x12008];
	[tilespmem:s16+$0x12008] =	vst v0  }
0x25d: {  	v14 =	vld [tilespmem:s16+$0x12409];
	[tilespmem:s16+$0x12409] =	vst v0  }
0x25e: {  	v15 =	vld [tilespmem:s16+$0x1280A];
	[tilespmem:s16+$0x1280A] =	vst v0  }
0x25f: {  	v16 =	vld [tilespmem:s16+$0x12C0B];
	[tilespmem:s16+$0x12C0B] =	vst v0  }
0x260: {  	(xrf0) =	vadd.scan.msk.s32 $0xffff, v3;
	v17 =	vld [tilespmem:s16+$0x1300C];
	[tilespmem:s16+$0x1300C] =	vst v0;
	v4 =	vadd.s32 v4, v6  }
0x261: {  	v18 =	vld [tilespmem:s16+$0x1340D];
	[tilespmem:s16+$0x1340D] =	vst v0;
	v4 =	vadd.s32 v7, v4  }
0x262: {  	v19 =	vld [tilespmem:s16+$0x1380E];
	[tilespmem:s16+$0x1380E] =	vst v0;
	v4 =	vadd.s32 v8, v4  }
0x263: {  	s18 =	simm.s32 $0x10;
	v20 =	vld [tilespmem:s16+$0x13C0F];
	[tilespmem:s16+$0x13C0F] =	vst v0;
	v4 =	vadd.s32 v9, v4  }
0x264: {  	v54 =	vld [tilespmem:s18+$0x11806];
	v4 =	vadd.s32 v10, v4  }
0x265: {  	v55 =	vld [tilespmem:s18+$0x11C07];
	v4 =	vadd.s32 v11, v4  }
0x266: {  	v56 =	vld [tilespmem:s18+$0x12008];
	v3, _, _ =	vpop (xrf0);
	v4 =	vadd.s32 v12, v4  }
0x267: {  	v57 =	vld [tilespmem:s18+$0x12409];
	(v2sf) =	vpush v3, $0xF;
	v4 =	vadd.s32 v13, v4  }
0x268: {  	v58 =	vld [tilespmem:s18+$0x1280A];
	v4 =	vadd.s32 v14, v4  }
0x269: {  	v59 =	vld [tilespmem:s18+$0x12C0B];
	v4 =	vadd.s32 v15, v4  }
0x26a: {  	[tilespmem:s18+$0x11806] =	vst v0;
	v6 =	vld [tilespmem:s18+$0x10000];
	v4 =	vadd.s32 v16, v4  }
0x26b: {  	[tilespmem:s18+$0x11C07] =	vst v0;
	v7 =	vld [tilespmem:s18+$0x10401];
	v4 =	vadd.s32 v17, v4  }
0x26c: {  	[tilespmem:s18+$0x12008] =	vst v0;
	v8 =	vld [tilespmem:s18+$0x10802];
	v4 =	vadd.s32 v18, v4  }
0x26d: {  	[tilespmem:s18+$0x12409] =	vst v0;
	v9 =	vld [tilespmem:s18+$0x10C03];
	v4 =	vadd.s32 v19, v4  }
0x26e: {  	[tilespmem:s18+$0x1280A] =	vst v0;
	v10 =	vld [tilespmem:s18+$0x11004];
	v4 =	vadd.s32 v20, v4  }
0x26f: {  	[tilespmem:s18+$0x12C0B] =	vst v0;
	v11 =	vld [tilespmem:s18+$0x11405];
	(xrf0) =	vadd.scan.msk.s32 $0xffff, v4  }
0x270: {  	v60 =	vld [tilespmem:s18+$0x1340D];
	[tilespmem:s18+$0x1340D] =	vst v0;
	v6 =	vadd.s32 v6, v7  }
0x271: {  	v61 =	vld [tilespmem:s18+$0x1380E];
	[tilespmem:s18+$0x1380E] =	vst v0;
	v6 =	vadd.s32 v8, v6  }
0x272: {  	[tilespmem:s18+$0x10000] =	vst v0;
	v6 =	vadd.s32 v9, v6  }
0x273: {  	[tilespmem:s18+$0x10401] =	vst v0;
	v6 =	vadd.s32 v10, v6  }
0x274: {  	[tilespmem:s18+$0x10802] =	vst v0;
	v7 =	vadd.s32 v11, v6  }
0x275: {  	[tilespmem:s18+$0x10C03] =	vst v0;
	v7 =	vadd.s32 v54, v7;
	v11, _, _ =	vpop (xrf0)  }
0x276: {  	[tilespmem:s18+$0x11004] =	vst v0;
	v8 =	vld [tilespmem:s18+$0x1300C];
	v9 =	vadd.s32 v55, v7;
	s15 =	spop (v2sf);
	(v2sf) =	vpush v11, $0xF  }
0x277: {  	[tilespmem:s18+$0x11405] =	vst v0;
	v9 =	vadd.s32 v56, v9  }
0x278: {  	[tilespmem:s18+$0x1300C] =	vst v0;
	v10 =	vadd.s32 v57, v9  }
0x279: {  	s17 =	simm.s32 $0x20;
	v6 =	vld [tilespmem:s18+$0x13C0F];
	[tilespmem:s18+$0x13C0F] =	vst v0;
	v10 =	vadd.s32 v58, v10;
	s14 =	ssub.s32 s14, s15;
	s15 =	simm.s32 $0x0  }
0x27a: {  	v7 =	vld [tilespmem:s17+$0x10000];
	[tilespmem:s17+$0x10000] =	vst v0;
	v63 =	vadd.s32 v59, v10;
	v3 =	vmov s14;
	v62 =	vadd.s32 s15, v11  }
0x27b: {  	v5 =	vimm.s32 $0x0;
	v9 =	vld [tilespmem:s17+$0x10401];
	[tilespmem:s17+$0x10401] =	vst v0;
	v8 =	vadd.s32 v8, v63;
	vm0 =	vlt.s32 v62, v3  }
0x27c: {  	v10 =	vld [tilespmem:s17+$0x10802];
	[tilespmem:s17+$0x10802] =	vst v0;
	v8 =	vadd.s32 v60, v8;
	v12 =	vnsel vm0, $0x0, v4;
	v4 =	vsel vm0, $0x1, v0  }
0x27d: {  	s19 =	simm.s32 $0x140;
	s16 =	simm.s32 $0x100;
	s18 =	simm.s32 $0xC0;
	v8 =	vadd.s32 v61, v8;
	v11 =	vld [tilespmem:s17+$0x10C03];
	[tilespmem:s17+$0x10C03] =	vst v0;
	v4 =	vadd.s32 v4, v5;
	v5 =	vadd.s32 v5, v12  }
.LBB2_14:
0x27e: {  	p0 =	sne.s32 s19, $0xFC0;
	v12 =	vld [tilespmem:s17+$0x11004];
	[tilespmem:s17+$0x11004] =	vst v0;
	v8 =	vadd.s32 v6, v8  }
0x27f: {  	v6 =	vld [tilespmem:s17+$0x11405];
	[tilespmem:s17+$0x11405] =	vst v0;
	(xrf0) =	vadd.scan.msk.s32 $0xffff, v8  }
0x280: {  	v7 =	vadd.s32 v7, v9;
	v9 =	vld [tilespmem:s17+$0x11806];
	[tilespmem:s17+$0x11806] =	vst v0  }
0x281: {  	v7 =	vadd.s32 v10, v7;
	v10 =	vld [tilespmem:s17+$0x11C07];
	[tilespmem:s17+$0x11C07] =	vst v0  }
0x282: {  	v7 =	vadd.s32 v11, v7;
	v11 =	vld [tilespmem:s17+$0x12008];
	[tilespmem:s17+$0x12008] =	vst v0  }
0x283: {  	v7 =	vadd.s32 v12, v7;
	v12 =	vld [tilespmem:s17+$0x12409];
	[tilespmem:s17+$0x12409] =	vst v0  }
0x284: {  	v6 =	vadd.s32 v6, v7;
	v7 =	vld [tilespmem:s17+$0x1280A];
	[tilespmem:s17+$0x1280A] =	vst v0  }
0x285: {  	v6 =	vadd.s32 v9, v6;
	v9 =	vld [tilespmem:s17+$0x12C0B];
	[tilespmem:s17+$0x12C0B] =	vst v0;
	v13, _, _ =	vpop (xrf0);
	s20 =	spop (v2sf)  }
0x286: {  	v6 =	vadd.s32 v10, v6;
	v10 =	vld [tilespmem:s17+$0x1300C];
	[tilespmem:s17+$0x1300C] =	vst v0;
	(v2sf) =	vpush v13, $0xF;
	s15 =	sadd.s32 s15, s20  }
0x287: {  	v6 =	vadd.s32 v11, v6;
	v11 =	vld [tilespmem:s17+$0x1340D];
	[tilespmem:s17+$0x1340D] =	vst v0;
	v13 =	vadd.s32 s15, v13  }
0x288: {  	v6 =	vadd.s32 v12, v6;
	v12 =	vld [tilespmem:s17+$0x1380E];
	[tilespmem:s17+$0x1380E] =	vst v0;
	vm0 =	vlt.s32 v13, v3  }
.Ltmp6:
0x289: {  	v13 =	vadd.s32 v7, v6;
	v6 =	vld [tilespmem:s17+$0x13C0F];
	[tilespmem:s17+$0x13C0F] =	vst v0;
	s17 =	sshra.s32 s18, $0x2;
	v14 =	vsel vm0, $0x1, v0;
	v8 =	vnsel vm0, $0x0, v8;
	s18 =	smov.u32 s16;
	(pc) =	sbr.rel @p0 .LBB2_14-.Ltmp6, $4  }
0x28a: {  	s16 =	smov.u32 s19;
	v7 =	vld [tilespmem:s17+$0x10000];
	[tilespmem:s17+$0x10000] =	vst v0;
	v13 =	vadd.s32 v9, v13;
	v4 =	vadd.s32 v14, v4;
	v5 =	vadd.s32 v5, v8  }
0x28b: {  	v9 =	vld [tilespmem:s17+$0x10401];
	[tilespmem:s17+$0x10401] =	vst v0;
	v8 =	vadd.s32 v10, v13  }
0x28c: {  	v10 =	vld [tilespmem:s17+$0x10802];
	[tilespmem:s17+$0x10802] =	vst v0;
	v8 =	vadd.s32 v11, v8  }
0x28d: {  	s19 =	sadd.s32 $0x40, s19;
	v11 =	vld [tilespmem:s17+$0x10C03];
	[tilespmem:s17+$0x10C03] =	vst v0;
	v8 =	vadd.s32 v12, v8  }
0x28e: {  	v12 =	vld [tilespmem:s17+$0x11004];
	[tilespmem:s17+$0x11004] =	vst v0  }
0x28f: {  	v13 =	vld [tilespmem:s17+$0x11405];
	[tilespmem:s17+$0x11405] =	vst v0  }
0x290: {  	v14 =	vld [tilespmem:s17+$0x11806];
	[tilespmem:s17+$0x11806] =	vst v0  }
0x291: {  	v15 =	vld [tilespmem:s17+$0x11C07];
	[tilespmem:s17+$0x11C07] =	vst v0  }
0x292: {  	v16 =	vld [tilespmem:s17+$0x12008];
	[tilespmem:s17+$0x12008] =	vst v0  }
0x293: {  	v17 =	vld [tilespmem:s17+$0x12409];
	[tilespmem:s17+$0x12409] =	vst v0  }
0x294: {  	v18 =	vld [tilespmem:s17+$0x1280A];
	[tilespmem:s17+$0x1280A] =	vst v0  }
0x295: {  	v19 =	vld [tilespmem:s17+$0x12C0B];
	[tilespmem:s17+$0x12C0B] =	vst v0  }
0x296: {  	v20 =	vld [tilespmem:s17+$0x1300C];
	[tilespmem:s17+$0x1300C] =	vst v0  }
0x297: {  	v21 =	vld [tilespmem:s17+$0x1340D];
	[tilespmem:s17+$0x1340D] =	vst v0  }
0x298: {  	v22 =	vld [tilespmem:s17+$0x1380E];
	[tilespmem:s17+$0x1380E] =	vst v0  }
0x299: {  	v23 =	vld [tilespmem:s17+$0x13C0F];
	s18 =	sshra.s32 s18, $0x2;
	[tilespmem:s17+$0x13C0F] =	vst v0  }
0x29a: {  	v24 =	vld [tilespmem:s18+$0x10000]  }
0x29b: {  	[tilespmem:s18+$0x10000] =	vst v0;
	v25 =	vld [tilespmem:s18+$0x10401]  }
0x29c: {  	[tilespmem:s18+$0x10401] =	vst v0;
	v26 =	vld [tilespmem:s18+$0x10802]  }
0x29d: {  	[tilespmem:s18+$0x10802] =	vst v0;
	v27 =	vld [tilespmem:s18+$0x10C03]  }
0x29e: {  	[tilespmem:s18+$0x10C03] =	vst v0;
	v28 =	vld [tilespmem:s18+$0x11004]  }
0x29f: {  	[tilespmem:s18+$0x11004] =	vst v0;
	v7 =	vadd.s32 v7, v9;
	v9 =	vld [tilespmem:s18+$0x11405]  }
0x2a0: {  	v58 =	vld [tilespmem:s18+$0x11806];
	[tilespmem:s18+$0x11806] =	vst v0;
	v7 =	vadd.s32 v10, v7;
	v10 =	vadd.s32 v24, v25  }
0x2a1: {  	[tilespmem:s18+$0x11405] =	vst v0;
	v7 =	vadd.s32 v11, v7;
	v11 =	vld [tilespmem:s18+$0x11C07];
	v10 =	vadd.s32 v26, v10  }
0x2a2: {  	[tilespmem:s18+$0x11C07] =	vst v0;
	v7 =	vadd.s32 v12, v7;
	v12 =	vld [tilespmem:s18+$0x12008];
	v10 =	vadd.s32 v27, v10  }
0x2a3: {  	[tilespmem:s18+$0x12008] =	vst v0;
	v7 =	vadd.s32 v13, v7;
	v13 =	vld [tilespmem:s18+$0x12409];
	v10 =	vadd.s32 v28, v10  }
0x2a4: {  	[tilespmem:s18+$0x12409] =	vst v0;
	v7 =	vadd.s32 v14, v7;
	v9 =	vadd.s32 v9, v10;
	v10 =	vld [tilespmem:s18+$0x1280A]  }
0x2a5: {  	v14 =	vld [tilespmem:s18+$0x12C0B];
	[tilespmem:s18+$0x12C0B] =	vst v0;
	v7 =	vadd.s32 v15, v7;
	v9 =	vadd.s32 v58, v9  }
0x2a6: {  	v7 =	vadd.s32 v16, v7;
	[tilespmem:s18+$0x1280A] =	vst v0;
	v9 =	vadd.s32 v11, v9;
	v11 =	vld [tilespmem:s18+$0x1300C]  }
0x2a7: {  	v7 =	vadd.s32 v17, v7;
	[tilespmem:s18+$0x1300C] =	vst v0;
	v9 =	vadd.s32 v12, v9;
	v12 =	vld [tilespmem:s18+$0x1340D]  }
0x2a8: {  	v7 =	vadd.s32 v18, v7;
	[tilespmem:s18+$0x1340D] =	vst v0;
	v9 =	vadd.s32 v13, v9;
	v13 =	vld [tilespmem:s18+$0x1380E]  }
0x2a9: {  	v7 =	vadd.s32 v19, v7;
	[tilespmem:s18+$0x1380E] =	vst v0;
	v9 =	vadd.s32 v10, v9;
	v10 =	vld [tilespmem:s18+$0x13C0F]  }
0x2aa: {  	s16 =	sshra.s32 s16, $0x2;
	v6 =	vadd.s32 v6, v8;
	v7 =	vadd.s32 v20, v7;
	[tilespmem:s18+$0x13C0F] =	vst v0;
	v9 =	vadd.s32 v14, v9  }
0x2ab: {  	(xrf0) =	vadd.scan.msk.s32 $0xffff, v6;
	v7 =	vadd.s32 v21, v7;
	v8 =	vld [tilespmem:s16+$0x10000];
	v9 =	vadd.s32 v11, v9  }
0x2ac: {  	v7 =	vadd.s32 v22, v7;
	v11 =	vld [tilespmem:s16+$0x10401];
	v9 =	vadd.s32 v12, v9  }
0x2ad: {  	v7 =	vadd.s32 v23, v7;
	v12 =	vld [tilespmem:s16+$0x10802];
	v9 =	vadd.s32 v13, v9  }
0x2ae: {  	(xrf0) =	vadd.scan.msk.s32 $0xffff, v7;
	v13 =	vld [tilespmem:s16+$0x10C03];
	v9 =	vadd.s32 v10, v9  }
0x2af: {  	v10 =	vld [tilespmem:s16+$0x11004];
	(xrf0) =	vadd.scan.msk.s32 $0xffff, v9  }
0x2b0: {  	v14 =	vld [tilespmem:s16+$0x11405]  }
0x2b1: {  	v15, _, _ =	vpop (xrf0);
	v8 =	vadd.s32 v8, v11;
	v11 =	vld [tilespmem:s16+$0x11806]  }
0x2b2: {  	(v2sf) =	vpush v15, $0xF;
	v8 =	vadd.s32 v12, v8;
	v12 =	vld [tilespmem:s16+$0x11C07]  }
0x2b3: {  	v8 =	vadd.s32 v13, v8;
	v13 =	vld [tilespmem:s16+$0x12008]  }
0x2b4: {  	v16, _, _ =	vpop (xrf0);
	v8 =	vadd.s32 v10, v8;
	v10 =	vld [tilespmem:s16+$0x12409]  }
0x2b5: {  	(v2sf) =	vpush v16, $0xF;
	v8 =	vadd.s32 v14, v8;
	v14 =	vld [tilespmem:s16+$0x1280A];
	v17, _, _ =	vpop (xrf0)  }
0x2b6: {  	v8 =	vadd.s32 v11, v8;
	v11 =	vld [tilespmem:s16+$0x12C0B];
	(v2sf) =	vpush v17, $0xF  }
0x2b7: {  	v8 =	vadd.s32 v12, v8;
	v12 =	vld [tilespmem:s16+$0x1300C]  }
0x2b8: {  	v8 =	vadd.s32 v13, v8;
	v13 =	vld [tilespmem:s16+$0x1340D]  }
0x2b9: {  	v8 =	vadd.s32 v10, v8;
	v10 =	vld [tilespmem:s16+$0x1380E]  }
0x2ba: {  	v8 =	vadd.s32 v14, v8;
	v14 =	vld [tilespmem:s16+$0x13C0F]  }
0x2bb: {  	v8 =	vadd.s32 v11, v8  }
0x2bc: {  	v8 =	vadd.s32 v12, v8  }
0x2bd: {  	v8 =	vadd.s32 v13, v8  }
0x2be: {  	v8 =	vadd.s32 v10, v8  }
0x2bf: {  	v8 =	vadd.s32 v14, v8  }
0x2c0: {  	s25 =	spop (v2sf);
	(xrf0) =	vadd.scan.msk.s32 $0xffff, v8  }
0x2c1: {  	s15 =	sadd.s32 s15, s25;
	s26 =	spop (v2sf)  }
0x2c2: {  	v10 =	vadd.s32 s15, v15;
	s15 =	sadd.s32 s15, s26  }
0x2c3: {  	vm0 =	vlt.s32 v10, v3;
	v11 =	vadd.s32 s15, v16  }
0x2c4: {  	v10 =	vsel vm0, $0x1, v0;
	v6 =	vnsel vm0, $0x0, v6;
	s28 =	spop (v2sf)  }
0x2c5: {  	vm0 =	vlt.s32 v11, v3;
	v4 =	vadd.s32 v10, v4;
	v5 =	vadd.s32 v5, v6;
	s15 =	sadd.s32 s15, s28;
	s29 =	spop (v2sf)  }
0x2c6: {  	v6 =	vsel vm0, $0x1, v0;
	v7 =	vnsel vm0, $0x0, v7;
	v10 =	vadd.s32 s15, v17;
	v11, _, _ =	vpop (xrf0);
	s15 =	sadd.s32 s15, s29  }
0x2c7: {  	v4 =	vadd.s32 v6, v4;
	vm0 =	vlt.s32 v10, v3;
	v6 =	vadd.s32 s15, v11  }
0x2c8: {  	v5 =	vadd.s32 v5, v7;
	v7 =	vsel vm0, $0x1, v0;
	vm1 =	vlt.s32 v6, v3  }
0x2c9: {  	v4 =	vadd.s32 v7, v4;
	v3 =	vnsel vm0, $0x0, v9;
	v6 =	vsel vm1, $0x1, v0  }
0x2ca: {  	v3 =	vadd.s32 v5, v3;
	v5 =	vnsel vm1, $0x0, v8;
	v4 =	vadd.s32 v6, v4  }
0x2cb: {  	v3 =	vadd.s32 v3, v5;
	(xrf0) =	vadd.scan.msk.s32 $0xffff, v4  }
0x2cc: {  	(xrf0) =	vadd.scan.msk.s32 $0xffff, v3  }
0x2cd: {  	[tilespmem:s16+$0x10000] =	vst v0  }
0x2ce: {  	[tilespmem:s16+$0x11405] =	vst v0  }
0x2cf: {  	[tilespmem:s16+$0x10401] =	vst v0  }
0x2d0: {  	[tilespmem:s16+$0x10802] =	vst v0  }
0x2d1: {  	[tilespmem:s16+$0x10C03] =	vst v0;
	(v2sf) =	vpush v11, $0xF;
	v3, _, _ =	vpop (xrf0)  }
0x2d2: {  	[tilespmem:s16+$0x11004] =	vst v0;
	(v2sf) =	vpush v3, $0xF;
	v3, _, _ =	vpop (xrf0)  }
0x2d3: {  	[tilespmem:s16+$0x11806] =	vst v0;
	(v2sf) =	vpush v3, $0xF  }
0x2d4: {  	[tilespmem:s16+$0x11C07] =	vst v0  }
0x2d5: {  	[tilespmem:s16+$0x12008] =	vst v0  }
0x2d6: {  	[tilespmem:s16+$0x12409] =	vst v0  }
0x2d7: {  	[tilespmem:s16+$0x1280A] =	vst v0  }
0x2d8: {  	[tilespmem:s16+$0x12C0B] =	vst v0  }
0x2d9: {  	[tilespmem:s16+$0x1300C] =	vst v0  }
0x2da: {  	[tilespmem:s16+$0x1340D] =	vst v0  }
0x2db: {  	[tilespmem:s16+$0x1380E] =	vst v0  }
0x2dc: {  	[tilespmem:s16+$0x13C0F] =	vst v0;
	s15 =	simm.s32 $0x0  }
0x2dd: {  	v10 =	vld [tilespmem:s15+$0x8000]  }
0x2de: {  	v13 =	vld [tilespmem:s15+$0x8010]  }
0x2df: {  	v9 =	vld [tilespmem:s15+$0x8020]  }
0x2e0: {  	v7 =	vld [tilespmem:s15+$0x8050];
	s30 =	spop (v2sf)  }
0x2e1: {  	v5 =	vld [tilespmem:s15+$0x8030];
	s16 =	spop (v2sf)  }
0x2e2: {  	v6 =	vld [tilespmem:s15+$0x8040];
	s31 =	spop (v2sf)  }
0x2e3: {  	v8 =	vld [tilespmem:s15+$0x8060];
	s13 =	sadd.s32 s13, s16;
	s14 =	ssub.s32 s14, s31  }
0x2e4: {  	v19 =	vimm.s32 $0x0;
	v11 =	vld [tilespmem:s15+$0x8070];
	v4 =	vmov s13;
	v3 =	vmov s14  }
0x2e5: {  	vm6 =	veq.s32 v4, v10;
	vm9 =	vgt.s32 v4, v10;
	vm7 =	veq.s32 v4, v13  }
0x2e6: {  	vm5 =	veq.s32 v4, v9;
	vm3 =	veq.s32 v4, v5;
	v12 =	vsel vm6, $0x1, v0  }
0x2e7: {  	vm2 =	veq.s32 v4, v6;
	vm1 =	veq.s32 v4, v7;
	v14 =	vmpcnt.ones.xlane vm6;
	(xrf0) =	vadd.scan.msk.s32 $0xffff, v12  }
0x2e8: {  	vm0 =	veq.s32 v4, v8;
	v15 =	vsel vm7, $0x1, v0;
	v16 =	vmpcnt.ones.xlane vm7  }
0x2e9: {  	vm4 =	veq.s32 v4, v11;
	v12 =	vmpcnt.ones.xlane vm5;
	v20 =	vadd.s32 v19, v14;
	(xrf0) =	vadd.scan.msk.s32 $0xffff, v15  }
0x2ea: {  	vm12 =	vgt.s32 v4, v13;
	v14 =	vmpcnt.ones.xlane vm3;
	v21 =	vadd.s32 v16, v20  }
0x2eb: {  	v17 =	vmpcnt.ones.xlane vm0;
	v15 =	vmpcnt.ones.xlane vm2;
	v18 =	vadd.s32 v12, v21  }
0x2ec: {  	v22 =	vsel vm5, $0x1, v0;
	v12 =	vmpcnt.ones.xlane vm1;
	v16 =	vadd.s32 v14, v18  }
0x2ed: {  	v23 =	vmpcnt.ones.xlane vm4;
	v60 =	vsel vm3, $0x1, v0;
	v15 =	vadd.s32 v15, v16;
	v59, _, _ =	vpop (xrf0);
	(xrf0) =	vadd.scan.msk.s32 $0xffff, v22  }
0x2ee: {  	v61 =	vsel vm2, $0x1, v0;
	v62 =	vsel vm1, $0x1, v0;
	v14 =	vadd.s32 v12, v15  }
0x2ef: {  	v63 =	vsel vm0, $0x1, v0;
	v17 =	vadd.s32 v17, v14;
	v22, _, _ =	vpop (xrf0);
	(xrf0) =	vadd.scan.msk.s32 $0xffff, v60;
	v19 =	vadd.s32 v19, v59  }
0x2f0: {  	v12 =	vadd.s32 v23, v17;
	v20 =	vadd.s32 v22, v20;
	vm8 =	vle.s32 v19, v3;
	(xrf0) =	vadd.scan.msk.s32 $0xffff, v61  }
0x2f1: {  	v23 =	vsel vm4, $0x1, v0;
	vm10 =	vle.s32 v20, v3;
	vm11 =	vmand vm6, vm8;
	(xrf0) =	vadd.scan.msk.s32 $0xffff, v62  }
0x2f2: {  	vm8 =	vgt.s32 v4, v6;
	vm6 =	vgt.s32 v4, v7;
	vm13 =	vmand vm7, vm10;
	(xrf0) =	vadd.scan.msk.s32 $0xffff, v63  }
0x2f3: {  	vm10 =	vgt.s32 v4, v9;
	vm7 =	vgt.s32 v4, v5;
	vm14 =	vmor vm9, vm11;
	v20, _, _ =	vpop (xrf0);
	(xrf0) =	vadd.scan.msk.s32 $0xffff, v23  }
0x2f4: {  	vm9 =	vgt.s32 v4, v8;
	vm11 =	vgt.s32 v4, v11;
	v19 =	vsel vm14, $0x0, v10  }
0x2f5: {  	s13 =	simm.s32 $0x200;
	s14 =	simm.s32 $0x400;
	vm12 =	vmor vm12, vm13;
	v10 =	vmov v12;
	v20 =	vadd.s32 v20, v21;
	v21, _, _ =	vpop (xrf0)  }
.LBB2_16:
0x2f6: {  	p0 =	sne.s32 s14, $0xFE00;
	v22 =	vsel vm12, $0x0, v13;
	vm12 =	vle.s32 v20, v3;
	v18 =	vadd.s32 v21, v18;
	[tilespmem:s15+$0x0] =	vst v19;
	v19, _, _ =	vpop (xrf0)  }
0x2f7: {  	vm5 =	vmand vm5, vm12;
	vm12 =	vle.s32 v18, v3;
	v16 =	vadd.s32 v19, v16;
	[tilespmem:s15+$0x10] =	vst v22;
	v13, _, _ =	vpop (xrf0)  }
0x2f8: {  	vm3 =	vmand vm3, vm12;
	vm12 =	vle.s32 v16, v3;
	v13 =	vadd.s32 v13, v15;
	v15, _, _ =	vpop (xrf0)  }
0x2f9: {  	vm2 =	vmand vm2, vm12;
	vm12 =	vle.s32 v13, v3;
	v13 =	vadd.s32 v15, v14;
	v14, _, _ =	vpop (xrf0)  }
0x2fa: {  	s16 =	sshra.s32 s13, $0x2;
	s13 =	smov.u32 s14;
	vm1 =	vmand vm1, vm12;
	vm12 =	vle.s32 v13, v3;
	v13 =	vadd.s32 v14, v17  }
0x2fb: {  	vm5 =	vmor vm10, vm5;
	v19 =	vld [tilespmem:s16+$0x8000];
	vm0 =	vmand vm0, vm12;
	vm10 =	vle.s32 v13, v3  }
0x2fc: {  	vm3 =	vmor vm7, vm3;
	vm2 =	vmor vm8, vm2;
	v13 =	vld [tilespmem:s16+$0x8010];
	vm4 =	vmand vm4, vm10  }
0x2fd: {  	vm1 =	vmor vm6, vm1;
	vm0 =	vmor vm9, vm0;
	v14 =	vld [tilespmem:s16+$0x8020];
	vm4 =	vmor vm11, vm4  }
0x2fe: {  	v9 =	vsel vm5, $0x0, v9;
	v15 =	vsel vm3, $0x0, v5;
	v5 =	vld [tilespmem:s16+$0x8030];
	v11 =	vsel vm4, $0x0, v11  }
0x2ff: {  	v16 =	vsel vm2, $0x0, v6;
	v17 =	vsel vm1, $0x0, v7;
	v20 =	vsel vm0, $0x0, v8;
	v6 =	vld [tilespmem:s16+$0x8040];
	[tilespmem:s15+$0x70] =	vst v11  }
0x300: {  	v7 =	vld [tilespmem:s16+$0x8050];
	vm6 =	veq.s32 v4, v19;
	vm9 =	vgt.s32 v4, v19;
	[tilespmem:s15+$0x20] =	vst v9  }
0x301: {  	v8 =	vld [tilespmem:s16+$0x8060];
	vm7 =	veq.s32 v4, v13;
	v22 =	vsel vm6, $0x1, v0;
	v18 =	vmpcnt.ones.xlane vm6;
	[tilespmem:s15+$0x30] =	vst v15  }
0x302: {  	v11 =	vld [tilespmem:s16+$0x8070];
	vm5 =	veq.s32 v4, v14;
	v15 =	vsel vm7, $0x1, v0;
	v21 =	vmpcnt.ones.xlane vm7;
	(xrf0) =	vadd.scan.msk.s32 $0xffff, v22;
	v9 =	vmovc v14  }
0x303: {  	vm3 =	veq.s32 v4, v5;
	v14 =	vmpcnt.ones.xlane vm5;
	v22 =	vadd.s32 v12, v18;
	(xrf0) =	vadd.scan.msk.s32 $0xffff, v15  }
0x304: {  	vm2 =	veq.s32 v4, v6;
	v12 =	vmpcnt.ones.xlane vm3;
	v21 =	vadd.s32 v21, v22;
	[tilespmem:s15+$0x40] =	vst v16  }
0x305: {  	vm1 =	veq.s32 v4, v7;
	v15 =	vmpcnt.ones.xlane vm2;
	v18 =	vadd.s32 v14, v21;
	[tilespmem:s15+$0x50] =	vst v17  }
0x306: {  	vm0 =	veq.s32 v4, v8;
	v14 =	vmpcnt.ones.xlane vm1;
	v16 =	vadd.s32 v12, v18;
	[tilespmem:s15+$0x60] =	vst v20;
	s15 =	smov.u32 s16  }
0x307: {  	vm4 =	veq.s32 v4, v11;
	v12 =	vmpcnt.ones.xlane vm0;
	v15 =	vadd.s32 v15, v16  }
0x308: {  	v20 =	vsel vm5, $0x1, v0;
	v23 =	vmpcnt.ones.xlane vm4;
	v14 =	vadd.s32 v14, v15;
	v24, _, _ =	vpop (xrf0)  }
0x309: {  	v25 =	vsel vm3, $0x1, v0;
	v26 =	vsel vm2, $0x1, v0;
	v17 =	vadd.s32 v12, v14;
	v27, _, _ =	vpop (xrf0);
	(xrf0) =	vadd.scan.msk.s32 $0xffff, v20  }
0x30a: {  	v28 =	vsel vm0, $0x1, v0;
	v20 =	vsel vm1, $0x1, v0;
	v12 =	vadd.s32 v23, v17;
	(xrf0) =	vadd.scan.msk.s32 $0xffff, v25  }
0x30b: {  	v24 =	vadd.s32 v10, v24;
	v23 =	vsel vm4, $0x1, v0;
	v22 =	vadd.s32 v27, v22;
	(xrf0) =	vadd.scan.msk.s32 $0xffff, v26;
	v10 =	vmovc v12  }
.Ltmp7:
0x30c: {  	vm12 =	vgt.s32 v4, v13;
	vm8 =	vle.s32 v24, v3;
	vm10 =	vle.s32 v22, v3;
	(xrf0) =	vadd.scan.msk.s32 $0xffff, v20;
	(pc) =	sbr.rel @p0 .LBB2_16-.Ltmp7, $4  }
0x30d: {  	vm11 =	vmand vm6, vm8;
	vm13 =	vmand vm7, vm10;
	vm10 =	vgt.s32 v4, v9;
	(xrf0) =	vadd.scan.msk.s32 $0xffff, v28  }
0x30e: {  	vm8 =	vgt.s32 v4, v6;
	vm6 =	vgt.s32 v4, v7;
	vm7 =	vgt.s32 v4, v5;
	(xrf0) =	vadd.scan.msk.s32 $0xffff, v23  }
0x30f: {  	vm14 =	vmor vm9, vm11;
	vm9 =	vgt.s32 v4, v8;
	vm11 =	vgt.s32 v4, v11;
	v20, _, _ =	vpop (xrf0)  }
0x310: {  	s14 =	sadd.s32 $0x200, s14;
	v19 =	vsel vm14, $0x0, v19;
	vm12 =	vmor vm12, vm13;
	v20 =	vadd.s32 v20, v21;
	v21, _, _ =	vpop (xrf0)  }
0x311: {  	v13 =	vsel vm12, $0x0, v13;
	vm12 =	vle.s32 v20, v3;
	v18 =	vadd.s32 v21, v18  }
0x312: {  	v22, _, _ =	vpop (xrf0);
	vm5 =	vmand vm5, vm12;
	vm12 =	vle.s32 v18, v3  }
0x313: {  	[tilespmem:s15+$0x0] =	vst v19;
	v23, _, _ =	vpop (xrf0);
	v16 =	vadd.s32 v22, v16;
	vm3 =	vmand vm3, vm12  }
0x314: {  	s13 =	sshra.s32 s13, $0x2;
	[tilespmem:s15+$0x10] =	vst v13;
	v19, _, _ =	vpop (xrf0);
	vm12 =	vle.s32 v16, v3;
	v15 =	vadd.s32 v23, v15;
	vm5 =	vmor vm10, vm5  }
0x315: {  	v16 =	vld [tilespmem:s13+$0x8000];
	v13, _, _ =	vpop (xrf0);
	vm2 =	vmand vm2, vm12;
	vm13 =	vle.s32 v15, v3;
	v14 =	vadd.s32 v19, v14  }
0x316: {  	vm3 =	vmor vm7, vm3;
	v9 =	vsel vm5, $0x0, v9;
	v13 =	vadd.s32 v13, v17  }
0x317: {  	v15 =	vld [tilespmem:s13+$0x8020];
	vm1 =	vmand vm1, vm13;
	vm2 =	vmor vm8, vm2;
	v5 =	vsel vm3, $0x0, v5  }
0x318: {  	v17 =	vld [tilespmem:s13+$0x8040];
	vm12 =	vle.s32 v13, v3;
	vm1 =	vmor vm6, vm1;
	v6 =	vsel vm2, $0x0, v6  }
0x319: {  	v13 =	vld [tilespmem:s13+$0x8010];
	vm4 =	vmand vm4, vm12;
	vm12 =	vle.s32 v14, v3;
	v7 =	vsel vm1, $0x0, v7  }
0x31a: {  	vm4 =	vmor vm11, vm4;
	vm0 =	vmand vm0, vm12;
	vm6 =	veq.s32 v4, v16  }
0x31b: {  	v14 =	vld [tilespmem:s13+$0x8030];
	vm8 =	vgt.s32 v4, v16;
	v11 =	vsel vm4, $0x0, v11;
	vm0 =	vmor vm9, vm0  }
0x31c: {  	v18 =	vsel vm6, $0x1, v0;
	v19 =	vmpcnt.ones.xlane vm6;
	vm4 =	veq.s32 v4, v15;
	[tilespmem:s15+$0x70] =	vst v11  }
0x31d: {  	v8 =	vsel vm0, $0x0, v8;
	(xrf0) =	vadd.scan.msk.s32 $0xffff, v18;
	v18 =	vmpcnt.ones.xlane vm4;
	v11 =	vld [tilespmem:s13+$0x8050];
	[tilespmem:s15+$0x20] =	vst v9  }
0x31e: {  	vm3 =	veq.s32 v4, v17;
	vm7 =	veq.s32 v4, v13;
	v12 =	vadd.s32 v12, v19;
	v9 =	vld [tilespmem:s13+$0x8060]  }
0x31f: {  	v22 =	vmpcnt.ones.xlane vm3;
	[tilespmem:s15+$0x30] =	vst v5;
	v5 =	vsel vm7, $0x1, v0;
	v21 =	vmpcnt.ones.xlane vm7  }
0x320: {  	v24 =	vsel vm3, $0x1, v0;
	vm11 =	vgt.s32 v4, v13;
	vm5 =	veq.s32 v4, v14;
	v20 =	vld [tilespmem:s13+$0x8070];
	(xrf0) =	vadd.scan.msk.s32 $0xffff, v5  }
0x321: {  	v5 =	vmpcnt.ones.xlane vm5;
	v19 =	vadd.s32 v21, v12;
	v21 =	vsel vm4, $0x1, v0  }
0x322: {  	v23 =	vsel vm5, $0x1, v0;
	v18 =	vadd.s32 v18, v19;
	(xrf0) =	vadd.scan.msk.s32 $0xffff, v21;
	vm2 =	veq.s32 v4, v11  }
0x323: {  	(xrf0) =	vadd.scan.msk.s32 $0xffff, v23;
	v5 =	vadd.s32 v5, v18;
	v25, _, _ =	vpop (xrf0);
	vm1 =	veq.s32 v4, v9;
	v23 =	vsel vm2, $0x1, v0  }
0x324: {  	v21 =	vmpcnt.ones.xlane vm2;
	v22 =	vadd.s32 v22, v5;
	v10 =	vadd.s32 v10, v25  }
0x325: {  	(xrf0) =	vadd.scan.msk.s32 $0xffff, v24;
	vm0 =	veq.s32 v4, v20;
	v58 =	vmpcnt.ones.xlane vm1;
	v26 =	vsel vm1, $0x1, v0  }
0x326: {  	(xrf0) =	vadd.scan.msk.s32 $0xffff, v23;
	vm9 =	vle.s32 v10, v3;
	v21 =	vadd.s32 v21, v22;
	v27 =	vsel vm0, $0x1, v0;
	v23, _, _ =	vpop (xrf0)  }
0x327: {  	vm6 =	vmand vm6, vm9;
	vm9 =	vgt.s32 v4, v14;
	v12 =	vadd.s32 v23, v12  }
0x328: {  	(xrf0) =	vadd.scan.msk.s32 $0xffff, v26;
	v24 =	vadd.s32 v58, v21;
	vm8 =	vmor vm8, vm6;
	vm10 =	vle.s32 v12, v3  }
0x329: {  	(xrf0) =	vadd.scan.msk.s32 $0xffff, v27;
	vm6 =	vgt.s32 v4, v11;
	v10, _, _ =	vpop (xrf0);
	v16 =	vsel vm8, $0x0, v16;
	vm12 =	vmand vm7, vm10  }
0x32a: {  	vm8 =	vgt.s32 v4, v9;
	v10 =	vadd.s32 v10, v19;
	vm11 =	vmor vm11, vm12  }
0x32b: {  	vm10 =	vgt.s32 v4, v15;
	v12, _, _ =	vpop (xrf0);
	vm12 =	vle.s32 v10, v3;
	v13 =	vsel vm11, $0x0, v13  }
0x32c: {  	v23, _, _ =	vpop (xrf0);
	vm11 =	vgt.s32 v4, v20;
	v10 =	vadd.s32 v12, v18;
	vm4 =	vmand vm4, vm12  }
0x32d: {  	[tilespmem:s15+$0x40] =	vst v6;
	v59, _, _ =	vpop (xrf0);
	vm12 =	vle.s32 v10, v3;
	v5 =	vadd.s32 v23, v5;
	vm4 =	vmor vm10, vm4  }
0x32e: {  	[tilespmem:s15+$0x50] =	vst v7;
	v19, _, _ =	vpop (xrf0);
	vm5 =	vmand vm5, vm12;
	vm13 =	vle.s32 v5, v3;
	v5 =	vadd.s32 v59, v22  }
0x32f: {  	[tilespmem:s15+$0x60] =	vst v8;
	v7 =	vsel vm4, $0x0, v15;
	v12, _, _ =	vpop (xrf0);
	vm3 =	vmand vm3, vm13;
	vm13 =	vle.s32 v5, v3  }
0x330: {  	[tilespmem:s13+$0x0] =	vst v16;
	v5 =	vadd.s32 v19, v21;
	vm5 =	vmor vm9, vm5;
	v6 =	vadd.s32 v12, v24  }
0x331: {  	[tilespmem:s13+$0x10] =	vst v13;
	vm2 =	vmand vm2, vm13;
	vm4 =	vle.s32 v5, v3;
	vm12 =	vle.s32 v6, v3  }
0x332: {  	[tilespmem:s13+$0x20] =	vst v7;
	v5 =	vsel vm5, $0x0, v14;
	vm2 =	vmor vm6, vm2;
	vm12 =	vmand vm0, vm12  }
0x333: {  	vm7 =	vgt.s32 v4, v17;
	[tilespmem:s13+$0x30] =	vst v5;
	v5 =	vsel vm2, $0x0, v11;
	vm11 =	vmor vm11, vm12  }
0x334: {  	vm3 =	vmor vm7, vm3;
	vm1 =	vmand vm1, vm4;
	[tilespmem:s13+$0x50] =	vst v5;
	v6 =	vsel vm11, $0x0, v20  }
0x335: {  	vm1 =	vmor vm8, vm1;
	[tilespmem:s13+$0x70] =	vst v6;
	v6 =	vsel vm3, $0x0, v17  }
0x336: {  	[tilespmem:s13+$0x40] =	vst v6;
	v6 =	vsel vm1, $0x0, v9  }
0x337: {  	s31 =	simm.s32 $0x0;
	[tilespmem:s13+$0x60] =	vst v6;
	s13 =	simm.s32 $0x0  }
0x338: {  	[hbm4b:s3+s7] =	stream.strided.scatter [tilespmem:s31], [sflag:$0x1], $0x4000, s8, s7, $0x38;
	[tilespmem:$0x14080] =	vst v63  }
0x339: {  	v9 =	vld [tilespmem:s13+$0xC000]  }
0x33a: {  	v13 =	vld [tilespmem:s13+$0xC010]  }
0x33b: {  	v10 =	vld [tilespmem:s13+$0xC020]  }
0x33c: {  	v7 =	vmpcnt.ones.xlane vm0;
	v6 =	vld [tilespmem:s13+$0xC030]  }
0x33d: {  	v5 =	vld [tilespmem:s13+$0xC040]  }
0x33e: {  	v19 =	vadd.s32 v7, v24;
	v7 =	vld [tilespmem:s13+$0xC050]  }
0x33f: {  	v8 =	vld [tilespmem:s13+$0xC060]  }
0x340: {  	v11 =	vld [tilespmem:s13+$0xC070]  }
0x341: {  	vm6 =	veq.s32 v4, v9;
	vm9 =	vgt.s32 v4, v9;
	vm7 =	veq.s32 v4, v13  }
0x342: {  	vm5 =	veq.s32 v4, v10;
	vm3 =	veq.s32 v4, v6;
	v12 =	vsel vm6, $0x1, v0  }
0x343: {  	vm2 =	veq.s32 v4, v5;
	vm1 =	veq.s32 v4, v7;
	v14 =	vmpcnt.ones.xlane vm6;
	(xrf0) =	vadd.scan.msk.s32 $0xffff, v12  }
0x344: {  	vm0 =	veq.s32 v4, v8;
	v15 =	vsel vm7, $0x1, v0;
	v16 =	vmpcnt.ones.xlane vm7  }
0x345: {  	vm4 =	veq.s32 v4, v11;
	v12 =	vmpcnt.ones.xlane vm5;
	v20 =	vadd.s32 v19, v14;
	(xrf0) =	vadd.scan.msk.s32 $0xffff, v15  }
0x346: {  	vm12 =	vgt.s32 v4, v13;
	v14 =	vmpcnt.ones.xlane vm3;
	v21 =	vadd.s32 v16, v20  }
0x347: {  	v17 =	vmpcnt.ones.xlane vm0;
	v15 =	vmpcnt.ones.xlane vm2;
	v18 =	vadd.s32 v12, v21  }
0x348: {  	v22 =	vsel vm5, $0x1, v0;
	v12 =	vmpcnt.ones.xlane vm1;
	v16 =	vadd.s32 v14, v18  }
0x349: {  	v23 =	vmpcnt.ones.xlane vm4;
	v61 =	vsel vm3, $0x1, v0;
	v15 =	vadd.s32 v15, v16;
	v60, _, _ =	vpop (xrf0);
	(xrf0) =	vadd.scan.msk.s32 $0xffff, v22  }
0x34a: {  	v62 =	vsel vm2, $0x1, v0;
	v63 =	vsel vm1, $0x1, v0;
	v14 =	vadd.s32 v12, v15  }
0x34b: {  	v28 =	vsel vm0, $0x1, v0;
	v17 =	vadd.s32 v17, v14;
	v22, _, _ =	vpop (xrf0);
	(xrf0) =	vadd.scan.msk.s32 $0xffff, v61;
	v19 =	vadd.s32 v19, v60  }
0x34c: {  	v12 =	vadd.s32 v23, v17;
	v20 =	vadd.s32 v22, v20;
	vm8 =	vle.s32 v19, v3;
	(xrf0) =	vadd.scan.msk.s32 $0xffff, v62  }
0x34d: {  	v23 =	vsel vm4, $0x1, v0;
	vm10 =	vle.s32 v20, v3;
	vm11 =	vmand vm6, vm8;
	(xrf0) =	vadd.scan.msk.s32 $0xffff, v63  }
0x34e: {  	vm8 =	vgt.s32 v4, v5;
	vm6 =	vgt.s32 v4, v7;
	vm13 =	vmand vm7, vm10;
	(xrf0) =	vadd.scan.msk.s32 $0xffff, v28  }
0x34f: {  	vm10 =	vgt.s32 v4, v10;
	vm7 =	vgt.s32 v4, v6;
	vm14 =	vmor vm9, vm11;
	v20, _, _ =	vpop (xrf0);
	(xrf0) =	vadd.scan.msk.s32 $0xffff, v23  }
0x350: {  	vm9 =	vgt.s32 v4, v8;
	vm11 =	vgt.s32 v4, v11;
	v19 =	vsel vm14, $0x0, v9  }
0x351: {  	s14 =	simm.s32 $0x200;
	s15 =	simm.s32 $0x400;
	vm12 =	vmor vm12, vm13;
	v9 =	vmov v12;
	v20 =	vadd.s32 v20, v21;
	v21, _, _ =	vpop (xrf0)  }
.LBB2_18:
0x352: {  	p0 =	sne.s32 s15, $0xFE00;
	v22 =	vsel vm12, $0x0, v13;
	vm12 =	vle.s32 v20, v3;
	v18 =	vadd.s32 v21, v18;
	[tilespmem:s13+$0x4000] =	vst v19;
	v19, _, _ =	vpop (xrf0)  }
0x353: {  	vm5 =	vmand vm5, vm12;
	vm12 =	vle.s32 v18, v3;
	v16 =	vadd.s32 v19, v16;
	[tilespmem:s13+$0x4010] =	vst v22;
	v13, _, _ =	vpop (xrf0)  }
0x354: {  	vm3 =	vmand vm3, vm12;
	vm12 =	vle.s32 v16, v3;
	v13 =	vadd.s32 v13, v15;
	v15, _, _ =	vpop (xrf0)  }
0x355: {  	vm2 =	vmand vm2, vm12;
	vm12 =	vle.s32 v13, v3;
	v13 =	vadd.s32 v15, v14;
	v14, _, _ =	vpop (xrf0)  }
0x356: {  	s16 =	sshra.s32 s14, $0x2;
	s14 =	smov.u32 s15;
	vm1 =	vmand vm1, vm12;
	vm12 =	vle.s32 v13, v3;
	v13 =	vadd.s32 v14, v17  }
0x357: {  	vm5 =	vmor vm10, vm5;
	v19 =	vld [tilespmem:s16+$0xC000];
	vm0 =	vmand vm0, vm12;
	vm10 =	vle.s32 v13, v3  }
0x358: {  	vm3 =	vmor vm7, vm3;
	vm2 =	vmor vm8, vm2;
	v13 =	vld [tilespmem:s16+$0xC010];
	vm4 =	vmand vm4, vm10  }
0x359: {  	vm1 =	vmor vm6, vm1;
	vm0 =	vmor vm9, vm0;
	v14 =	vld [tilespmem:s16+$0xC020];
	vm4 =	vmor vm11, vm4  }
0x35a: {  	v10 =	vsel vm5, $0x0, v10;
	v15 =	vsel vm3, $0x0, v6;
	v6 =	vld [tilespmem:s16+$0xC030];
	v11 =	vsel vm4, $0x0, v11  }
0x35b: {  	v16 =	vsel vm2, $0x0, v5;
	v17 =	vsel vm1, $0x0, v7;
	v20 =	vsel vm0, $0x0, v8;
	v5 =	vld [tilespmem:s16+$0xC040];
	[tilespmem:s13+$0x4070] =	vst v11  }
0x35c: {  	v7 =	vld [tilespmem:s16+$0xC050];
	vm6 =	veq.s32 v4, v19;
	vm9 =	vgt.s32 v4, v19;
	[tilespmem:s13+$0x4020] =	vst v10  }
0x35d: {  	v8 =	vld [tilespmem:s16+$0xC060];
	vm7 =	veq.s32 v4, v13;
	v22 =	vsel vm6, $0x1, v0;
	v18 =	vmpcnt.ones.xlane vm6;
	[tilespmem:s13+$0x4030] =	vst v15  }
0x35e: {  	v11 =	vld [tilespmem:s16+$0xC070];
	vm5 =	veq.s32 v4, v14;
	v15 =	vsel vm7, $0x1, v0;
	v21 =	vmpcnt.ones.xlane vm7;
	(xrf0) =	vadd.scan.msk.s32 $0xffff, v22;
	v10 =	vmovc v14  }
0x35f: {  	vm3 =	veq.s32 v4, v6;
	v14 =	vmpcnt.ones.xlane vm5;
	v22 =	vadd.s32 v12, v18;
	(xrf0) =	vadd.scan.msk.s32 $0xffff, v15  }
0x360: {  	vm2 =	veq.s32 v4, v5;
	v12 =	vmpcnt.ones.xlane vm3;
	v21 =	vadd.s32 v21, v22;
	[tilespmem:s13+$0x4040] =	vst v16  }
0x361: {  	vm1 =	veq.s32 v4, v7;
	v15 =	vmpcnt.ones.xlane vm2;
	v18 =	vadd.s32 v14, v21;
	[tilespmem:s13+$0x4050] =	vst v17  }
0x362: {  	vm0 =	veq.s32 v4, v8;
	v14 =	vmpcnt.ones.xlane vm1;
	v16 =	vadd.s32 v12, v18;
	[tilespmem:s13+$0x4060] =	vst v20;
	s13 =	smov.u32 s16  }
0x363: {  	vm4 =	veq.s32 v4, v11;
	v12 =	vmpcnt.ones.xlane vm0;
	v15 =	vadd.s32 v15, v16  }
0x364: {  	v20 =	vsel vm5, $0x1, v0;
	v23 =	vmpcnt.ones.xlane vm4;
	v14 =	vadd.s32 v14, v15;
	v24, _, _ =	vpop (xrf0)  }
0x365: {  	v25 =	vsel vm3, $0x1, v0;
	v26 =	vsel vm2, $0x1, v0;
	v17 =	vadd.s32 v12, v14;
	v27, _, _ =	vpop (xrf0);
	(xrf0) =	vadd.scan.msk.s32 $0xffff, v20  }
0x366: {  	v28 =	vsel vm0, $0x1, v0;
	v20 =	vsel vm1, $0x1, v0;
	v12 =	vadd.s32 v23, v17;
	(xrf0) =	vadd.scan.msk.s32 $0xffff, v25  }
0x367: {  	v24 =	vadd.s32 v9, v24;
	v23 =	vsel vm4, $0x1, v0;
	v22 =	vadd.s32 v27, v22;
	(xrf0) =	vadd.scan.msk.s32 $0xffff, v26;
	v9 =	vmovc v12  }
.Ltmp8:
0x368: {  	vm12 =	vgt.s32 v4, v13;
	vm8 =	vle.s32 v24, v3;
	vm10 =	vle.s32 v22, v3;
	(xrf0) =	vadd.scan.msk.s32 $0xffff, v20;
	(pc) =	sbr.rel @p0 .LBB2_18-.Ltmp8, $4  }
0x369: {  	vm11 =	vmand vm6, vm8;
	vm13 =	vmand vm7, vm10;
	vm10 =	vgt.s32 v4, v10;
	(xrf0) =	vadd.scan.msk.s32 $0xffff, v28  }
0x36a: {  	vm8 =	vgt.s32 v4, v5;
	vm6 =	vgt.s32 v4, v7;
	vm7 =	vgt.s32 v4, v6;
	(xrf0) =	vadd.scan.msk.s32 $0xffff, v23  }
0x36b: {  	vm14 =	vmor vm9, vm11;
	vm9 =	vgt.s32 v4, v8;
	vm11 =	vgt.s32 v4, v11;
	v20, _, _ =	vpop (xrf0)  }
0x36c: {  	s15 =	sadd.s32 $0x200, s15;
	v19 =	vsel vm14, $0x0, v19;
	vm12 =	vmor vm12, vm13;
	v20 =	vadd.s32 v20, v21;
	v21, _, _ =	vpop (xrf0)  }
0x36d: {  	v22, _, _ =	vpop (xrf0);
	v13 =	vsel vm12, $0x0, v13;
	vm12 =	vle.s32 v20, v3;
	v18 =	vadd.s32 v21, v18;
	[tilespmem:s13+$0x4000] =	vst v19  }
0x36e: {  	s14 =	sshra.s32 s14, $0x2;
	vm5 =	vmand vm5, vm12;
	vm12 =	vle.s32 v18, v3;
	v16 =	vadd.s32 v22, v16;
	[tilespmem:s13+$0x4010] =	vst v13  }
0x36f: {  	v23, _, _ =	vpop (xrf0);
	vm3 =	vmand vm3, vm12;
	vm12 =	vle.s32 v16, v3;
	v29 =	vld [tilespmem:s14+$0xC000]  }
0x370: {  	v27, _, _ =	vpop (xrf0);
	v15 =	vadd.s32 v23, v15;
	v30 =	vld [tilespmem:s14+$0xC010];
	vm5 =	vmor vm10, vm5;
	vm2 =	vmand vm2, vm12  }
0x371: {  	v31 =	vld [tilespmem:s14+$0xC020];
	v28, _, _ =	vpop (xrf0);
	vm13 =	vle.s32 v15, v3;
	v14 =	vadd.s32 v27, v14;
	vm3 =	vmor vm7, vm3  }
0x372: {  	v33 =	vld [tilespmem:s14+$0xC040];
	v10 =	vsel vm5, $0x0, v10;
	v13 =	vadd.s32 v28, v17;
	vm1 =	vmand vm1, vm13  }
0x373: {  	vm2 =	vmor vm8, vm2;
	v6 =	vsel vm3, $0x0, v6;
	vm12 =	vle.s32 v13, v3  }
0x374: {  	vm1 =	vmor vm6, vm1;
	v5 =	vsel vm2, $0x0, v5;
	vm4 =	vmand vm4, vm12  }
0x375: {  	vm12 =	vle.s32 v14, v3;
	v7 =	vsel vm1, $0x0, v7;
	vm4 =	vmor vm11, vm4  }
0x376: {  	v32 =	vld [tilespmem:s14+$0xC030];
	vm0 =	vmand vm0, vm12;
	vm12 =	veq.s32 v4, v29;
	vm7 =	veq.s32 v4, v30  }
0x377: {  	vm3 =	veq.s32 v4, v31;
	vm2 =	veq.s32 v4, v33;
	vm8 =	vgt.s32 v4, v29  }
0x378: {  	vm11 =	vgt.s32 v4, v30;
	vm5 =	vgt.s32 v4, v33;
	v11 =	vsel vm4, $0x0, v11  }
0x379: {  	vm0 =	vmor vm9, vm0;
	v34 =	vsel vm12, $0x1, v0;
	v35 =	vmpcnt.ones.xlane vm12;
	[tilespmem:s13+$0x4070] =	vst v11  }
0x37a: {  	v36 =	vsel vm7, $0x1, v0;
	v38 =	vmpcnt.ones.xlane vm7;
	(xrf0) =	vadd.scan.msk.s32 $0xffff, v34;
	v11 =	vld [tilespmem:s14+$0xC050];
	[tilespmem:s13+$0x4020] =	vst v10  }
0x37b: {  	vm4 =	veq.s32 v4, v32;
	v39 =	vmpcnt.ones.xlane vm3;
	(xrf0) =	vadd.scan.msk.s32 $0xffff, v36;
	v10 =	vld [tilespmem:s14+$0xC060];
	[tilespmem:s13+$0x4030] =	vst v6  }
0x37c: {  	v41 =	vsel vm3, $0x1, v0;
	v42 =	vmpcnt.ones.xlane vm2;
	v12 =	vadd.s32 v12, v35;
	v37 =	vld [tilespmem:s14+$0xC070]  }
0x37d: {  	v24 =	vsel vm2, $0x1, v0;
	v40 =	vmpcnt.ones.xlane vm4;
	v19 =	vadd.s32 v38, v12;
	(xrf0) =	vadd.scan.msk.s32 $0xffff, v41  }
0x37e: {  	vm9 =	vgt.s32 v4, v32;
	v8 =	vsel vm0, $0x0, v8;
	v18 =	vadd.s32 v39, v19  }
0x37f: {  	v43 =	vsel vm4, $0x1, v0;
	v6 =	vadd.s32 v40, v18;
	vm1 =	veq.s32 v4, v11  }
0x380: {  	(xrf0) =	vadd.scan.msk.s32 $0xffff, v43;
	v22 =	vadd.s32 v42, v6;
	v25, _, _ =	vpop (xrf0);
	vm0 =	veq.s32 v4, v10;
	v44 =	vmpcnt.ones.xlane vm1  }
0x381: {  	v45 =	vsel vm1, $0x1, v0;
	v47, _, _ =	vpop (xrf0);
	v9 =	vadd.s32 v9, v25;
	vm6 =	veq.s32 v4, v37  }
0x382: {  	(xrf0) =	vadd.scan.msk.s32 $0xffff, v24;
	v46 =	vmpcnt.ones.xlane vm0;
	v26 =	vsel vm0, $0x1, v0;
	v12 =	vadd.s32 v47, v12  }
0x383: {  	(xrf0) =	vadd.scan.msk.s32 $0xffff, v45;
	vm13 =	vle.s32 v9, v3;
	v49, _, _ =	vpop (xrf0);
	v21 =	vadd.s32 v44, v22;
	v48 =	vsel vm6, $0x1, v0  }
0x384: {  	(xrf0) =	vadd.scan.msk.s32 $0xffff, v26;
	vm10 =	vle.s32 v12, v3;
	vm12 =	vmand vm12, vm13;
	v9 =	vadd.s32 v49, v19  }
0x385: {  	v24 =	vadd.s32 v46, v21;
	(xrf0) =	vadd.scan.msk.s32 $0xffff, v48;
	vm13 =	vmand vm7, vm10;
	vm10 =	vgt.s32 v4, v31  }
0x386: {  	v50, _, _ =	vpop (xrf0);
	vm14 =	vmor vm8, vm12;
	vm7 =	vgt.s32 v4, v11;
	vm8 =	vgt.s32 v4, v10  }
0x387: {  	vm12 =	vle.s32 v9, v3;
	v54 =	vadd.s32 v50, v18;
	v16 =	vsel vm14, $0x0, v29  }
0x388: {  	v51, _, _ =	vpop (xrf0);
	vm11 =	vmor vm11, vm13;
	vm3 =	vmand vm3, vm12;
	vm12 =	vle.s32 v54, v3  }
0x389: {  	[tilespmem:s13+$0x4040] =	vst v5;
	v57 =	vadd.s32 v51, v6;
	v13 =	vsel vm11, $0x0, v30;
	vm11 =	vgt.s32 v4, v37;
	v52, _, _ =	vpop (xrf0)  }
0x38a: {  	[tilespmem:s13+$0x4050] =	vst v7;
	vm4 =	vmand vm4, vm12;
	vm13 =	vle.s32 v57, v3;
	vm3 =	vmor vm10, vm3;
	v53, _, _ =	vpop (xrf0)  }
0x38b: {  	[tilespmem:s13+$0x4060] =	vst v8;
	vm2 =	vmand vm2, vm13;
	vm4 =	vmor vm9, vm4;
	v61 =	vsel vm3, $0x0, v31;
	v55, _, _ =	vpop (xrf0)  }
0x38c: {  	[tilespmem:s14+$0x4000] =	vst v16;
	vm2 =	vmor vm5, vm2;
	v59 =	vadd.s32 v53, v21;
	v56 =	vadd.s32 v55, v24  }
0x38d: {  	[tilespmem:s14+$0x4010] =	vst v13;
	v58 =	vadd.s32 v52, v22;
	vm15 =	vle.s32 v59, v3;
	vm12 =	vle.s32 v56, v3  }
0x38e: {  	[tilespmem:s14+$0x4020] =	vst v61;
	v62 =	vsel vm2, $0x0, v33;
	vm0 =	vmand vm0, vm15;
	vm6 =	vmand vm6, vm12  }
0x38f: {  	[tilespmem:s14+$0x4040] =	vst v62;
	vm12 =	vle.s32 v58, v3;
	v3 =	vsel vm4, $0x0, v32;
	vm0 =	vmor vm8, vm0  }
0x390: {  	vm6 =	vmor vm11, vm6;
	vm1 =	vmand vm1, vm12;
	[tilespmem:s14+$0x4030] =	vst v3;
	v63 =	vsel vm0, $0x0, v10  }
0x391: {  	v60 =	vsel vm6, $0x0, v37;
	vm1 =	vmor vm7, vm1;
	[tilespmem:s14+$0x4060] =	vst v63  }
0x392: {  	[tilespmem:s14+$0x4070] =	vst v60;
	v3 =	vsel vm1, $0x0, v11  }
0x393: {  	s12 =	sadd.s32 $0x1, s12;
	[tilespmem:s14+$0x4050] =	vst v3  }
0x394: {  	[hbm4b:s5+s7] =	stream.strided.scatter [tilespmem:s11], [sflag:$0x1], $0x4000, s8, s7, $0x38;
	[tilespmem:$0x14080] =	vst v63  }
0x395: {  	p0 =	sne.s32 s12, s6;
	_ =	swait.ge [sflag:s9], $0x4000  }
.Ltmp9:
0x396: {  	[sflag:s9] =	ssyncset.done $0x0;
	(pc) =	sbr.rel @p0 .LBB2_1-.Ltmp9, $4  }
0x397: {  	[sflag:s9] =	ssyncadd.s32 $0xFFFFC000  }
0x398: {  	_ =	swait.ge [sflag:s9], $0x4000  }
0x399: {  	[sflag:s9] =	ssyncset.done $0x0  }
0x39a: {  	[sflag:s9] =	ssyncadd.s32 $0xFFFFC000  }
0x39b: {  	_ =	sfence.sel $0x180000  }
0x39c: {  	[bflag:$0x0] =	sbarrier.arrive $0xFFFF  }
0x39d: {  	p0 =	sne.s32 s1, $0x0;
	_ =	strace $0x90000047  }
0x39e: {  	s0 =	sadd.s32 @!p0 $0x100000, s0;
	[bflag:$0x2] =	sbarrier.arrive $0xFFFF  }
0x39f: {  	[sflag:s0] =	ssyncadd.tile.s32 @!p0 $0x1;
	_ =	shalt  }
.Lfunc_end2:
_tile_overlayer_lowered:
.L_overlay_start_2:
0x3a0: {  	(tag) =	ssettag $0x2  }
0x3a1: {  	s0 =	rddreg [dreg:$0x0];
	s2 =	stileid.u32  }
0x3a2: {  	s1 =	rddreg [dreg:$0x1];
	p0 =	sne.s32 s2, $0x0  }
0x3a3: {  	s3 =	rddreg [dreg:$0x2];
	[bflag:$0x3] =	sbarrier.arrive $0xFFFF;
	s2 =	simm.s32 @!p0 $0x1C02  }
0x3a4: {  	[timem:s3], [sflag:s2] =	dma.local @!p0 [hbm:s0], s1  }
0x3a5: {  	s0 =	simm.s32 @!p0 $0x2  }
0x3a6: {  	_ =	swait.ge @!p0 [sflag:s0], s1  }
0x3a7: {  	s1 =	ssub.s32 @!p0 $0x0, s1;
	[sflag:s0] =	ssyncset.done @!p0 $0x0  }
0x3a8: {  	[sflag:s0] =	ssyncadd.s32 @!p0 s1  }
0x3a9: {  	[bflag:$0x3] =	sbarrier.arrive $0xFFFF  }
0x3aa: {  	_ =	shalt  }

</sc_bundles>
